<compile_context>
chip_gen: v7x
topology: tpu7x:2x2x1
jax: 0.10.2.dev20260603
libtpu: 0.0.44.dev20260713+nightly
codegen_flags: <defaults>
</compile_context>

<pallas_src>
import functools

import jax
import jax.numpy as jnp
from jax import lax
from jax.experimental import pallas as pl
from jax.experimental.pallas import tpu as pltpu
from jax.experimental.pallas import tpu_sc as plsc

F32 = jnp.float32
I32 = jnp.int32

BATCH = 4
NPRED = 4096
NGT = 1024
FH, FW = 222, 124
BINS = FH * FW
NSUB = 16
BINS_PAD = 27648
SLICE = BINS_PAD // NSUB
NVEC = SLICE // 16
PCH = BATCH * NPRED // NSUB // 128
GCH = BATCH * NGT // NSUB // 128


def _frame_idx(yv, zv):
    dy = yv - jnp.min(yv)
    dz = zv - jnp.min(zv)
    iy = jnp.round(dy / jnp.max(dy) * (FH - 1.0)).astype(I32)
    iz = jnp.round(dz / jnp.max(dz) * (FW - 1.0)).astype(I32)
    return iy * FW + iz


def _idx_body(py_ref, pz_ref, gy_ref, gz_ref, idxp_ref, idxg_ref):
    idxp_ref[...] = _frame_idx(py_ref[...], pz_ref[...])
    idxg_ref[...] = _frame_idx(gy_ref[...], gz_ref[...])


_idx_call = pl.pallas_call(
    _idx_body,
    out_shape=[
        jax.ShapeDtypeStruct((NSUB * PCH, 128), I32),
        jax.ShapeDtypeStruct((NSUB * GCH, 128), I32),
    ],
    in_specs=[pl.BlockSpec(memory_space=pltpu.VMEM)] * 4,
)


def _chamfer_body(gt_ref, gt2bf_ref, ptbf_ref, px_ref, py_ref, pz_ref,
                  r_ref, cd_ref):
    cd = jnp.float32(0.0)
    for b in range(BATCH):
        a = gt_ref[b]
        ax = a[:, 0:1]
        ay = a[:, 1:2]
        az = a[:, 2:3]
        a2 = ax * ax + ay * ay + az * az
        a2bf = gt2bf_ref[b]
        bT = ptbf_ref[b]
        run_min = None
        bac = jnp.float32(0.0)
        for j in range(NPRED // 1024):
            sl = slice(j * 1024, (j + 1) * 1024)
            bx = px_ref[b:b + 1, sl]
            by = py_ref[b:b + 1, sl]
            bz = pz_ref[b:b + 1, sl]
            b2 = bx * bx + by * by + bz * bz
            ab2 = jax.lax.dot_general(
                a2bf, bT[:, sl], (((1,), (0,)), ((), ())),
                preferred_element_type=F32)
            d = (a2 + b2) - ab2
            mf = jnp.min(d, axis=1, keepdims=True)
            run_min = mf if j == 0 else jnp.minimum(run_min, mf)
            mb = jnp.min(d, axis=0, keepdims=True)
            bac = bac + jnp.sum(jnp.maximum(mb, 0.0))
        cf = jnp.sum(jnp.maximum(run_min, 0.0)) * (1.0 / NGT)
        cb = bac * (1.0 / NPRED)
        cd = cd + (0.8 * cf + 0.2 * cb) / r_ref[0, b]
    cd = cd * (100.0 / BATCH)
    cd_ref[...] = jnp.full((8, 128), cd, F32)


_chamfer_call = pl.pallas_call(
    _chamfer_body,
    out_shape=jax.ShapeDtypeStruct((8, 128), F32),
    in_specs=[pl.BlockSpec(memory_space=pltpu.VMEM)] * 6
    + [pl.BlockSpec(memory_space=pltpu.SMEM)],
)


@functools.cache
def _build_sc_hist():
    return functools.partial(
        pl.kernel,
        mesh=plsc.VectorSubcoreMesh(core_axis_name="c", subcore_axis_name="s"),
        out_type=jax.ShapeDtypeStruct((16,), F32),
        scratch_types=[
            pltpu.VMEM((PCH, 128), I32),
            pltpu.VMEM((GCH, 128), I32),
            pltpu.VMEM((128,), F32),
            pltpu.VMEM((128,), F32),
            pltpu.VMEM((SLICE,), F32),
            pltpu.VMEM((256,), F32),
            pltpu.VMEM((16,), F32),
            pltpu.VMEM_SHARED((BINS_PAD,), F32),
            pltpu.VMEM_SHARED((256,), F32),
        ],
    )(_sc_hist_body)


def _sc_hist_body(idxp_hbm, idxg_hbm, out_hbm,
                  idxp_v, idxg_v, ones_v, negs_v, hist_v, part_v, vec_v,
                  hist_sh, part_sh):
    cid = lax.axis_index("c")
    sid = lax.axis_index("s")

    @pl.when(cid == 0)
    def _():
        zero16 = jnp.zeros((16,), F32)
        one16 = jnp.full((16,), 1.0, F32)
        neg16 = jnp.full((16,), -1.0, F32)
        for i in range(8):
            ones_v[pl.ds(i * 16, 16)] = one16
            negs_v[pl.ds(i * 16, 16)] = neg16
        for i in range(NVEC):
            hist_v[pl.ds(i * 16, 16)] = zero16
        pltpu.sync_copy(hist_v, hist_sh.at[pl.ds(sid * SLICE, SLICE)])
        plsc.subcore_barrier()

        pltpu.sync_copy(idxp_hbm.at[pl.ds(sid * PCH, PCH)], idxp_v)
        pltpu.sync_copy(idxg_hbm.at[pl.ds(sid * GCH, GCH)], idxg_v)
        for j in range(PCH):
            pltpu.sync_copy(ones_v, hist_sh.at[idxp_v.at[j]], add=True)
        for j in range(GCH):
            pltpu.sync_copy(negs_v, hist_sh.at[idxg_v.at[j]], add=True)
        plsc.subcore_barrier()

        pltpu.sync_copy(hist_sh.at[pl.ds(sid * SLICE, SLICE)], hist_v)
        acc = jnp.zeros((16,), F32)
        for i in range(NVEC):
            v = hist_v[pl.ds(i * 16, 16)]
            acc = acc + v * v
        vec_v[...] = acc
        pltpu.sync_copy(vec_v, part_sh.at[pl.ds(sid * 16, 16)])
        plsc.subcore_barrier()

        @pl.when(sid == 0)
        def _():
            pltpu.sync_copy(part_sh, part_v)
            t = jnp.zeros((16,), F32)
            for j in range(16):
                t = t + part_v[pl.ds(j * 16, 16)]
            s = jnp.float32(0.0)
            for j in range(16):
                s = s + t[j]
            vec_v[...] = jnp.full((16,), s * (1.0 / BINS), F32)
            pltpu.sync_copy(vec_v, out_hbm)


def kernel(pred, gt, pcd_radius):
    pred = pred.astype(F32)
    gt = gt.astype(F32)
    px = pred[:, :, 0]
    py = pred[:, :, 1]
    pz = pred[:, :, 2]
    py2 = py.reshape(NSUB * PCH, 128)
    pz2 = pz.reshape(NSUB * PCH, 128)
    gy2 = gt[:, :, 1].reshape(NSUB * GCH, 128)
    gz2 = gt[:, :, 2].reshape(NSUB * GCH, 128)
    gt2bf = (gt * 2.0).astype(jnp.bfloat16)
    ptbf = jnp.transpose(pred, (0, 2, 1)).astype(jnp.bfloat16)
    r = pcd_radius.astype(F32).reshape(1, BATCH)

    idxp, idxg = _idx_call(py2, pz2, gy2, gz2)
    cd8 = _chamfer_call(gt, gt2bf, ptbf, px, py, pz, r)
    fr16 = _build_sc_hist()(idxp, idxg)
    return cd8[0, 0] + fr16[0]

# --- scband reference (transcript-rebuilt; emitter-appended) ---
"""Pipeline reference for scband-upsample-loss-63539746177641 (READ-ONLY COPY).

The authoritative reference and input builder live on the scoring server;
editing this copy changes nothing except your own understanding.
"""

import jax, jax.numpy as jnp
import numpy as np

BETA = 1.0
FRAME_SIZE = (222, 124)


def setup_inputs(seed: int = 0) -> dict:
    key = jax.random.key(seed)
    k1, k2 = jax.random.split(key)
    pred = jax.random.normal(k1, (4, 4096, 3), dtype=jnp.float32)
    gt = jax.random.normal(k2, (4, 1024, 3), dtype=jnp.float32)
    pcd_radius = jnp.ones((4,), dtype=jnp.float32)
    return {"pred": pred, "gt": gt, "pcd_radius": pcd_radius}


def _chamfer(a, b):
    # a: [B, N, 3], b: [B, M, 3]
    # pairwise squared distances via |a|^2 + |b|^2 - 2 a.b^T
    a2 = jnp.sum(a * a, axis=-1)  # [B, N]
    b2 = jnp.sum(b * b, axis=-1)  # [B, M]
    ab = jnp.einsum('bnd,bmd->bnm', a, b)  # [B, N, M]
    d = a2[:, :, None] + b2[:, None, :] - 2.0 * ab  # [B, N, M]
    d = jnp.maximum(d, 0.0)
    cost_for = jnp.mean(jnp.min(d, axis=2), axis=1)  # [B] a -> b
    cost_bac = jnp.mean(jnp.min(d, axis=1), axis=1)  # [B] b -> a
    return cost_for, cost_bac


def _frame(points):
    xy = jnp.reshape(points[..., 1:3], (-1, 2))
    xy = xy - jnp.min(xy, axis=0, keepdims=True)
    xy = xy / jnp.max(xy, axis=0, keepdims=True)
    # int cast detaches gradient in torch; mirror with stop_gradient
    scale = jnp.array(FRAME_SIZE, dtype=jnp.float32) - 1.0
    idx = jnp.round(jax.lax.stop_gradient(xy) * scale).astype(jnp.int32)
    frame = jnp.zeros(FRAME_SIZE, dtype=jnp.float32).at[idx[:, 0], idx[:, 1]].add(1.0)
    return frame


def reference(pred, gt, pcd_radius):
    # cd loss: chamfer(gt, pred); cost_for is gt->pred, cost_bac is pred->gt
    cost_for, cost_bac = _chamfer(gt.astype(jnp.float32), pred.astype(jnp.float32))
    cost = 0.8 * cost_for + 0.2 * cost_bac
    cost = cost / pcd_radius
    cd_loss = jnp.mean(cost) * 100.0
    # frame loss (frame_mode == 1)
    pred_frame = _frame(pred)
    gt_frame = _frame(gt)
    frame_loss = jnp.mean((pred_frame - gt_frame) ** 2)
    return cd_loss + BETA * frame_loss

if __name__ == "__main__":
    import jax
    _d = setup_inputs()
    print(jax.jit(kernel)(*tuple(_d.values())))

</pallas_src>

<mosaic_0001>
#map = affine_map<(d0, d1) -> (0, 0)>
#map1 = affine_map<(d0, d1) -> (0)>
module attributes {stable_mosaic.version = 14 : i64} {
  func.func @_sc_hist_body(%arg0: i32, %arg1: i32, %arg2: memref<128x128xi32, #tpu.memory_space<hbm>>, %arg3: memref<32x128xi32, #tpu.memory_space<hbm>>, %arg4: memref<16xf32, #tpu.memory_space<hbm>>, %arg5: memref<8x128xi32, #tpu.memory_space<vmem>>, %arg6: memref<2x128xi32, #tpu.memory_space<vmem>>, %arg7: memref<128xf32, #tpu.memory_space<vmem>>, %arg8: memref<128xf32, #tpu.memory_space<vmem>>, %arg9: memref<1728xf32, #tpu.memory_space<vmem>>, %arg10: memref<256xf32, #tpu.memory_space<vmem>>, %arg11: memref<16xf32, #tpu.memory_space<vmem>>, %arg12: memref<27648xf32, #tpu.memory_space<vmem_shared>>, %arg13: memref<256xf32, #tpu.memory_space<vmem_shared>>) attributes {dimension_semantics = [#tpu.dimension_semantics<core_parallel>, #tpu.dimension_semantics<subcore_parallel>], iteration_bounds = array<i64: 2, 16>, scalar_prefetch = 0 : i64, scratch_operands = 9 : i64, tpu.core_type = #tpu.core_type<sc_vector_subcore>, window_params = [{transform_indices = #map}, {transform_indices = #map}, {transform_indices = #map1}]} {
    %eq3A = arith.constant 0 : i32
    %eq3A_0 = arith.cmpi eq, %arg0, %eq3A : i32
    %convert_element_type3A = arith.extui %eq3A_0 : i1 to i32
    %cond3A = arith.constant 0 : i32
    %cond3A_1 = arith.cmpi ne, %convert_element_type3A, %cond3A : i32
    scf.if %cond3A_1 {
      %broadcast_in_dim3A = arith.constant 0.000000e+00 : f32
      %broadcast_in_dim3A_2 = vector.broadcast %broadcast_in_dim3A : f32 to vector<16xf32>
      %broadcast_in_dim3A_3 = arith.constant 1.000000e+00 : f32
      %broadcast_in_dim3A_4 = vector.broadcast %broadcast_in_dim3A_3 : f32 to vector<16xf32>
      %broadcast_in_dim3A_5 = arith.constant -1.000000e+00 : f32
      %broadcast_in_dim3A_6 = vector.broadcast %broadcast_in_dim3A_5 : f32 to vector<16xf32>
      %swap3A = arith.constant 0 : index
      %swap3A_7 = tpu.vector_load %arg7[%swap3A] {strides = array<i32>} : memref<128xf32, #tpu.memory_space<vmem>>, vector<16xf32>,
      %swap3A_8 = vector.shape_cast %swap3A_7 : vector<16xf32> to vector<16xf32>
      %swap3A_9 = vector.shape_cast %broadcast_in_dim3A_4 : vector<16xf32> to vector<16xf32>
      tpu.vector_store %arg7[%swap3A], %swap3A_9 {strides = array<i32>} : memref<128xf32, #tpu.memory_space<vmem>>, vector<16xf32>,
      %swap3A_10 = arith.constant 0 : index
      %swap3A_11 = tpu.vector_load %arg8[%swap3A_10] {strides = array<i32>} : memref<128xf32, #tpu.memory_space<vmem>>, vector<16xf32>,
      %swap3A_12 = vector.shape_cast %swap3A_11 : vector<16xf32> to vector<16xf32>
      %swap3A_13 = vector.shape_cast %broadcast_in_dim3A_6 : vector<16xf32> to vector<16xf32>
      tpu.vector_store %arg8[%swap3A_10], %swap3A_13 {strides = array<i32>} : memref<128xf32, #tpu.memory_space<vmem>>, vector<16xf32>,
      %swap3A_14 = arith.constant 16 : index
      %swap3A_15 = tpu.vector_load %arg7[%swap3A_14] {strides = array<i32>} : memref<128xf32, #tpu.memory_space<vmem>>, vector<16xf32>,
      %swap3A_16 = vector.shape_cast %swap3A_15 : vector<16xf32> to vector<16xf32>
      %swap3A_17 = vector.shape_cast %broadcast_in_dim3A_4 : vector<16xf32> to vector<16xf32>
      tpu.vector_store %arg7[%swap3A_14], %swap3A_17 {strides = array<i32>} : memref<128xf32, #tpu.memory_space<vmem>>, vector<16xf32>,
      %swap3A_18 = arith.constant 16 : index
      %swap3A_19 = tpu.vector_load %arg8[%swap3A_18] {strides = array<i32>} : memref<128xf32, #tpu.memory_space<vmem>>, vector<16xf32>,
      %swap3A_20 = vector.shape_cast %swap3A_19 : vector<16xf32> to vector<16xf32>
      %swap3A_21 = vector.shape_cast %broadcast_in_dim3A_6 : vector<16xf32> to vector<16xf32>
      tpu.vector_store %arg8[%swap3A_18], %swap3A_21 {strides = array<i32>} : memref<128xf32, #tpu.memory_space<vmem>>, vector<16xf32>,
      %swap3A_22 = arith.constant 32 : index
      %swap3A_23 = tpu.vector_load %arg7[%swap3A_22] {strides = array<i32>} : memref<128xf32, #tpu.memory_space<vmem>>, vector<16xf32>,
      %swap3A_24 = vector.shape_cast %swap3A_23 : vector<16xf32> to vector<16xf32>
      %swap3A_25 = vector.shape_cast %broadcast_in_dim3A_4 : vector<16xf32> to vector<16xf32>
      tpu.vector_store %arg7[%swap3A_22], %swap3A_25 {strides = array<i32>} : memref<128xf32, #tpu.memory_space<vmem>>, vector<16xf32>,
      %swap3A_26 = arith.constant 32 : index
      %swap3A_27 = tpu.vector_load %arg8[%swap3A_26] {strides = array<i32>} : memref<128xf32, #tpu.memory_space<vmem>>, vector<16xf32>,
      %swap3A_28 = vector.shape_cast %swap3A_27 : vector<16xf32> to vector<16xf32>
      %swap3A_29 = vector.shape_cast %broadcast_in_dim3A_6 : vector<16xf32> to vector<16xf32>
      tpu.vector_store %arg8[%swap3A_26], %swap3A_29 {strides = array<i32>} : memref<128xf32, #tpu.memory_space<vmem>>, vector<16xf32>,
      %swap3A_30 = arith.constant 48 : index
      %swap3A_31 = tpu.vector_load %arg7[%swap3A_30] {strides = array<i32>} : memref<128xf32, #tpu.memory_space<vmem>>, vector<16xf32>,
      %swap3A_32 = vector.shape_cast %swap3A_31 : vector<16xf32> to vector<16xf32>
      %swap3A_33 = vector.shape_cast %broadcast_in_dim3A_4 : vector<16xf32> to vector<16xf32>
      tpu.vector_store %arg7[%swap3A_30], %swap3A_33 {strides = array<i32>} : memref<128xf32, #tpu.memory_space<vmem>>, vector<16xf32>,
      %swap3A_34 = arith.constant 48 : index
      %swap3A_35 = tpu.vector_load %arg8[%swap3A_34] {strides = array<i32>} : memref<128xf32, #tpu.memory_space<vmem>>, vector<16xf32>,
      %swap3A_36 = vector.shape_cast %swap3A_35 : vector<16xf32> to vector<16xf32>
      %swap3A_37 = vector.shape_cast %broadcast_in_dim3A_6 : vector<16xf32> to vector<16xf32>
      tpu.vector_store %arg8[%swap3A_34], %swap3A_37 {strides = array<i32>} : memref<128xf32, #tpu.memory_space<vmem>>, vector<16xf32>,
      %swap3A_38 = arith.constant 64 : index
      %swap3A_39 = tpu.vector_load %arg7[%swap3A_38] {strides = array<i32>} : memref<128xf32, #tpu.memory_space<vmem>>, vector<16xf32>,
      %swap3A_40 = vector.shape_cast %swap3A_39 : vector<16xf32> to vector<16xf32>
      %swap3A_41 = vector.shape_cast %broadcast_in_dim3A_4 : vector<16xf32> to vector<16xf32>
      tpu.vector_store %arg7[%swap3A_38], %swap3A_41 {strides = array<i32>} : memref<128xf32, #tpu.memory_space<vmem>>, vector<16xf32>,
      %swap3A_42 = arith.constant 64 : index
      %swap3A_43 = tpu.vector_load %arg8[%swap3A_42] {strides = array<i32>} : memref<128xf32, #tpu.memory_space<vmem>>, vector<16xf32>,
      %swap3A_44 = vector.shape_cast %swap3A_43 : vector<16xf32> to vector<16xf32>
      %swap3A_45 = vector.shape_cast %broadcast_in_dim3A_6 : vector<16xf32> to vector<16xf32>
      tpu.vector_store %arg8[%swap3A_42], %swap3A_45 {strides = array<i32>} : memref<128xf32, #tpu.memory_space<vmem>>, vector<16xf32>,
      %swap3A_46 = arith.constant 80 : index
      %swap3A_47 = tpu.vector_load %arg7[%swap3A_46] {strides = array<i32>} : memref<128xf32, #tpu.memory_space<vmem>>, vector<16xf32>,
      %swap3A_48 = vector.shape_cast %swap3A_47 : vector<16xf32> to vector<16xf32>
      %swap3A_49 = vector.shape_cast %broadcast_in_dim3A_4 : vector<16xf32> to vector<16xf32>
      tpu.vector_store %arg7[%swap3A_46], %swap3A_49 {strides = array<i32>} : memref<128xf32, #tpu.memory_space<vmem>>, vector<16xf32>,
      %swap3A_50 = arith.constant 80 : index
      %swap3A_51 = tpu.vector_load %arg8[%swap3A_50] {strides = array<i32>} : memref<128xf32, #tpu.memory_space<vmem>>, vector<16xf32>,
      %swap3A_52 = vector.shape_cast %swap3A_51 : vector<16xf32> to vector<16xf32>
      %swap3A_53 = vector.shape_cast %broadcast_in_dim3A_6 : vector<16xf32> to vector<16xf32>
      tpu.vector_store %arg8[%swap3A_50], %swap3A_53 {strides = array<i32>} : memref<128xf32, #tpu.memory_space<vmem>>, vector<16xf32>,
      %swap3A_54 = arith.constant 96 : index
      %swap3A_55 = tpu.vector_load %arg7[%swap3A_54] {strides = array<i32>} : memref<128xf32, #tpu.memory_space<vmem>>, vector<16xf32>,
      %swap3A_56 = vector.shape_cast %swap3A_55 : vector<16xf32> to vector<16xf32>
      %swap3A_57 = vector.shape_cast %broadcast_in_dim3A_4 : vector<16xf32> to vector<16xf32>
      tpu.vector_store %arg7[%swap3A_54], %swap3A_57 {strides = array<i32>} : memref<128xf32, #tpu.memory_space<vmem>>, vector<16xf32>,
      %swap3A_58 = arith.constant 96 : index
      %swap3A_59 = tpu.vector_load %arg8[%swap3A_58] {strides = array<i32>} : memref<128xf32, #tpu.memory_space<vmem>>, vector<16xf32>,
      %swap3A_60 = vector.shape_cast %swap3A_59 : vector<16xf32> to vector<16xf32>
      %swap3A_61 = vector.shape_cast %broadcast_in_dim3A_6 : vector<16xf32> to vector<16xf32>
      tpu.vector_store %arg8[%swap3A_58], %swap3A_61 {strides = array<i32>} : memref<128xf32, #tpu.memory_space<vmem>>, vector<16xf32>,
      %swap3A_62 = arith.constant 112 : index
      %swap3A_63 = tpu.vector_load %arg7[%swap3A_62] {strides = array<i32>} : memref<128xf32, #tpu.memory_space<vmem>>, vector<16xf32>,
      %swap3A_64 = vector.shape_cast %swap3A_63 : vector<16xf32> to vector<16xf32>
      %swap3A_65 = vector.shape_cast %broadcast_in_dim3A_4 : vector<16xf32> to vector<16xf32>
      tpu.vector_store %arg7[%swap3A_62], %swap3A_65 {strides = array<i32>} : memref<128xf32, #tpu.memory_space<vmem>>, vector<16xf32>,
      %swap3A_66 = arith.constant 112 : index
      %swap3A_67 = tpu.vector_load %arg8[%swap3A_66] {strides = array<i32>} : memref<128xf32, #tpu.memory_space<vmem>>, vector<16xf32>,
      %swap3A_68 = vector.shape_cast %swap3A_67 : vector<16xf32> to vector<16xf32>
      %swap3A_69 = vector.shape_cast %broadcast_in_dim3A_6 : vector<16xf32> to vector<16xf32>
      tpu.vector_store %arg8[%swap3A_66], %swap3A_69 {strides = array<i32>} : memref<128xf32, #tpu.memory_space<vmem>>, vector<16xf32>,
      %swap3A_70 = arith.constant 0 : index
      %swap3A_71 = tpu.vector_load %arg9[%swap3A_70] {strides = array<i32>} : memref<1728xf32, #tpu.memory_space<vmem>>, vector<16xf32>,
      %swap3A_72 = vector.shape_cast %swap3A_71 : vector<16xf32> to vector<16xf32>
      %swap3A_73 = vector.shape_cast %broadcast_in_dim3A_2 : vector<16xf32> to vector<16xf32>
      tpu.vector_store %arg9[%swap3A_70], %swap3A_73 {strides = array<i32>} : memref<1728xf32, #tpu.memory_space<vmem>>, vector<16xf32>,
      %swap3A_74 = arith.constant 16 : index
      %swap3A_75 = tpu.vector_load %arg9[%swap3A_74] {strides = array<i32>} : memref<1728xf32, #tpu.memory_space<vmem>>, vector<16xf32>,
      %swap3A_76 = vector.shape_cast %swap3A_75 : vector<16xf32> to vector<16xf32>
      %swap3A_77 = vector.shape_cast %broadcast_in_dim3A_2 : vector<16xf32> to vector<16xf32>
      tpu.vector_store %arg9[%swap3A_74], %swap3A_77 {strides = array<i32>} : memref<1728xf32, #tpu.memory_space<vmem>>, vector<16xf32>,
      %swap3A_78 = arith.constant 32 : index
      %swap3A_79 = tpu.vector_load %arg9[%swap3A_78] {strides = array<i32>} : memref<1728xf32, #tpu.memory_space<vmem>>, vector<16xf32>,
      %swap3A_80 = vector.shape_cast %swap3A_79 : vector<16xf32> to vector<16xf32>
      %swap3A_81 = vector.shape_cast %broadcast_in_dim3A_2 : vector<16xf32> to vector<16xf32>
      tpu.vector_store %arg9[%swap3A_78], %swap3A_81 {strides = array<i32>} : memref<1728xf32, #tpu.memory_space<vmem>>, vector<16xf32>,
      %swap3A_82 = arith.constant 48 : index
      %swap3A_83 = tpu.vector_load %arg9[%swap3A_82] {strides = array<i32>} : memref<1728xf32, #tpu.memory_space<vmem>>, vector<16xf32>,
      %swap3A_84 = vector.shape_cast %swap3A_83 : vector<16xf32> to vector<16xf32>
      %swap3A_85 = vector.shape_cast %broadcast_in_dim3A_2 : vector<16xf32> to vector<16xf32>
      tpu.vector_store %arg9[%swap3A_82], %swap3A_85 {strides = array<i32>} : memref<1728xf32, #tpu.memory_space<vmem>>, vector<16xf32>,
      %swap3A_86 = arith.constant 64 : index
      %swap3A_87 = tpu.vector_load %arg9[%swap3A_86] {strides = array<i32>} : memref<1728xf32, #tpu.memory_space<vmem>>, vector<16xf32>,
      %swap3A_88 = vector.shape_cast %swap3A_87 : vector<16xf32> to vector<16xf32>
      %swap3A_89 = vector.shape_cast %broadcast_in_dim3A_2 : vector<16xf32> to vector<16xf32>
      tpu.vector_store %arg9[%swap3A_86], %swap3A_89 {strides = array<i32>} : memref<1728xf32, #tpu.memory_space<vmem>>, vector<16xf32>,
      %swap3A_90 = arith.constant 80 : index
      %swap3A_91 = tpu.vector_load %arg9[%swap3A_90] {strides = array<i32>} : memref<1728xf32, #tpu.memory_space<vmem>>, vector<16xf32>,
      %swap3A_92 = vector.shape_cast %swap3A_91 : vector<16xf32> to vector<16xf32>
      %swap3A_93 = vector.shape_cast %broadcast_in_dim3A_2 : vector<16xf32> to vector<16xf32>
      tpu.vector_store %arg9[%swap3A_90], %swap3A_93 {strides = array<i32>} : memref<1728xf32, #tpu.memory_space<vmem>>, vector<16xf32>,
      %swap3A_94 = arith.constant 96 : index
      %swap3A_95 = tpu.vector_load %arg9[%swap3A_94] {strides = array<i32>} : memref<1728xf32, #tpu.memory_space<vmem>>, vector<16xf32>,
      %swap3A_96 = vector.shape_cast %swap3A_95 : vector<16xf32> to vector<16xf32>
      %swap3A_97 = vector.shape_cast %broadcast_in_dim3A_2 : vector<16xf32> to vector<16xf32>
      tpu.vector_store %arg9[%swap3A_94], %swap3A_97 {strides = array<i32>} : memref<1728xf32, #tpu.memory_space<vmem>>, vector<16xf32>,
      %swap3A_98 = arith.constant 112 : index
      %swap3A_99 = tpu.vector_load %arg9[%swap3A_98] {strides = array<i32>} : memref<1728xf32, #tpu.memory_space<vmem>>, vector<16xf32>,
      %swap3A_100 = vector.shape_cast %swap3A_99 : vector<16xf32> to vector<16xf32>
      %swap3A_101 = vector.shape_cast %broadcast_in_dim3A_2 : vector<16xf32> to vector<16xf32>
      tpu.vector_store %arg9[%swap3A_98], %swap3A_101 {strides = array<i32>} : memref<1728xf32, #tpu.memory_space<vmem>>, vector<16xf32>,
      %swap3A_102 = arith.constant 128 : index
      %swap3A_103 = tpu.vector_load %arg9[%swap3A_102] {strides = array<i32>} : memref<1728xf32, #tpu.memory_space<vmem>>, vector<16xf32>,
      %swap3A_104 = vector.shape_cast %swap3A_103 : vector<16xf32> to vector<16xf32>
      %swap3A_105 = vector.shape_cast %broadcast_in_dim3A_2 : vector<16xf32> to vector<16xf32>
      tpu.vector_store %arg9[%swap3A_102], %swap3A_105 {strides = array<i32>} : memref<1728xf32, #tpu.memory_space<vmem>>, vector<16xf32>,
      %swap3A_106 = arith.constant 144 : index
      %swap3A_107 = tpu.vector_load %arg9[%swap3A_106] {strides = array<i32>} : memref<1728xf32, #tpu.memory_space<vmem>>, vector<16xf32>,
      %swap3A_108 = vector.shape_cast %swap3A_107 : vector<16xf32> to vector<16xf32>
      %swap3A_109 = vector.shape_cast %broadcast_in_dim3A_2 : vector<16xf32> to vector<16xf32>
      tpu.vector_store %arg9[%swap3A_106], %swap3A_109 {strides = array<i32>} : memref<1728xf32, #tpu.memory_space<vmem>>, vector<16xf32>,
      %swap3A_110 = arith.constant 160 : index
      %swap3A_111 = tpu.vector_load %arg9[%swap3A_110] {strides = array<i32>} : memref<1728xf32, #tpu.memory_space<vmem>>, vector<16xf32>,
      %swap3A_112 = vector.shape_cast %swap3A_111 : vector<16xf32> to vector<16xf32>
      %swap3A_113 = vector.shape_cast %broadcast_in_dim3A_2 : vector<16xf32> to vector<16xf32>
      tpu.vector_store %arg9[%swap3A_110], %swap3A_113 {strides = array<i32>} : memref<1728xf32, #tpu.memory_space<vmem>>, vector<16xf32>,
      %swap3A_114 = arith.constant 176 : index
      %swap3A_115 = tpu.vector_load %arg9[%swap3A_114] {strides = array<i32>} : memref<1728xf32, #tpu.memory_space<vmem>>, vector<16xf32>,
      %swap3A_116 = vector.shape_cast %swap3A_115 : vector<16xf32> to vector<16xf32>
      %swap3A_117 = vector.shape_cast %broadcast_in_dim3A_2 : vector<16xf32> to vector<16xf32>
      tpu.vector_store %arg9[%swap3A_114], %swap3A_117 {strides = array<i32>} : memref<1728xf32, #tpu.memory_space<vmem>>, vector<16xf32>,
      %swap3A_118 = arith.constant 192 : index
      %swap3A_119 = tpu.vector_load %arg9[%swap3A_118] {strides = array<i32>} : memref<1728xf32, #tpu.memory_space<vmem>>, vector<16xf32>,
      %swap3A_120 = vector.shape_cast %swap3A_119 : vector<16xf32> to vector<16xf32>
      %swap3A_121 = vector.shape_cast %broadcast_in_dim3A_2 : vector<16xf32> to vector<16xf32>
      tpu.vector_store %arg9[%swap3A_118], %swap3A_121 {strides = array<i32>} : memref<1728xf32, #tpu.memory_space<vmem>>, vector<16xf32>,
      %swap3A_122 = arith.constant 208 : index
      %swap3A_123 = tpu.vector_load %arg9[%swap3A_122] {strides = array<i32>} : memref<1728xf32, #tpu.memory_space<vmem>>, vector<16xf32>,
      %swap3A_124 = vector.shape_cast %swap3A_123 : vector<16xf32> to vector<16xf32>
      %swap3A_125 = vector.shape_cast %broadcast_in_dim3A_2 : vector<16xf32> to vector<16xf32>
      tpu.vector_store %arg9[%swap3A_122], %swap3A_125 {strides = array<i32>} : memref<1728xf32, #tpu.memory_space<vmem>>, vector<16xf32>,
      %swap3A_126 = arith.constant 224 : index
      %swap3A_127 = tpu.vector_load %arg9[%swap3A_126] {strides = array<i32>} : memref<1728xf32, #tpu.memory_space<vmem>>, vector<16xf32>,
      %swap3A_128 = vector.shape_cast %swap3A_127 : vector<16xf32> to vector<16xf32>
      %swap3A_129 = vector.shape_cast %broadcast_in_dim3A_2 : vector<16xf32> to vector<16xf32>
      tpu.vector_store %arg9[%swap3A_126], %swap3A_129 {strides = array<i32>} : memref<1728xf32, #tpu.memory_space<vmem>>, vector<16xf32>,
      %swap3A_130 = arith.constant 240 : index
      %swap3A_131 = tpu.vector_load %arg9[%swap3A_130] {strides = array<i32>} : memref<1728xf32, #tpu.memory_space<vmem>>, vector<16xf32>,
      %swap3A_132 = vector.shape_cast %swap3A_131 : vector<16xf32> to vector<16xf32>
      %swap3A_133 = vector.shape_cast %broadcast_in_dim3A_2 : vector<16xf32> to vector<16xf32>
      tpu.vector_store %arg9[%swap3A_130], %swap3A_133 {strides = array<i32>} : memref<1728xf32, #tpu.memory_space<vmem>>, vector<16xf32>,
      %swap3A_134 = arith.constant 256 : index
      %swap3A_135 = tpu.vector_load %arg9[%swap3A_134] {strides = array<i32>} : memref<1728xf32, #tpu.memory_space<vmem>>, vector<16xf32>,
      %swap3A_136 = vector.shape_cast %swap3A_135 : vector<16xf32> to vector<16xf32>
      %swap3A_137 = vector.shape_cast %broadcast_in_dim3A_2 : vector<16xf32> to vector<16xf32>
      tpu.vector_store %arg9[%swap3A_134], %swap3A_137 {strides = array<i32>} : memref<1728xf32, #tpu.memory_space<vmem>>, vector<16xf32>,
      %swap3A_138 = arith.constant 272 : index
      %swap3A_139 = tpu.vector_load %arg9[%swap3A_138] {strides = array<i32>} : memref<1728xf32, #tpu.memory_space<vmem>>, vector<16xf32>,
      %swap3A_140 = vector.shape_cast %swap3A_139 : vector<16xf32> to vector<16xf32>
      %swap3A_141 = vector.shape_cast %broadcast_in_dim3A_2 : vector<16xf32> to vector<16xf32>
      tpu.vector_store %arg9[%swap3A_138], %swap3A_141 {strides = array<i32>} : memref<1728xf32, #tpu.memory_space<vmem>>, vector<16xf32>,
      %swap3A_142 = arith.constant 288 : index
      %swap3A_143 = tpu.vector_load %arg9[%swap3A_142] {strides = array<i32>} : memref<1728xf32, #tpu.memory_space<vmem>>, vector<16xf32>,
      %swap3A_144 = vector.shape_cast %swap3A_143 : vector<16xf32> to vector<16xf32>
      %swap3A_145 = vector.shape_cast %broadcast_in_dim3A_2 : vector<16xf32> to vector<16xf32>
      tpu.vector_store %arg9[%swap3A_142], %swap3A_145 {strides = array<i32>} : memref<1728xf32, #tpu.memory_space<vmem>>, vector<16xf32>,
      %swap3A_146 = arith.constant 304 : index
      %swap3A_147 = tpu.vector_load %arg9[%swap3A_146] {strides = array<i32>} : memref<1728xf32, #tpu.memory_space<vmem>>, vector<16xf32>,
      %swap3A_148 = vector.shape_cast %swap3A_147 : vector<16xf32> to vector<16xf32>
      %swap3A_149 = vector.shape_cast %broadcast_in_dim3A_2 : vector<16xf32> to vector<16xf32>
      tpu.vector_store %arg9[%swap3A_146], %swap3A_149 {strides = array<i32>} : memref<1728xf32, #tpu.memory_space<vmem>>, vector<16xf32>,
      %swap3A_150 = arith.constant 320 : index
      %swap3A_151 = tpu.vector_load %arg9[%swap3A_150] {strides = array<i32>} : memref<1728xf32, #tpu.memory_space<vmem>>, vector<16xf32>,
      %swap3A_152 = vector.shape_cast %swap3A_151 : vector<16xf32> to vector<16xf32>
      %swap3A_153 = vector.shape_cast %broadcast_in_dim3A_2 : vector<16xf32> to vector<16xf32>
      tpu.vector_store %arg9[%swap3A_150], %swap3A_153 {strides = array<i32>} : memref<1728xf32, #tpu.memory_space<vmem>>, vector<16xf32>,
      %swap3A_154 = arith.constant 336 : index
      %swap3A_155 = tpu.vector_load %arg9[%swap3A_154] {strides = array<i32>} : memref<1728xf32, #tpu.memory_space<vmem>>, vector<16xf32>,
      %swap3A_156 = vector.shape_cast %swap3A_155 : vector<16xf32> to vector<16xf32>
      %swap3A_157 = vector.shape_cast %broadcast_in_dim3A_2 : vector<16xf32> to vector<16xf32>
      tpu.vector_store %arg9[%swap3A_154], %swap3A_157 {strides = array<i32>} : memref<1728xf32, #tpu.memory_space<vmem>>, vector<16xf32>,
      %swap3A_158 = arith.constant 352 : index
      %swap3A_159 = tpu.vector_load %arg9[%swap3A_158] {strides = array<i32>} : memref<1728xf32, #tpu.memory_space<vmem>>, vector<16xf32>,
      %swap3A_160 = vector.shape_cast %swap3A_159 : vector<16xf32> to vector<16xf32>
      %swap3A_161 = vector.shape_cast %broadcast_in_dim3A_2 : vector<16xf32> to vector<16xf32>
      tpu.vector_store %arg9[%swap3A_158], %swap3A_161 {strides = array<i32>} : memref<1728xf32, #tpu.memory_space<vmem>>, vector<16xf32>,
      %swap3A_162 = arith.constant 368 : index
      %swap3A_163 = tpu.vector_load %arg9[%swap3A_162] {strides = array<i32>} : memref<1728xf32, #tpu.memory_space<vmem>>, vector<16xf32>,
      %swap3A_164 = vector.shape_cast %swap3A_163 : vector<16xf32> to vector<16xf32>
      %swap3A_165 = vector.shape_cast %broadcast_in_dim3A_2 : vector<16xf32> to vector<16xf32>
      tpu.vector_store %arg9[%swap3A_162], %swap3A_165 {strides = array<i32>} : memref<1728xf32, #tpu.memory_space<vmem>>, vector<16xf32>,
      %swap3A_166 = arith.constant 384 : index
      %swap3A_167 = tpu.vector_load %arg9[%swap3A_166] {strides = array<i32>} : memref<1728xf32, #tpu.memory_space<vmem>>, vector<16xf32>,
      %swap3A_168 = vector.shape_cast %swap3A_167 : vector<16xf32> to vector<16xf32>
      %swap3A_169 = vector.shape_cast %broadcast_in_dim3A_2 : vector<16xf32> to vector<16xf32>
      tpu.vector_store %arg9[%swap3A_166], %swap3A_169 {strides = array<i32>} : memref<1728xf32, #tpu.memory_space<vmem>>, vector<16xf32>,
      %swap3A_170 = arith.constant 400 : index
      %swap3A_171 = tpu.vector_load %arg9[%swap3A_170] {strides = array<i32>} : memref<1728xf32, #tpu.memory_space<vmem>>, vector<16xf32>,
      %swap3A_172 = vector.shape_cast %swap3A_171 : vector<16xf32> to vector<16xf32>
      %swap3A_173 = vector.shape_cast %broadcast_in_dim3A_2 : vector<16xf32> to vector<16xf32>
      tpu.vector_store %arg9[%swap3A_170], %swap3A_173 {strides = array<i32>} : memref<1728xf32, #tpu.memory_space<vmem>>, vector<16xf32>,
      %swap3A_174 = arith.constant 416 : index
      %swap3A_175 = tpu.vector_load %arg9[%swap3A_174] {strides = array<i32>} : memref<1728xf32, #tpu.memory_space<vmem>>, vector<16xf32>,
      %swap3A_176 = vector.shape_cast %swap3A_175 : vector<16xf32> to vector<16xf32>
      %swap3A_177 = vector.shape_cast %broadcast_in_dim3A_2 : vector<16xf32> to vector<16xf32>
      tpu.vector_store %arg9[%swap3A_174], %swap3A_177 {strides = array<i32>} : memref<1728xf32, #tpu.memory_space<vmem>>, vector<16xf32>,
      %swap3A_178 = arith.constant 432 : index
      %swap3A_179 = tpu.vector_load %arg9[%swap3A_178] {strides = array<i32>} : memref<1728xf32, #tpu.memory_space<vmem>>, vector<16xf32>,
      %swap3A_180 = vector.shape_cast %swap3A_179 : vector<16xf32> to vector<16xf32>
      %swap3A_181 = vector.shape_cast %broadcast_in_dim3A_2 : vector<16xf32> to vector<16xf32>
      tpu.vector_store %arg9[%swap3A_178], %swap3A_181 {strides = array<i32>} : memref<1728xf32, #tpu.memory_space<vmem>>, vector<16xf32>,
      %swap3A_182 = arith.constant 448 : index
      %swap3A_183 = tpu.vector_load %arg9[%swap3A_182] {strides = array<i32>} : memref<1728xf32, #tpu.memory_space<vmem>>, vector<16xf32>,
      %swap3A_184 = vector.shape_cast %swap3A_183 : vector<16xf32> to vector<16xf32>
      %swap3A_185 = vector.shape_cast %broadcast_in_dim3A_2 : vector<16xf32> to vector<16xf32>
      tpu.vector_store %arg9[%swap3A_182], %swap3A_185 {strides = array<i32>} : memref<1728xf32, #tpu.memory_space<vmem>>, vector<16xf32>,
      %swap3A_186 = arith.constant 464 : index
      %swap3A_187 = tpu.vector_load %arg9[%swap3A_186] {strides = array<i32>} : memref<1728xf32, #tpu.memory_space<vmem>>, vector<16xf32>,
      %swap3A_188 = vector.shape_cast %swap3A_187 : vector<16xf32> to vector<16xf32>
      %swap3A_189 = vector.shape_cast %broadcast_in_dim3A_2 : vector<16xf32> to vector<16xf32>
      tpu.vector_store %arg9[%swap3A_186], %swap3A_189 {strides = array<i32>} : memref<1728xf32, #tpu.memory_space<vmem>>, vector<16xf32>,
      %swap3A_190 = arith.constant 480 : index
      %swap3A_191 = tpu.vector_load %arg9[%swap3A_190] {strides = array<i32>} : memref<1728xf32, #tpu.memory_space<vmem>>, vector<16xf32>,
      %swap3A_192 = vector.shape_cast %swap3A_191 : vector<16xf32> to vector<16xf32>
      %swap3A_193 = vector.shape_cast %broadcast_in_dim3A_2 : vector<16xf32> to vector<16xf32>
      tpu.vector_store %arg9[%swap3A_190], %swap3A_193 {strides = array<i32>} : memref<1728xf32, #tpu.memory_space<vmem>>, vector<16xf32>,
      %swap3A_194 = arith.constant 496 : index
      %swap3A_195 = tpu.vector_load %arg9[%swap3A_194] {strides = array<i32>} : memref<1728xf32, #tpu.memory_space<vmem>>, vector<16xf32>,
      %swap3A_196 = vector.shape_cast %swap3A_195 : vector<16xf32> to vector<16xf32>
      %swap3A_197 = vector.shape_cast %broadcast_in_dim3A_2 : vector<16xf32> to vector<16xf32>
      tpu.vector_store %arg9[%swap3A_194], %swap3A_197 {strides = array<i32>} : memref<1728xf32, #tpu.memory_space<vmem>>, vector<16xf32>,
      %swap3A_198 = arith.constant 512 : index
      %swap3A_199 = tpu.vector_load %arg9[%swap3A_198] {strides = array<i32>} : memref<1728xf32, #tpu.memory_space<vmem>>, vector<16xf32>,
      %swap3A_200 = vector.shape_cast %swap3A_199 : vector<16xf32> to vector<16xf32>
      %swap3A_201 = vector.shape_cast %broadcast_in_dim3A_2 : vector<16xf32> to vector<16xf32>
      tpu.vector_store %arg9[%swap3A_198], %swap3A_201 {strides = array<i32>} : memref<1728xf32, #tpu.memory_space<vmem>>, vector<16xf32>,
      %swap3A_202 = arith.constant 528 : index
      %swap3A_203 = tpu.vector_load %arg9[%swap3A_202] {strides = array<i32>} : memref<1728xf32, #tpu.memory_space<vmem>>, vector<16xf32>,
      %swap3A_204 = vector.shape_cast %swap3A_203 : vector<16xf32> to vector<16xf32>
      %swap3A_205 = vector.shape_cast %broadcast_in_dim3A_2 : vector<16xf32> to vector<16xf32>
      tpu.vector_store %arg9[%swap3A_202], %swap3A_205 {strides = array<i32>} : memref<1728xf32, #tpu.memory_space<vmem>>, vector<16xf32>,
      %swap3A_206 = arith.constant 544 : index
      %swap3A_207 = tpu.vector_load %arg9[%swap3A_206] {strides = array<i32>} : memref<1728xf32, #tpu.memory_space<vmem>>, vector<16xf32>,
      %swap3A_208 = vector.shape_cast %swap3A_207 : vector<16xf32> to vector<16xf32>
      %swap3A_209 = vector.shape_cast %broadcast_in_dim3A_2 : vector<16xf32> to vector<16xf32>
      tpu.vector_store %arg9[%swap3A_206], %swap3A_209 {strides = array<i32>} : memref<1728xf32, #tpu.memory_space<vmem>>, vector<16xf32>,
      %swap3A_210 = arith.constant 560 : index
      %swap3A_211 = tpu.vector_load %arg9[%swap3A_210] {strides = array<i32>} : memref<1728xf32, #tpu.memory_space<vmem>>, vector<16xf32>,
      %swap3A_212 = vector.shape_cast %swap3A_211 : vector<16xf32> to vector<16xf32>
      %swap3A_213 = vector.shape_cast %broadcast_in_dim3A_2 : vector<16xf32> to vector<16xf32>
      tpu.vector_store %arg9[%swap3A_210], %swap3A_213 {strides = array<i32>} : memref<1728xf32, #tpu.memory_space<vmem>>, vector<16xf32>,
      %swap3A_214 = arith.constant 576 : index
      %swap3A_215 = tpu.vector_load %arg9[%swap3A_214] {strides = array<i32>} : memref<1728xf32, #tpu.memory_space<vmem>>, vector<16xf32>,
      %swap3A_216 = vector.shape_cast %swap3A_215 : vector<16xf32> to vector<16xf32>
      %swap3A_217 = vector.shape_cast %broadcast_in_dim3A_2 : vector<16xf32> to vector<16xf32>
      tpu.vector_store %arg9[%swap3A_214], %swap3A_217 {strides = array<i32>} : memref<1728xf32, #tpu.memory_space<vmem>>, vector<16xf32>,
      %swap3A_218 = arith.constant 592 : index
      %swap3A_219 = tpu.vector_load %arg9[%swap3A_218] {strides = array<i32>} : memref<1728xf32, #tpu.memory_space<vmem>>, vector<16xf32>,
      %swap3A_220 = vector.shape_cast %swap3A_219 : vector<16xf32> to vector<16xf32>
      %swap3A_221 = vector.shape_cast %broadcast_in_dim3A_2 : vector<16xf32> to vector<16xf32>
      tpu.vector_store %arg9[%swap3A_218], %swap3A_221 {strides = array<i32>} : memref<1728xf32, #tpu.memory_space<vmem>>, vector<16xf32>,
      %swap3A_222 = arith.constant 608 : index
      %swap3A_223 = tpu.vector_load %arg9[%swap3A_222] {strides = array<i32>} : memref<1728xf32, #tpu.memory_space<vmem>>, vector<16xf32>,
      %swap3A_224 = vector.shape_cast %swap3A_223 : vector<16xf32> to vector<16xf32>
      %swap3A_225 = vector.shape_cast %broadcast_in_dim3A_2 : vector<16xf32> to vector<16xf32>
      tpu.vector_store %arg9[%swap3A_222], %swap3A_225 {strides = array<i32>} : memref<1728xf32, #tpu.memory_space<vmem>>, vector<16xf32>,
      %swap3A_226 = arith.constant 624 : index
      %swap3A_227 = tpu.vector_load %arg9[%swap3A_226] {strides = array<i32>} : memref<1728xf32, #tpu.memory_space<vmem>>, vector<16xf32>,
      %swap3A_228 = vector.shape_cast %swap3A_227 : vector<16xf32> to vector<16xf32>
      %swap3A_229 = vector.shape_cast %broadcast_in_dim3A_2 : vector<16xf32> to vector<16xf32>
      tpu.vector_store %arg9[%swap3A_226], %swap3A_229 {strides = array<i32>} : memref<1728xf32, #tpu.memory_space<vmem>>, vector<16xf32>,
      %swap3A_230 = arith.constant 640 : index
      %swap3A_231 = tpu.vector_load %arg9[%swap3A_230] {strides = array<i32>} : memref<1728xf32, #tpu.memory_space<vmem>>, vector<16xf32>,
      %swap3A_232 = vector.shape_cast %swap3A_231 : vector<16xf32> to vector<16xf32>
      %swap3A_233 = vector.shape_cast %broadcast_in_dim3A_2 : vector<16xf32> to vector<16xf32>
      tpu.vector_store %arg9[%swap3A_230], %swap3A_233 {strides = array<i32>} : memref<1728xf32, #tpu.memory_space<vmem>>, vector<16xf32>,
      %swap3A_234 = arith.constant 656 : index
      %swap3A_235 = tpu.vector_load %arg9[%swap3A_234] {strides = array<i32>} : memref<1728xf32, #tpu.memory_space<vmem>>, vector<16xf32>,
      %swap3A_236 = vector.shape_cast %swap3A_235 : vector<16xf32> to vector<16xf32>
      %swap3A_237 = vector.shape_cast %broadcast_in_dim3A_2 : vector<16xf32> to vector<16xf32>
      tpu.vector_store %arg9[%swap3A_234], %swap3A_237 {strides = array<i32>} : memref<1728xf32, #tpu.memory_space<vmem>>, vector<16xf32>,
      %swap3A_238 = arith.constant 672 : index
      %swap3A_239 = tpu.vector_load %arg9[%swap3A_238] {strides = array<i32>} : memref<1728xf32, #tpu.memory_space<vmem>>, vector<16xf32>,
      %swap3A_240 = vector.shape_cast %swap3A_239 : vector<16xf32> to vector<16xf32>
      %swap3A_241 = vector.shape_cast %broadcast_in_dim3A_2 : vector<16xf32> to vector<16xf32>
      tpu.vector_store %arg9[%swap3A_238], %swap3A_241 {strides = array<i32>} : memref<1728xf32, #tpu.memory_space<vmem>>, vector<16xf32>,
      %swap3A_242 = arith.constant 688 : index
      %swap3A_243 = tpu.vector_load %arg9[%swap3A_242] {strides = array<i32>} : memref<1728xf32, #tpu.memory_space<vmem>>, vector<16xf32>,
      %swap3A_244 = vector.shape_cast %swap3A_243 : vector<16xf32> to vector<16xf32>
      %swap3A_245 = vector.shape_cast %broadcast_in_dim3A_2 : vector<16xf32> to vector<16xf32>
      tpu.vector_store %arg9[%swap3A_242], %swap3A_245 {strides = array<i32>} : memref<1728xf32, #tpu.memory_space<vmem>>, vector<16xf32>,
      %swap3A_246 = arith.constant 704 : index
      %swap3A_247 = tpu.vector_load %arg9[%swap3A_246] {strides = array<i32>} : memref<1728xf32, #tpu.memory_space<vmem>>, vector<16xf32>,
      %swap3A_248 = vector.shape_cast %swap3A_247 : vector<16xf32> to vector<16xf32>
      %swap3A_249 = vector.shape_cast %broadcast_in_dim3A_2 : vector<16xf32> to vector<16xf32>
      tpu.vector_store %arg9[%swap3A_246], %swap3A_249 {strides = array<i32>} : memref<1728xf32, #tpu.memory_space<vmem>>, vector<16xf32>,
      %swap3A_250 = arith.constant 720 : index
      %swap3A_251 = tpu.vector_load %arg9[%swap3A_250] {strides = array<i32>} : memref<1728xf32, #tpu.memory_space<vmem>>, vector<16xf32>,
      %swap3A_252 = vector.shape_cast %swap3A_251 : vector<16xf32> to vector<16xf32>
      %swap3A_253 = vector.shape_cast %broadcast_in_dim3A_2 : vector<16xf32> to vector<16xf32>
      tpu.vector_store %arg9[%swap3A_250], %swap3A_253 {strides = array<i32>} : memref<1728xf32, #tpu.memory_space<vmem>>, vector<16xf32>,
      %swap3A_254 = arith.constant 736 : index
      %swap3A_255 = tpu.vector_load %arg9[%swap3A_254] {strides = array<i32>} : memref<1728xf32, #tpu.memory_space<vmem>>, vector<16xf32>,
      %swap3A_256 = vector.shape_cast %swap3A_255 : vector<16xf32> to vector<16xf32>
      %swap3A_257 = vector.shape_cast %broadcast_in_dim3A_2 : vector<16xf32> to vector<16xf32>
      tpu.vector_store %arg9[%swap3A_254], %swap3A_257 {strides = array<i32>} : memref<1728xf32, #tpu.memory_space<vmem>>, vector<16xf32>,
      %swap3A_258 = arith.constant 752 : index
      %swap3A_259 = tpu.vector_load %arg9[%swap3A_258] {strides = array<i32>} : memref<1728xf32, #tpu.memory_space<vmem>>, vector<16xf32>,
      %swap3A_260 = vector.shape_cast %swap3A_259 : vector<16xf32> to vector<16xf32>
      %swap3A_261 = vector.shape_cast %broadcast_in_dim3A_2 : vector<16xf32> to vector<16xf32>
      tpu.vector_store %arg9[%swap3A_258], %swap3A_261 {strides = array<i32>} : memref<1728xf32, #tpu.memory_space<vmem>>, vector<16xf32>,
      %swap3A_262 = arith.constant 768 : index
      %swap3A_263 = tpu.vector_load %arg9[%swap3A_262] {strides = array<i32>} : memref<1728xf32, #tpu.memory_space<vmem>>, vector<16xf32>,
      %swap3A_264 = vector.shape_cast %swap3A_263 : vector<16xf32> to vector<16xf32>
      %swap3A_265 = vector.shape_cast %broadcast_in_dim3A_2 : vector<16xf32> to vector<16xf32>
      tpu.vector_store %arg9[%swap3A_262], %swap3A_265 {strides = array<i32>} : memref<1728xf32, #tpu.memory_space<vmem>>, vector<16xf32>,
      %swap3A_266 = arith.constant 784 : index
      %swap3A_267 = tpu.vector_load %arg9[%swap3A_266] {strides = array<i32>} : memref<1728xf32, #tpu.memory_space<vmem>>, vector<16xf32>,
      %swap3A_268 = vector.shape_cast %swap3A_267 : vector<16xf32> to vector<16xf32>
      %swap3A_269 = vector.shape_cast %broadcast_in_dim3A_2 : vector<16xf32> to vector<16xf32>
      tpu.vector_store %arg9[%swap3A_266], %swap3A_269 {strides = array<i32>} : memref<1728xf32, #tpu.memory_space<vmem>>, vector<16xf32>,
      %swap3A_270 = arith.constant 800 : index
      %swap3A_271 = tpu.vector_load %arg9[%swap3A_270] {strides = array<i32>} : memref<1728xf32, #tpu.memory_space<vmem>>, vector<16xf32>,
      %swap3A_272 = vector.shape_cast %swap3A_271 : vector<16xf32> to vector<16xf32>
      %swap3A_273 = vector.shape_cast %broadcast_in_dim3A_2 : vector<16xf32> to vector<16xf32>
      tpu.vector_store %arg9[%swap3A_270], %swap3A_273 {strides = array<i32>} : memref<1728xf32, #tpu.memory_space<vmem>>, vector<16xf32>,
      %swap3A_274 = arith.constant 816 : index
      %swap3A_275 = tpu.vector_load %arg9[%swap3A_274] {strides = array<i32>} : memref<1728xf32, #tpu.memory_space<vmem>>, vector<16xf32>,
      %swap3A_276 = vector.shape_cast %swap3A_275 : vector<16xf32> to vector<16xf32>
      %swap3A_277 = vector.shape_cast %broadcast_in_dim3A_2 : vector<16xf32> to vector<16xf32>
      tpu.vector_store %arg9[%swap3A_274], %swap3A_277 {strides = array<i32>} : memref<1728xf32, #tpu.memory_space<vmem>>, vector<16xf32>,
      %swap3A_278 = arith.constant 832 : index
      %swap3A_279 = tpu.vector_load %arg9[%swap3A_278] {strides = array<i32>} : memref<1728xf32, #tpu.memory_space<vmem>>, vector<16xf32>,
      %swap3A_280 = vector.shape_cast %swap3A_279 : vector<16xf32> to vector<16xf32>
      %swap3A_281 = vector.shape_cast %broadcast_in_dim3A_2 : vector<16xf32> to vector<16xf32>
      tpu.vector_store %arg9[%swap3A_278], %swap3A_281 {strides = array<i32>} : memref<1728xf32, #tpu.memory_space<vmem>>, vector<16xf32>,
      %swap3A_282 = arith.constant 848 : index
      %swap3A_283 = tpu.vector_load %arg9[%swap3A_282] {strides = array<i32>} : memref<1728xf32, #tpu.memory_space<vmem>>, vector<16xf32>,
      %swap3A_284 = vector.shape_cast %swap3A_283 : vector<16xf32> to vector<16xf32>
      %swap3A_285 = vector.shape_cast %broadcast_in_dim3A_2 : vector<16xf32> to vector<16xf32>
      tpu.vector_store %arg9[%swap3A_282], %swap3A_285 {strides = array<i32>} : memref<1728xf32, #tpu.memory_space<vmem>>, vector<16xf32>,
      %swap3A_286 = arith.constant 864 : index
      %swap3A_287 = tpu.vector_load %arg9[%swap3A_286] {strides = array<i32>} : memref<1728xf32, #tpu.memory_space<vmem>>, vector<16xf32>,
      %swap3A_288 = vector.shape_cast %swap3A_287 : vector<16xf32> to vector<16xf32>
      %swap3A_289 = vector.shape_cast %broadcast_in_dim3A_2 : vector<16xf32> to vector<16xf32>
      tpu.vector_store %arg9[%swap3A_286], %swap3A_289 {strides = array<i32>} : memref<1728xf32, #tpu.memory_space<vmem>>, vector<16xf32>,
      %swap3A_290 = arith.constant 880 : index
      %swap3A_291 = tpu.vector_load %arg9[%swap3A_290] {strides = array<i32>} : memref<1728xf32, #tpu.memory_space<vmem>>, vector<16xf32>,
      %swap3A_292 = vector.shape_cast %swap3A_291 : vector<16xf32> to vector<16xf32>
      %swap3A_293 = vector.shape_cast %broadcast_in_dim3A_2 : vector<16xf32> to vector<16xf32>
      tpu.vector_store %arg9[%swap3A_290], %swap3A_293 {strides = array<i32>} : memref<1728xf32, #tpu.memory_space<vmem>>, vector<16xf32>,
      %swap3A_294 = arith.constant 896 : index
      %swap3A_295 = tpu.vector_load %arg9[%swap3A_294] {strides = array<i32>} : memref<1728xf32, #tpu.memory_space<vmem>>, vector<16xf32>,
      %swap3A_296 = vector.shape_cast %swap3A_295 : vector<16xf32> to vector<16xf32>
      %swap3A_297 = vector.shape_cast %broadcast_in_dim3A_2 : vector<16xf32> to vector<16xf32>
      tpu.vector_store %arg9[%swap3A_294], %swap3A_297 {strides = array<i32>} : memref<1728xf32, #tpu.memory_space<vmem>>, vector<16xf32>,
      %swap3A_298 = arith.constant 912 : index
      %swap3A_299 = tpu.vector_load %arg9[%swap3A_298] {strides = array<i32>} : memref<1728xf32, #tpu.memory_space<vmem>>, vector<16xf32>,
      %swap3A_300 = vector.shape_cast %swap3A_299 : vector<16xf32> to vector<16xf32>
      %swap3A_301 = vector.shape_cast %broadcast_in_dim3A_2 : vector<16xf32> to vector<16xf32>
      tpu.vector_store %arg9[%swap3A_298], %swap3A_301 {strides = array<i32>} : memref<1728xf32, #tpu.memory_space<vmem>>, vector<16xf32>,
      %swap3A_302 = arith.constant 928 : index
      %swap3A_303 = tpu.vector_load %arg9[%swap3A_302] {strides = array<i32>} : memref<1728xf32, #tpu.memory_space<vmem>>, vector<16xf32>,
      %swap3A_304 = vector.shape_cast %swap3A_303 : vector<16xf32> to vector<16xf32>
      %swap3A_305 = vector.shape_cast %broadcast_in_dim3A_2 : vector<16xf32> to vector<16xf32>
      tpu.vector_store %arg9[%swap3A_302], %swap3A_305 {strides = array<i32>} : memref<1728xf32, #tpu.memory_space<vmem>>, vector<16xf32>,
      %swap3A_306 = arith.constant 944 : index
      %swap3A_307 = tpu.vector_load %arg9[%swap3A_306] {strides = array<i32>} : memref<1728xf32, #tpu.memory_space<vmem>>, vector<16xf32>,
      %swap3A_308 = vector.shape_cast %swap3A_307 : vector<16xf32> to vector<16xf32>
      %swap3A_309 = vector.shape_cast %broadcast_in_dim3A_2 : vector<16xf32> to vector<16xf32>
      tpu.vector_store %arg9[%swap3A_306], %swap3A_309 {strides = array<i32>} : memref<1728xf32, #tpu.memory_space<vmem>>, vector<16xf32>,
      %swap3A_310 = arith.constant 960 : index
      %swap3A_311 = tpu.vector_load %arg9[%swap3A_310] {strides = array<i32>} : memref<1728xf32, #tpu.memory_space<vmem>>, vector<16xf32>,
      %swap3A_312 = vector.shape_cast %swap3A_311 : vector<16xf32> to vector<16xf32>
      %swap3A_313 = vector.shape_cast %broadcast_in_dim3A_2 : vector<16xf32> to vector<16xf32>
      tpu.vector_store %arg9[%swap3A_310], %swap3A_313 {strides = array<i32>} : memref<1728xf32, #tpu.memory_space<vmem>>, vector<16xf32>,
      %swap3A_314 = arith.constant 976 : index
      %swap3A_315 = tpu.vector_load %arg9[%swap3A_314] {strides = array<i32>} : memref<1728xf32, #tpu.memory_space<vmem>>, vector<16xf32>,
      %swap3A_316 = vector.shape_cast %swap3A_315 : vector<16xf32> to vector<16xf32>
      %swap3A_317 = vector.shape_cast %broadcast_in_dim3A_2 : vector<16xf32> to vector<16xf32>
      tpu.vector_store %arg9[%swap3A_314], %swap3A_317 {strides = array<i32>} : memref<1728xf32, #tpu.memory_space<vmem>>, vector<16xf32>,
      %swap3A_318 = arith.constant 992 : index
      %swap3A_319 = tpu.vector_load %arg9[%swap3A_318] {strides = array<i32>} : memref<1728xf32, #tpu.memory_space<vmem>>, vector<16xf32>,
      %swap3A_320 = vector.shape_cast %swap3A_319 : vector<16xf32> to vector<16xf32>
      %swap3A_321 = vector.shape_cast %broadcast_in_dim3A_2 : vector<16xf32> to vector<16xf32>
      tpu.vector_store %arg9[%swap3A_318], %swap3A_321 {strides = array<i32>} : memref<1728xf32, #tpu.memory_space<vmem>>, vector<16xf32>,
      %swap3A_322 = arith.constant 1008 : index
      %swap3A_323 = tpu.vector_load %arg9[%swap3A_322] {strides = array<i32>} : memref<1728xf32, #tpu.memory_space<vmem>>, vector<16xf32>,
      %swap3A_324 = vector.shape_cast %swap3A_323 : vector<16xf32> to vector<16xf32>
      %swap3A_325 = vector.shape_cast %broadcast_in_dim3A_2 : vector<16xf32> to vector<16xf32>
      tpu.vector_store %arg9[%swap3A_322], %swap3A_325 {strides = array<i32>} : memref<1728xf32, #tpu.memory_space<vmem>>, vector<16xf32>,
      %swap3A_326 = arith.constant 1024 : index
      %swap3A_327 = tpu.vector_load %arg9[%swap3A_326] {strides = array<i32>} : memref<1728xf32, #tpu.memory_space<vmem>>, vector<16xf32>,
      %swap3A_328 = vector.shape_cast %swap3A_327 : vector<16xf32> to vector<16xf32>
      %swap3A_329 = vector.shape_cast %broadcast_in_dim3A_2 : vector<16xf32> to vector<16xf32>
      tpu.vector_store %arg9[%swap3A_326], %swap3A_329 {strides = array<i32>} : memref<1728xf32, #tpu.memory_space<vmem>>, vector<16xf32>,
      %swap3A_330 = arith.constant 1040 : index
      %swap3A_331 = tpu.vector_load %arg9[%swap3A_330] {strides = array<i32>} : memref<1728xf32, #tpu.memory_space<vmem>>, vector<16xf32>,
      %swap3A_332 = vector.shape_cast %swap3A_331 : vector<16xf32> to vector<16xf32>
      %swap3A_333 = vector.shape_cast %broadcast_in_dim3A_2 : vector<16xf32> to vector<16xf32>
      tpu.vector_store %arg9[%swap3A_330], %swap3A_333 {strides = array<i32>} : memref<1728xf32, #tpu.memory_space<vmem>>, vector<16xf32>,
      %swap3A_334 = arith.constant 1056 : index
      %swap3A_335 = tpu.vector_load %arg9[%swap3A_334] {strides = array<i32>} : memref<1728xf32, #tpu.memory_space<vmem>>, vector<16xf32>,
      %swap3A_336 = vector.shape_cast %swap3A_335 : vector<16xf32> to vector<16xf32>
      %swap3A_337 = vector.shape_cast %broadcast_in_dim3A_2 : vector<16xf32> to vector<16xf32>
      tpu.vector_store %arg9[%swap3A_334], %swap3A_337 {strides = array<i32>} : memref<1728xf32, #tpu.memory_space<vmem>>, vector<16xf32>,
      %swap3A_338 = arith.constant 1072 : index
      %swap3A_339 = tpu.vector_load %arg9[%swap3A_338] {strides = array<i32>} : memref<1728xf32, #tpu.memory_space<vmem>>, vector<16xf32>,
      %swap3A_340 = vector.shape_cast %swap3A_339 : vector<16xf32> to vector<16xf32>
      %swap3A_341 = vector.shape_cast %broadcast_in_dim3A_2 : vector<16xf32> to vector<16xf32>
      tpu.vector_store %arg9[%swap3A_338], %swap3A_341 {strides = array<i32>} : memref<1728xf32, #tpu.memory_space<vmem>>, vector<16xf32>,
      %swap3A_342 = arith.constant 1088 : index
      %swap3A_343 = tpu.vector_load %arg9[%swap3A_342] {strides = array<i32>} : memref<1728xf32, #tpu.memory_space<vmem>>, vector<16xf32>,
      %swap3A_344 = vector.shape_cast %swap3A_343 : vector<16xf32> to vector<16xf32>
      %swap3A_345 = vector.shape_cast %broadcast_in_dim3A_2 : vector<16xf32> to vector<16xf32>
      tpu.vector_store %arg9[%swap3A_342], %swap3A_345 {strides = array<i32>} : memref<1728xf32, #tpu.memory_space<vmem>>, vector<16xf32>,
      %swap3A_346 = arith.constant 1104 : index
      %swap3A_347 = tpu.vector_load %arg9[%swap3A_346] {strides = array<i32>} : memref<1728xf32, #tpu.memory_space<vmem>>, vector<16xf32>,
      %swap3A_348 = vector.shape_cast %swap3A_347 : vector<16xf32> to vector<16xf32>
      %swap3A_349 = vector.shape_cast %broadcast_in_dim3A_2 : vector<16xf32> to vector<16xf32>
      tpu.vector_store %arg9[%swap3A_346], %swap3A_349 {strides = array<i32>} : memref<1728xf32, #tpu.memory_space<vmem>>, vector<16xf32>,
      %swap3A_350 = arith.constant 1120 : index
      %swap3A_351 = tpu.vector_load %arg9[%swap3A_350] {strides = array<i32>} : memref<1728xf32, #tpu.memory_space<vmem>>, vector<16xf32>,
      %swap3A_352 = vector.shape_cast %swap3A_351 : vector<16xf32> to vector<16xf32>
      %swap3A_353 = vector.shape_cast %broadcast_in_dim3A_2 : vector<16xf32> to vector<16xf32>
      tpu.vector_store %arg9[%swap3A_350], %swap3A_353 {strides = array<i32>} : memref<1728xf32, #tpu.memory_space<vmem>>, vector<16xf32>,
      %swap3A_354 = arith.constant 1136 : index
      %swap3A_355 = tpu.vector_load %arg9[%swap3A_354] {strides = array<i32>} : memref<1728xf32, #tpu.memory_space<vmem>>, vector<16xf32>,
      %swap3A_356 = vector.shape_cast %swap3A_355 : vector<16xf32> to vector<16xf32>
      %swap3A_357 = vector.shape_cast %broadcast_in_dim3A_2 : vector<16xf32> to vector<16xf32>
      tpu.vector_store %arg9[%swap3A_354], %swap3A_357 {strides = array<i32>} : memref<1728xf32, #tpu.memory_space<vmem>>, vector<16xf32>,
      %swap3A_358 = arith.constant 1152 : index
      %swap3A_359 = tpu.vector_load %arg9[%swap3A_358] {strides = array<i32>} : memref<1728xf32, #tpu.memory_space<vmem>>, vector<16xf32>,
      %swap3A_360 = vector.shape_cast %swap3A_359 : vector<16xf32> to vector<16xf32>
      %swap3A_361 = vector.shape_cast %broadcast_in_dim3A_2 : vector<16xf32> to vector<16xf32>
      tpu.vector_store %arg9[%swap3A_358], %swap3A_361 {strides = array<i32>} : memref<1728xf32, #tpu.memory_space<vmem>>, vector<16xf32>,
      %swap3A_362 = arith.constant 1168 : index
      %swap3A_363 = tpu.vector_load %arg9[%swap3A_362] {strides = array<i32>} : memref<1728xf32, #tpu.memory_space<vmem>>, vector<16xf32>,
      %swap3A_364 = vector.shape_cast %swap3A_363 : vector<16xf32> to vector<16xf32>
      %swap3A_365 = vector.shape_cast %broadcast_in_dim3A_2 : vector<16xf32> to vector<16xf32>
      tpu.vector_store %arg9[%swap3A_362], %swap3A_365 {strides = array<i32>} : memref<1728xf32, #tpu.memory_space<vmem>>, vector<16xf32>,
      %swap3A_366 = arith.constant 1184 : index
      %swap3A_367 = tpu.vector_load %arg9[%swap3A_366] {strides = array<i32>} : memref<1728xf32, #tpu.memory_space<vmem>>, vector<16xf32>,
      %swap3A_368 = vector.shape_cast %swap3A_367 : vector<16xf32> to vector<16xf32>
      %swap3A_369 = vector.shape_cast %broadcast_in_dim3A_2 : vector<16xf32> to vector<16xf32>
      tpu.vector_store %arg9[%swap3A_366], %swap3A_369 {strides = array<i32>} : memref<1728xf32, #tpu.memory_space<vmem>>, vector<16xf32>,
      %swap3A_370 = arith.constant 1200 : index
      %swap3A_371 = tpu.vector_load %arg9[%swap3A_370] {strides = array<i32>} : memref<1728xf32, #tpu.memory_space<vmem>>, vector<16xf32>,
      %swap3A_372 = vector.shape_cast %swap3A_371 : vector<16xf32> to vector<16xf32>
      %swap3A_373 = vector.shape_cast %broadcast_in_dim3A_2 : vector<16xf32> to vector<16xf32>
      tpu.vector_store %arg9[%swap3A_370], %swap3A_373 {strides = array<i32>} : memref<1728xf32, #tpu.memory_space<vmem>>, vector<16xf32>,
      %swap3A_374 = arith.constant 1216 : index
      %swap3A_375 = tpu.vector_load %arg9[%swap3A_374] {strides = array<i32>} : memref<1728xf32, #tpu.memory_space<vmem>>, vector<16xf32>,
      %swap3A_376 = vector.shape_cast %swap3A_375 : vector<16xf32> to vector<16xf32>
      %swap3A_377 = vector.shape_cast %broadcast_in_dim3A_2 : vector<16xf32> to vector<16xf32>
      tpu.vector_store %arg9[%swap3A_374], %swap3A_377 {strides = array<i32>} : memref<1728xf32, #tpu.memory_space<vmem>>, vector<16xf32>,
      %swap3A_378 = arith.constant 1232 : index
      %swap3A_379 = tpu.vector_load %arg9[%swap3A_378] {strides = array<i32>} : memref<1728xf32, #tpu.memory_space<vmem>>, vector<16xf32>,
      %swap3A_380 = vector.shape_cast %swap3A_379 : vector<16xf32> to vector<16xf32>
      %swap3A_381 = vector.shape_cast %broadcast_in_dim3A_2 : vector<16xf32> to vector<16xf32>
      tpu.vector_store %arg9[%swap3A_378], %swap3A_381 {strides = array<i32>} : memref<1728xf32, #tpu.memory_space<vmem>>, vector<16xf32>,
      %swap3A_382 = arith.constant 1248 : index
      %swap3A_383 = tpu.vector_load %arg9[%swap3A_382] {strides = array<i32>} : memref<1728xf32, #tpu.memory_space<vmem>>, vector<16xf32>,
      %swap3A_384 = vector.shape_cast %swap3A_383 : vector<16xf32> to vector<16xf32>
      %swap3A_385 = vector.shape_cast %broadcast_in_dim3A_2 : vector<16xf32> to vector<16xf32>
      tpu.vector_store %arg9[%swap3A_382], %swap3A_385 {strides = array<i32>} : memref<1728xf32, #tpu.memory_space<vmem>>, vector<16xf32>,
      %swap3A_386 = arith.constant 1264 : index
      %swap3A_387 = tpu.vector_load %arg9[%swap3A_386] {strides = array<i32>} : memref<1728xf32, #tpu.memory_space<vmem>>, vector<16xf32>,
      %swap3A_388 = vector.shape_cast %swap3A_387 : vector<16xf32> to vector<16xf32>
      %swap3A_389 = vector.shape_cast %broadcast_in_dim3A_2 : vector<16xf32> to vector<16xf32>
      tpu.vector_store %arg9[%swap3A_386], %swap3A_389 {strides = array<i32>} : memref<1728xf32, #tpu.memory_space<vmem>>, vector<16xf32>,
      %swap3A_390 = arith.constant 1280 : index
      %swap3A_391 = tpu.vector_load %arg9[%swap3A_390] {strides = array<i32>} : memref<1728xf32, #tpu.memory_space<vmem>>, vector<16xf32>,
      %swap3A_392 = vector.shape_cast %swap3A_391 : vector<16xf32> to vector<16xf32>
      %swap3A_393 = vector.shape_cast %broadcast_in_dim3A_2 : vector<16xf32> to vector<16xf32>
      tpu.vector_store %arg9[%swap3A_390], %swap3A_393 {strides = array<i32>} : memref<1728xf32, #tpu.memory_space<vmem>>, vector<16xf32>,
      %swap3A_394 = arith.constant 1296 : index
      %swap3A_395 = tpu.vector_load %arg9[%swap3A_394] {strides = array<i32>} : memref<1728xf32, #tpu.memory_space<vmem>>, vector<16xf32>,
      %swap3A_396 = vector.shape_cast %swap3A_395 : vector<16xf32> to vector<16xf32>
      %swap3A_397 = vector.shape_cast %broadcast_in_dim3A_2 : vector<16xf32> to vector<16xf32>
      tpu.vector_store %arg9[%swap3A_394], %swap3A_397 {strides = array<i32>} : memref<1728xf32, #tpu.memory_space<vmem>>, vector<16xf32>,
      %swap3A_398 = arith.constant 1312 : index
      %swap3A_399 = tpu.vector_load %arg9[%swap3A_398] {strides = array<i32>} : memref<1728xf32, #tpu.memory_space<vmem>>, vector<16xf32>,
      %swap3A_400 = vector.shape_cast %swap3A_399 : vector<16xf32> to vector<16xf32>
      %swap3A_401 = vector.shape_cast %broadcast_in_dim3A_2 : vector<16xf32> to vector<16xf32>
      tpu.vector_store %arg9[%swap3A_398], %swap3A_401 {strides = array<i32>} : memref<1728xf32, #tpu.memory_space<vmem>>, vector<16xf32>,
      %swap3A_402 = arith.constant 1328 : index
      %swap3A_403 = tpu.vector_load %arg9[%swap3A_402] {strides = array<i32>} : memref<1728xf32, #tpu.memory_space<vmem>>, vector<16xf32>,
      %swap3A_404 = vector.shape_cast %swap3A_403 : vector<16xf32> to vector<16xf32>
      %swap3A_405 = vector.shape_cast %broadcast_in_dim3A_2 : vector<16xf32> to vector<16xf32>
      tpu.vector_store %arg9[%swap3A_402], %swap3A_405 {strides = array<i32>} : memref<1728xf32, #tpu.memory_space<vmem>>, vector<16xf32>,
      %swap3A_406 = arith.constant 1344 : index
      %swap3A_407 = tpu.vector_load %arg9[%swap3A_406] {strides = array<i32>} : memref<1728xf32, #tpu.memory_space<vmem>>, vector<16xf32>,
      %swap3A_408 = vector.shape_cast %swap3A_407 : vector<16xf32> to vector<16xf32>
      %swap3A_409 = vector.shape_cast %broadcast_in_dim3A_2 : vector<16xf32> to vector<16xf32>
      tpu.vector_store %arg9[%swap3A_406], %swap3A_409 {strides = array<i32>} : memref<1728xf32, #tpu.memory_space<vmem>>, vector<16xf32>,
      %swap3A_410 = arith.constant 1360 : index
      %swap3A_411 = tpu.vector_load %arg9[%swap3A_410] {strides = array<i32>} : memref<1728xf32, #tpu.memory_space<vmem>>, vector<16xf32>,
      %swap3A_412 = vector.shape_cast %swap3A_411 : vector<16xf32> to vector<16xf32>
      %swap3A_413 = vector.shape_cast %broadcast_in_dim3A_2 : vector<16xf32> to vector<16xf32>
      tpu.vector_store %arg9[%swap3A_410], %swap3A_413 {strides = array<i32>} : memref<1728xf32, #tpu.memory_space<vmem>>, vector<16xf32>,
      %swap3A_414 = arith.constant 1376 : index
      %swap3A_415 = tpu.vector_load %arg9[%swap3A_414] {strides = array<i32>} : memref<1728xf32, #tpu.memory_space<vmem>>, vector<16xf32>,
      %swap3A_416 = vector.shape_cast %swap3A_415 : vector<16xf32> to vector<16xf32>
      %swap3A_417 = vector.shape_cast %broadcast_in_dim3A_2 : vector<16xf32> to vector<16xf32>
      tpu.vector_store %arg9[%swap3A_414], %swap3A_417 {strides = array<i32>} : memref<1728xf32, #tpu.memory_space<vmem>>, vector<16xf32>,
      %swap3A_418 = arith.constant 1392 : index
      %swap3A_419 = tpu.vector_load %arg9[%swap3A_418] {strides = array<i32>} : memref<1728xf32, #tpu.memory_space<vmem>>, vector<16xf32>,
      %swap3A_420 = vector.shape_cast %swap3A_419 : vector<16xf32> to vector<16xf32>
      %swap3A_421 = vector.shape_cast %broadcast_in_dim3A_2 : vector<16xf32> to vector<16xf32>
      tpu.vector_store %arg9[%swap3A_418], %swap3A_421 {strides = array<i32>} : memref<1728xf32, #tpu.memory_space<vmem>>, vector<16xf32>,
      %swap3A_422 = arith.constant 1408 : index
      %swap3A_423 = tpu.vector_load %arg9[%swap3A_422] {strides = array<i32>} : memref<1728xf32, #tpu.memory_space<vmem>>, vector<16xf32>,
      %swap3A_424 = vector.shape_cast %swap3A_423 : vector<16xf32> to vector<16xf32>
      %swap3A_425 = vector.shape_cast %broadcast_in_dim3A_2 : vector<16xf32> to vector<16xf32>
      tpu.vector_store %arg9[%swap3A_422], %swap3A_425 {strides = array<i32>} : memref<1728xf32, #tpu.memory_space<vmem>>, vector<16xf32>,
      %swap3A_426 = arith.constant 1424 : index
      %swap3A_427 = tpu.vector_load %arg9[%swap3A_426] {strides = array<i32>} : memref<1728xf32, #tpu.memory_space<vmem>>, vector<16xf32>,
      %swap3A_428 = vector.shape_cast %swap3A_427 : vector<16xf32> to vector<16xf32>
      %swap3A_429 = vector.shape_cast %broadcast_in_dim3A_2 : vector<16xf32> to vector<16xf32>
      tpu.vector_store %arg9[%swap3A_426], %swap3A_429 {strides = array<i32>} : memref<1728xf32, #tpu.memory_space<vmem>>, vector<16xf32>,
      %swap3A_430 = arith.constant 1440 : index
      %swap3A_431 = tpu.vector_load %arg9[%swap3A_430] {strides = array<i32>} : memref<1728xf32, #tpu.memory_space<vmem>>, vector<16xf32>,
      %swap3A_432 = vector.shape_cast %swap3A_431 : vector<16xf32> to vector<16xf32>
      %swap3A_433 = vector.shape_cast %broadcast_in_dim3A_2 : vector<16xf32> to vector<16xf32>
      tpu.vector_store %arg9[%swap3A_430], %swap3A_433 {strides = array<i32>} : memref<1728xf32, #tpu.memory_space<vmem>>, vector<16xf32>,
      %swap3A_434 = arith.constant 1456 : index
      %swap3A_435 = tpu.vector_load %arg9[%swap3A_434] {strides = array<i32>} : memref<1728xf32, #tpu.memory_space<vmem>>, vector<16xf32>,
      %swap3A_436 = vector.shape_cast %swap3A_435 : vector<16xf32> to vector<16xf32>
      %swap3A_437 = vector.shape_cast %broadcast_in_dim3A_2 : vector<16xf32> to vector<16xf32>
      tpu.vector_store %arg9[%swap3A_434], %swap3A_437 {strides = array<i32>} : memref<1728xf32, #tpu.memory_space<vmem>>, vector<16xf32>,
      %swap3A_438 = arith.constant 1472 : index
      %swap3A_439 = tpu.vector_load %arg9[%swap3A_438] {strides = array<i32>} : memref<1728xf32, #tpu.memory_space<vmem>>, vector<16xf32>,
      %swap3A_440 = vector.shape_cast %swap3A_439 : vector<16xf32> to vector<16xf32>
      %swap3A_441 = vector.shape_cast %broadcast_in_dim3A_2 : vector<16xf32> to vector<16xf32>
      tpu.vector_store %arg9[%swap3A_438], %swap3A_441 {strides = array<i32>} : memref<1728xf32, #tpu.memory_space<vmem>>, vector<16xf32>,
      %swap3A_442 = arith.constant 1488 : index
      %swap3A_443 = tpu.vector_load %arg9[%swap3A_442] {strides = array<i32>} : memref<1728xf32, #tpu.memory_space<vmem>>, vector<16xf32>,
      %swap3A_444 = vector.shape_cast %swap3A_443 : vector<16xf32> to vector<16xf32>
      %swap3A_445 = vector.shape_cast %broadcast_in_dim3A_2 : vector<16xf32> to vector<16xf32>
      tpu.vector_store %arg9[%swap3A_442], %swap3A_445 {strides = array<i32>} : memref<1728xf32, #tpu.memory_space<vmem>>, vector<16xf32>,
      %swap3A_446 = arith.constant 1504 : index
      %swap3A_447 = tpu.vector_load %arg9[%swap3A_446] {strides = array<i32>} : memref<1728xf32, #tpu.memory_space<vmem>>, vector<16xf32>,
      %swap3A_448 = vector.shape_cast %swap3A_447 : vector<16xf32> to vector<16xf32>
      %swap3A_449 = vector.shape_cast %broadcast_in_dim3A_2 : vector<16xf32> to vector<16xf32>
      tpu.vector_store %arg9[%swap3A_446], %swap3A_449 {strides = array<i32>} : memref<1728xf32, #tpu.memory_space<vmem>>, vector<16xf32>,
      %swap3A_450 = arith.constant 1520 : index
      %swap3A_451 = tpu.vector_load %arg9[%swap3A_450] {strides = array<i32>} : memref<1728xf32, #tpu.memory_space<vmem>>, vector<16xf32>,
      %swap3A_452 = vector.shape_cast %swap3A_451 : vector<16xf32> to vector<16xf32>
      %swap3A_453 = vector.shape_cast %broadcast_in_dim3A_2 : vector<16xf32> to vector<16xf32>
      tpu.vector_store %arg9[%swap3A_450], %swap3A_453 {strides = array<i32>} : memref<1728xf32, #tpu.memory_space<vmem>>, vector<16xf32>,
      %swap3A_454 = arith.constant 1536 : index
      %swap3A_455 = tpu.vector_load %arg9[%swap3A_454] {strides = array<i32>} : memref<1728xf32, #tpu.memory_space<vmem>>, vector<16xf32>,
      %swap3A_456 = vector.shape_cast %swap3A_455 : vector<16xf32> to vector<16xf32>
      %swap3A_457 = vector.shape_cast %broadcast_in_dim3A_2 : vector<16xf32> to vector<16xf32>
      tpu.vector_store %arg9[%swap3A_454], %swap3A_457 {strides = array<i32>} : memref<1728xf32, #tpu.memory_space<vmem>>, vector<16xf32>,
      %swap3A_458 = arith.constant 1552 : index
      %swap3A_459 = tpu.vector_load %arg9[%swap3A_458] {strides = array<i32>} : memref<1728xf32, #tpu.memory_space<vmem>>, vector<16xf32>,
      %swap3A_460 = vector.shape_cast %swap3A_459 : vector<16xf32> to vector<16xf32>
      %swap3A_461 = vector.shape_cast %broadcast_in_dim3A_2 : vector<16xf32> to vector<16xf32>
      tpu.vector_store %arg9[%swap3A_458], %swap3A_461 {strides = array<i32>} : memref<1728xf32, #tpu.memory_space<vmem>>, vector<16xf32>,
      %swap3A_462 = arith.constant 1568 : index
      %swap3A_463 = tpu.vector_load %arg9[%swap3A_462] {strides = array<i32>} : memref<1728xf32, #tpu.memory_space<vmem>>, vector<16xf32>,
      %swap3A_464 = vector.shape_cast %swap3A_463 : vector<16xf32> to vector<16xf32>
      %swap3A_465 = vector.shape_cast %broadcast_in_dim3A_2 : vector<16xf32> to vector<16xf32>
      tpu.vector_store %arg9[%swap3A_462], %swap3A_465 {strides = array<i32>} : memref<1728xf32, #tpu.memory_space<vmem>>, vector<16xf32>,
      %swap3A_466 = arith.constant 1584 : index
      %swap3A_467 = tpu.vector_load %arg9[%swap3A_466] {strides = array<i32>} : memref<1728xf32, #tpu.memory_space<vmem>>, vector<16xf32>,
      %swap3A_468 = vector.shape_cast %swap3A_467 : vector<16xf32> to vector<16xf32>
      %swap3A_469 = vector.shape_cast %broadcast_in_dim3A_2 : vector<16xf32> to vector<16xf32>
      tpu.vector_store %arg9[%swap3A_466], %swap3A_469 {strides = array<i32>} : memref<1728xf32, #tpu.memory_space<vmem>>, vector<16xf32>,
      %swap3A_470 = arith.constant 1600 : index
      %swap3A_471 = tpu.vector_load %arg9[%swap3A_470] {strides = array<i32>} : memref<1728xf32, #tpu.memory_space<vmem>>, vector<16xf32>,
      %swap3A_472 = vector.shape_cast %swap3A_471 : vector<16xf32> to vector<16xf32>
      %swap3A_473 = vector.shape_cast %broadcast_in_dim3A_2 : vector<16xf32> to vector<16xf32>
      tpu.vector_store %arg9[%swap3A_470], %swap3A_473 {strides = array<i32>} : memref<1728xf32, #tpu.memory_space<vmem>>, vector<16xf32>,
      %swap3A_474 = arith.constant 1616 : index
      %swap3A_475 = tpu.vector_load %arg9[%swap3A_474] {strides = array<i32>} : memref<1728xf32, #tpu.memory_space<vmem>>, vector<16xf32>,
      %swap3A_476 = vector.shape_cast %swap3A_475 : vector<16xf32> to vector<16xf32>
      %swap3A_477 = vector.shape_cast %broadcast_in_dim3A_2 : vector<16xf32> to vector<16xf32>
      tpu.vector_store %arg9[%swap3A_474], %swap3A_477 {strides = array<i32>} : memref<1728xf32, #tpu.memory_space<vmem>>, vector<16xf32>,
      %swap3A_478 = arith.constant 1632 : index
      %swap3A_479 = tpu.vector_load %arg9[%swap3A_478] {strides = array<i32>} : memref<1728xf32, #tpu.memory_space<vmem>>, vector<16xf32>,
      %swap3A_480 = vector.shape_cast %swap3A_479 : vector<16xf32> to vector<16xf32>
      %swap3A_481 = vector.shape_cast %broadcast_in_dim3A_2 : vector<16xf32> to vector<16xf32>
      tpu.vector_store %arg9[%swap3A_478], %swap3A_481 {strides = array<i32>} : memref<1728xf32, #tpu.memory_space<vmem>>, vector<16xf32>,
      %swap3A_482 = arith.constant 1648 : index
      %swap3A_483 = tpu.vector_load %arg9[%swap3A_482] {strides = array<i32>} : memref<1728xf32, #tpu.memory_space<vmem>>, vector<16xf32>,
      %swap3A_484 = vector.shape_cast %swap3A_483 : vector<16xf32> to vector<16xf32>
      %swap3A_485 = vector.shape_cast %broadcast_in_dim3A_2 : vector<16xf32> to vector<16xf32>
      tpu.vector_store %arg9[%swap3A_482], %swap3A_485 {strides = array<i32>} : memref<1728xf32, #tpu.memory_space<vmem>>, vector<16xf32>,
      %swap3A_486 = arith.constant 1664 : index
      %swap3A_487 = tpu.vector_load %arg9[%swap3A_486] {strides = array<i32>} : memref<1728xf32, #tpu.memory_space<vmem>>, vector<16xf32>,
      %swap3A_488 = vector.shape_cast %swap3A_487 : vector<16xf32> to vector<16xf32>
      %swap3A_489 = vector.shape_cast %broadcast_in_dim3A_2 : vector<16xf32> to vector<16xf32>
      tpu.vector_store %arg9[%swap3A_486], %swap3A_489 {strides = array<i32>} : memref<1728xf32, #tpu.memory_space<vmem>>, vector<16xf32>,
      %swap3A_490 = arith.constant 1680 : index
      %swap3A_491 = tpu.vector_load %arg9[%swap3A_490] {strides = array<i32>} : memref<1728xf32, #tpu.memory_space<vmem>>, vector<16xf32>,
      %swap3A_492 = vector.shape_cast %swap3A_491 : vector<16xf32> to vector<16xf32>
      %swap3A_493 = vector.shape_cast %broadcast_in_dim3A_2 : vector<16xf32> to vector<16xf32>
      tpu.vector_store %arg9[%swap3A_490], %swap3A_493 {strides = array<i32>} : memref<1728xf32, #tpu.memory_space<vmem>>, vector<16xf32>,
      %swap3A_494 = arith.constant 1696 : index
      %swap3A_495 = tpu.vector_load %arg9[%swap3A_494] {strides = array<i32>} : memref<1728xf32, #tpu.memory_space<vmem>>, vector<16xf32>,
      %swap3A_496 = vector.shape_cast %swap3A_495 : vector<16xf32> to vector<16xf32>
      %swap3A_497 = vector.shape_cast %broadcast_in_dim3A_2 : vector<16xf32> to vector<16xf32>
      tpu.vector_store %arg9[%swap3A_494], %swap3A_497 {strides = array<i32>} : memref<1728xf32, #tpu.memory_space<vmem>>, vector<16xf32>,
      %swap3A_498 = arith.constant 1712 : index
      %swap3A_499 = tpu.vector_load %arg9[%swap3A_498] {strides = array<i32>} : memref<1728xf32, #tpu.memory_space<vmem>>, vector<16xf32>,
      %swap3A_500 = vector.shape_cast %swap3A_499 : vector<16xf32> to vector<16xf32>
      %swap3A_501 = vector.shape_cast %broadcast_in_dim3A_2 : vector<16xf32> to vector<16xf32>
      tpu.vector_store %arg9[%swap3A_498], %swap3A_501 {strides = array<i32>} : memref<1728xf32, #tpu.memory_space<vmem>>, vector<16xf32>,
      %mul3A = arith.constant 1728 : i32
      %mul3A_502 = arith.muli %arg1, %mul3A : i32
      "tpu.region"() ({
        %run_scoped3A_1071 = tpu.sem_alloc : memref<!tpu.dma_semaphore, #tpu.memory_space<semaphore_mem>>
        %dma_start3A = tpu.memref_slice %arg12[%mul3A_502] : memref<27648xf32, #tpu.memory_space<vmem_shared>> -> memref<1728xf32, #tpu.memory_space<vmem_shared>>
        %dma_start3A_1072 = tpu.memref_slice %arg12[%mul3A_502] : memref<27648xf32, #tpu.memory_space<vmem_shared>> -> memref<1728xf32, #tpu.memory_space<vmem_shared>>
        tpu.enqueue_dma source(%arg9 : memref<1728xf32, #tpu.memory_space<vmem>>) target(%dma_start3A_1072 : memref<1728xf32, #tpu.memory_space<vmem_shared>>) target_semaphore(%run_scoped3A_1071 : memref<!tpu.dma_semaphore, #tpu.memory_space<semaphore_mem>>)
        %dma_wait3A = tpu.memref_slice %arg12[%mul3A_502] : memref<27648xf32, #tpu.memory_space<vmem_shared>> -> memref<1728xf32, #tpu.memory_space<vmem_shared>>
        %dma_wait3A_1073 = tpu.memref_slice %arg12[%mul3A_502] : memref<27648xf32, #tpu.memory_space<vmem_shared>> -> memref<1728xf32, #tpu.memory_space<vmem_shared>>
        tpu.wait_dma2 semaphore(%run_scoped3A_1071 : memref<!tpu.dma_semaphore, #tpu.memory_space<semaphore_mem>>) src(%arg9 : memref<1728xf32, #tpu.memory_space<vmem>>) dst(%dma_wait3A_1073 : memref<1728xf32, #tpu.memory_space<vmem_shared>>)
        tpu.yield
      }) : () -> ()
      %barrier3A = arith.constant 0 : index
      tpu.barrier barrier_id(%barrier3A)
      %mul3A_503 = arith.constant 8 : i32
      %mul3A_504 = arith.muli %arg1, %mul3A_503 : i32
      "tpu.region"() ({
        %run_scoped3A_1071 = tpu.sem_alloc : memref<!tpu.dma_semaphore, #tpu.memory_space<semaphore_mem>>
        %dma_start3A = arith.constant 0 : i32
        %dma_start3A_1072 = tpu.memref_slice %arg2[%mul3A_504, %dma_start3A] : memref<128x128xi32, #tpu.memory_space<hbm>> -> memref<8x128xi32, #tpu.memory_space<hbm>>
        %dma_start3A_1073 = arith.constant 0 : i32
        %dma_start3A_1074 = tpu.memref_slice %arg2[%mul3A_504, %dma_start3A_1073] : memref<128x128xi32, #tpu.memory_space<hbm>> -> memref<8x128xi32, #tpu.memory_space<hbm>>
        tpu.enqueue_dma source(%dma_start3A_1074 : memref<8x128xi32, #tpu.memory_space<hbm>>) target(%arg5 : memref<8x128xi32, #tpu.memory_space<vmem>>) target_semaphore(%run_scoped3A_1071 : memref<!tpu.dma_semaphore, #tpu.memory_space<semaphore_mem>>)
        %dma_wait3A = arith.constant 0 : i32
        %dma_wait3A_1075 = tpu.memref_slice %arg2[%mul3A_504, %dma_wait3A] : memref<128x128xi32, #tpu.memory_space<hbm>> -> memref<8x128xi32, #tpu.memory_space<hbm>>
        %dma_wait3A_1076 = arith.constant 0 : i32
        %dma_wait3A_1077 = tpu.memref_slice %arg2[%mul3A_504, %dma_wait3A_1076] : memref<128x128xi32, #tpu.memory_space<hbm>> -> memref<8x128xi32, #tpu.memory_space<hbm>>
        tpu.wait_dma2 semaphore(%run_scoped3A_1071 : memref<!tpu.dma_semaphore, #tpu.memory_space<semaphore_mem>>) src(%dma_wait3A_1077 : memref<8x128xi32, #tpu.memory_space<hbm>>) dst(%arg5 : memref<8x128xi32, #tpu.memory_space<vmem>>)
        tpu.yield
      }) : () -> ()
      %mul3A_505 = arith.constant 2 : i32
      %mul3A_506 = arith.muli %arg1, %mul3A_505 : i32
      "tpu.region"() ({
        %run_scoped3A_1071 = tpu.sem_alloc : memref<!tpu.dma_semaphore, #tpu.memory_space<semaphore_mem>>
        %dma_start3A = arith.constant 0 : i32
        %dma_start3A_1072 = tpu.memref_slice %arg3[%mul3A_506, %dma_start3A] : memref<32x128xi32, #tpu.memory_space<hbm>> -> memref<2x128xi32, #tpu.memory_space<hbm>>
        %dma_start3A_1073 = arith.constant 0 : i32
        %dma_start3A_1074 = tpu.memref_slice %arg3[%mul3A_506, %dma_start3A_1073] : memref<32x128xi32, #tpu.memory_space<hbm>> -> memref<2x128xi32, #tpu.memory_space<hbm>>
        tpu.enqueue_dma source(%dma_start3A_1074 : memref<2x128xi32, #tpu.memory_space<hbm>>) target(%arg6 : memref<2x128xi32, #tpu.memory_space<vmem>>) target_semaphore(%run_scoped3A_1071 : memref<!tpu.dma_semaphore, #tpu.memory_space<semaphore_mem>>)
        %dma_wait3A = arith.constant 0 : i32
        %dma_wait3A_1075 = tpu.memref_slice %arg3[%mul3A_506, %dma_wait3A] : memref<32x128xi32, #tpu.memory_space<hbm>> -> memref<2x128xi32, #tpu.memory_space<hbm>>
        %dma_wait3A_1076 = arith.constant 0 : i32
        %dma_wait3A_1077 = tpu.memref_slice %arg3[%mul3A_506, %dma_wait3A_1076] : memref<32x128xi32, #tpu.memory_space<hbm>> -> memref<2x128xi32, #tpu.memory_space<hbm>>
        tpu.wait_dma2 semaphore(%run_scoped3A_1071 : memref<!tpu.dma_semaphore, #tpu.memory_space<semaphore_mem>>) src(%dma_wait3A_1077 : memref<2x128xi32, #tpu.memory_space<hbm>>) dst(%arg6 : memref<2x128xi32, #tpu.memory_space<vmem>>)
        tpu.yield
      }) : () -> ()
      %run_scoped3A = arith.constant 0 : i32
      "tpu.region"() ({
        %run_scoped3A_1071 = tpu.sem_alloc : memref<!tpu.dma_semaphore, #tpu.memory_space<semaphore_mem>>
        %dma_start3A = arith.constant 0 : i32
        %dma_start3A_1072 = tpu.memref_slice %arg5[%run_scoped3A, %dma_start3A] : memref<8x128xi32, #tpu.memory_space<vmem>> -> memref<1x128xi32, #tpu.memory_space<vmem>>
        %dma_start3A_1073 = tpu.memref_squeeze %dma_start3A_1072 : memref<1x128xi32, #tpu.memory_space<vmem>> -> memref<128xi32, #tpu.memory_space<vmem>>
        %dma_start3A_1074 = arith.constant 0 : i32
        %dma_start3A_1075 = tpu.memref_slice %arg12[%dma_start3A_1074] : memref<27648xf32, #tpu.memory_space<vmem_shared>> -> memref<27648xf32, #tpu.memory_space<vmem_shared>>
        tpu.enqueue_indirect_dma source(%arg7 : memref<128xf32, #tpu.memory_space<vmem>>) target(%dma_start3A_1075 : memref<27648xf32, #tpu.memory_space<vmem_shared>>) offsets(%dma_start3A_1073 : memref<128xi32, #tpu.memory_space<vmem>>) semaphore(%run_scoped3A_1071 : memref<!tpu.dma_semaphore, #tpu.memory_space<semaphore_mem>>) {add = true}
        %dma_wait3A = arith.constant 0 : i32
        %dma_wait3A_1076 = tpu.memref_slice %arg5[%run_scoped3A, %dma_wait3A] : memref<8x128xi32, #tpu.memory_space<vmem>> -> memref<1x128xi32, #tpu.memory_space<vmem>>
        %dma_wait3A_1077 = tpu.memref_squeeze %dma_wait3A_1076 : memref<1x128xi32, #tpu.memory_space<vmem>> -> memref<128xi32, #tpu.memory_space<vmem>>
        %dma_wait3A_1078 = arith.constant 0 : i32
        %dma_wait3A_1079 = tpu.memref_slice %arg12[%dma_wait3A_1078] : memref<27648xf32, #tpu.memory_space<vmem_shared>> -> memref<27648xf32, #tpu.memory_space<vmem_shared>>
        tpu.wait_indirect_dma semaphore(%run_scoped3A_1071 : memref<!tpu.dma_semaphore, #tpu.memory_space<semaphore_mem>>) src(%arg7 : memref<128xf32, #tpu.memory_space<vmem>>) dst(%dma_wait3A_1079 : memref<27648xf32, #tpu.memory_space<vmem_shared>>)
        tpu.yield
      }) : () -> ()
      %run_scoped3A_507 = arith.constant 1 : i32
      "tpu.region"() ({
        %run_scoped3A_1071 = tpu.sem_alloc : memref<!tpu.dma_semaphore, #tpu.memory_space<semaphore_mem>>
        %dma_start3A = arith.constant 0 : i32
        %dma_start3A_1072 = tpu.memref_slice %arg5[%run_scoped3A_507, %dma_start3A] : memref<8x128xi32, #tpu.memory_space<vmem>> -> memref<1x128xi32, #tpu.memory_space<vmem>>
        %dma_start3A_1073 = tpu.memref_squeeze %dma_start3A_1072 : memref<1x128xi32, #tpu.memory_space<vmem>> -> memref<128xi32, #tpu.memory_space<vmem>>
        %dma_start3A_1074 = arith.constant 0 : i32
        %dma_start3A_1075 = tpu.memref_slice %arg12[%dma_start3A_1074] : memref<27648xf32, #tpu.memory_space<vmem_shared>> -> memref<27648xf32, #tpu.memory_space<vmem_shared>>
        tpu.enqueue_indirect_dma source(%arg7 : memref<128xf32, #tpu.memory_space<vmem>>) target(%dma_start3A_1075 : memref<27648xf32, #tpu.memory_space<vmem_shared>>) offsets(%dma_start3A_1073 : memref<128xi32, #tpu.memory_space<vmem>>) semaphore(%run_scoped3A_1071 : memref<!tpu.dma_semaphore, #tpu.memory_space<semaphore_mem>>) {add = true}
        %dma_wait3A = arith.constant 0 : i32
        %dma_wait3A_1076 = tpu.memref_slice %arg5[%run_scoped3A_507, %dma_wait3A] : memref<8x128xi32, #tpu.memory_space<vmem>> -> memref<1x128xi32, #tpu.memory_space<vmem>>
        %dma_wait3A_1077 = tpu.memref_squeeze %dma_wait3A_1076 : memref<1x128xi32, #tpu.memory_space<vmem>> -> memref<128xi32, #tpu.memory_space<vmem>>
        %dma_wait3A_1078 = arith.constant 0 : i32
        %dma_wait3A_1079 = tpu.memref_slice %arg12[%dma_wait3A_1078] : memref<27648xf32, #tpu.memory_space<vmem_shared>> -> memref<27648xf32, #tpu.memory_space<vmem_shared>>
        tpu.wait_indirect_dma semaphore(%run_scoped3A_1071 : memref<!tpu.dma_semaphore, #tpu.memory_space<semaphore_mem>>) src(%arg7 : memref<128xf32, #tpu.memory_space<vmem>>) dst(%dma_wait3A_1079 : memref<27648xf32, #tpu.memory_space<vmem_shared>>)
        tpu.yield
      }) : () -> ()
      %run_scoped3A_508 = arith.constant 2 : i32
      "tpu.region"() ({
        %run_scoped3A_1071 = tpu.sem_alloc : memref<!tpu.dma_semaphore, #tpu.memory_space<semaphore_mem>>
        %dma_start3A = arith.constant 0 : i32
        %dma_start3A_1072 = tpu.memref_slice %arg5[%run_scoped3A_508, %dma_start3A] : memref<8x128xi32, #tpu.memory_space<vmem>> -> memref<1x128xi32, #tpu.memory_space<vmem>>
        %dma_start3A_1073 = tpu.memref_squeeze %dma_start3A_1072 : memref<1x128xi32, #tpu.memory_space<vmem>> -> memref<128xi32, #tpu.memory_space<vmem>>
        %dma_start3A_1074 = arith.constant 0 : i32
        %dma_start3A_1075 = tpu.memref_slice %arg12[%dma_start3A_1074] : memref<27648xf32, #tpu.memory_space<vmem_shared>> -> memref<27648xf32, #tpu.memory_space<vmem_shared>>
        tpu.enqueue_indirect_dma source(%arg7 : memref<128xf32, #tpu.memory_space<vmem>>) target(%dma_start3A_1075 : memref<27648xf32, #tpu.memory_space<vmem_shared>>) offsets(%dma_start3A_1073 : memref<128xi32, #tpu.memory_space<vmem>>) semaphore(%run_scoped3A_1071 : memref<!tpu.dma_semaphore, #tpu.memory_space<semaphore_mem>>) {add = true}
        %dma_wait3A = arith.constant 0 : i32
        %dma_wait3A_1076 = tpu.memref_slice %arg5[%run_scoped3A_508, %dma_wait3A] : memref<8x128xi32, #tpu.memory_space<vmem>> -> memref<1x128xi32, #tpu.memory_space<vmem>>
        %dma_wait3A_1077 = tpu.memref_squeeze %dma_wait3A_1076 : memref<1x128xi32, #tpu.memory_space<vmem>> -> memref<128xi32, #tpu.memory_space<vmem>>
        %dma_wait3A_1078 = arith.constant 0 : i32
        %dma_wait3A_1079 = tpu.memref_slice %arg12[%dma_wait3A_1078] : memref<27648xf32, #tpu.memory_space<vmem_shared>> -> memref<27648xf32, #tpu.memory_space<vmem_shared>>
        tpu.wait_indirect_dma semaphore(%run_scoped3A_1071 : memref<!tpu.dma_semaphore, #tpu.memory_space<semaphore_mem>>) src(%arg7 : memref<128xf32, #tpu.memory_space<vmem>>) dst(%dma_wait3A_1079 : memref<27648xf32, #tpu.memory_space<vmem_shared>>)
        tpu.yield
      }) : () -> ()
      %run_scoped3A_509 = arith.constant 3 : i32
      "tpu.region"() ({
        %run_scoped3A_1071 = tpu.sem_alloc : memref<!tpu.dma_semaphore, #tpu.memory_space<semaphore_mem>>
        %dma_start3A = arith.constant 0 : i32
        %dma_start3A_1072 = tpu.memref_slice %arg5[%run_scoped3A_509, %dma_start3A] : memref<8x128xi32, #tpu.memory_space<vmem>> -> memref<1x128xi32, #tpu.memory_space<vmem>>
        %dma_start3A_1073 = tpu.memref_squeeze %dma_start3A_1072 : memref<1x128xi32, #tpu.memory_space<vmem>> -> memref<128xi32, #tpu.memory_space<vmem>>
        %dma_start3A_1074 = arith.constant 0 : i32
        %dma_start3A_1075 = tpu.memref_slice %arg12[%dma_start3A_1074] : memref<27648xf32, #tpu.memory_space<vmem_shared>> -> memref<27648xf32, #tpu.memory_space<vmem_shared>>
        tpu.enqueue_indirect_dma source(%arg7 : memref<128xf32, #tpu.memory_space<vmem>>) target(%dma_start3A_1075 : memref<27648xf32, #tpu.memory_space<vmem_shared>>) offsets(%dma_start3A_1073 : memref<128xi32, #tpu.memory_space<vmem>>) semaphore(%run_scoped3A_1071 : memref<!tpu.dma_semaphore, #tpu.memory_space<semaphore_mem>>) {add = true}
        %dma_wait3A = arith.constant 0 : i32
        %dma_wait3A_1076 = tpu.memref_slice %arg5[%run_scoped3A_509, %dma_wait3A] : memref<8x128xi32, #tpu.memory_space<vmem>> -> memref<1x128xi32, #tpu.memory_space<vmem>>
        %dma_wait3A_1077 = tpu.memref_squeeze %dma_wait3A_1076 : memref<1x128xi32, #tpu.memory_space<vmem>> -> memref<128xi32, #tpu.memory_space<vmem>>
        %dma_wait3A_1078 = arith.constant 0 : i32
        %dma_wait3A_1079 = tpu.memref_slice %arg12[%dma_wait3A_1078] : memref<27648xf32, #tpu.memory_space<vmem_shared>> -> memref<27648xf32, #tpu.memory_space<vmem_shared>>
        tpu.wait_indirect_dma semaphore(%run_scoped3A_1071 : memref<!tpu.dma_semaphore, #tpu.memory_space<semaphore_mem>>) src(%arg7 : memref<128xf32, #tpu.memory_space<vmem>>) dst(%dma_wait3A_1079 : memref<27648xf32, #tpu.memory_space<vmem_shared>>)
        tpu.yield
      }) : () -> ()
      %run_scoped3A_510 = arith.constant 4 : i32
      "tpu.region"() ({
        %run_scoped3A_1071 = tpu.sem_alloc : memref<!tpu.dma_semaphore, #tpu.memory_space<semaphore_mem>>
        %dma_start3A = arith.constant 0 : i32
        %dma_start3A_1072 = tpu.memref_slice %arg5[%run_scoped3A_510, %dma_start3A] : memref<8x128xi32, #tpu.memory_space<vmem>> -> memref<1x128xi32, #tpu.memory_space<vmem>>
        %dma_start3A_1073 = tpu.memref_squeeze %dma_start3A_1072 : memref<1x128xi32, #tpu.memory_space<vmem>> -> memref<128xi32, #tpu.memory_space<vmem>>
        %dma_start3A_1074 = arith.constant 0 : i32
        %dma_start3A_1075 = tpu.memref_slice %arg12[%dma_start3A_1074] : memref<27648xf32, #tpu.memory_space<vmem_shared>> -> memref<27648xf32, #tpu.memory_space<vmem_shared>>
        tpu.enqueue_indirect_dma source(%arg7 : memref<128xf32, #tpu.memory_space<vmem>>) target(%dma_start3A_1075 : memref<27648xf32, #tpu.memory_space<vmem_shared>>) offsets(%dma_start3A_1073 : memref<128xi32, #tpu.memory_space<vmem>>) semaphore(%run_scoped3A_1071 : memref<!tpu.dma_semaphore, #tpu.memory_space<semaphore_mem>>) {add = true}
        %dma_wait3A = arith.constant 0 : i32
        %dma_wait3A_1076 = tpu.memref_slice %arg5[%run_scoped3A_510, %dma_wait3A] : memref<8x128xi32, #tpu.memory_space<vmem>> -> memref<1x128xi32, #tpu.memory_space<vmem>>
        %dma_wait3A_1077 = tpu.memref_squeeze %dma_wait3A_1076 : memref<1x128xi32, #tpu.memory_space<vmem>> -> memref<128xi32, #tpu.memory_space<vmem>>
        %dma_wait3A_1078 = arith.constant 0 : i32
        %dma_wait3A_1079 = tpu.memref_slice %arg12[%dma_wait3A_1078] : memref<27648xf32, #tpu.memory_space<vmem_shared>> -> memref<27648xf32, #tpu.memory_space<vmem_shared>>
        tpu.wait_indirect_dma semaphore(%run_scoped3A_1071 : memref<!tpu.dma_semaphore, #tpu.memory_space<semaphore_mem>>) src(%arg7 : memref<128xf32, #tpu.memory_space<vmem>>) dst(%dma_wait3A_1079 : memref<27648xf32, #tpu.memory_space<vmem_shared>>)
        tpu.yield
      }) : () -> ()
      %run_scoped3A_511 = arith.constant 5 : i32
      "tpu.region"() ({
        %run_scoped3A_1071 = tpu.sem_alloc : memref<!tpu.dma_semaphore, #tpu.memory_space<semaphore_mem>>
        %dma_start3A = arith.constant 0 : i32
        %dma_start3A_1072 = tpu.memref_slice %arg5[%run_scoped3A_511, %dma_start3A] : memref<8x128xi32, #tpu.memory_space<vmem>> -> memref<1x128xi32, #tpu.memory_space<vmem>>
        %dma_start3A_1073 = tpu.memref_squeeze %dma_start3A_1072 : memref<1x128xi32, #tpu.memory_space<vmem>> -> memref<128xi32, #tpu.memory_space<vmem>>
        %dma_start3A_1074 = arith.constant 0 : i32
        %dma_start3A_1075 = tpu.memref_slice %arg12[%dma_start3A_1074] : memref<27648xf32, #tpu.memory_space<vmem_shared>> -> memref<27648xf32, #tpu.memory_space<vmem_shared>>
        tpu.enqueue_indirect_dma source(%arg7 : memref<128xf32, #tpu.memory_space<vmem>>) target(%dma_start3A_1075 : memref<27648xf32, #tpu.memory_space<vmem_shared>>) offsets(%dma_start3A_1073 : memref<128xi32, #tpu.memory_space<vmem>>) semaphore(%run_scoped3A_1071 : memref<!tpu.dma_semaphore, #tpu.memory_space<semaphore_mem>>) {add = true}
        %dma_wait3A = arith.constant 0 : i32
        %dma_wait3A_1076 = tpu.memref_slice %arg5[%run_scoped3A_511, %dma_wait3A] : memref<8x128xi32, #tpu.memory_space<vmem>> -> memref<1x128xi32, #tpu.memory_space<vmem>>
        %dma_wait3A_1077 = tpu.memref_squeeze %dma_wait3A_1076 : memref<1x128xi32, #tpu.memory_space<vmem>> -> memref<128xi32, #tpu.memory_space<vmem>>
        %dma_wait3A_1078 = arith.constant 0 : i32
        %dma_wait3A_1079 = tpu.memref_slice %arg12[%dma_wait3A_1078] : memref<27648xf32, #tpu.memory_space<vmem_shared>> -> memref<27648xf32, #tpu.memory_space<vmem_shared>>
        tpu.wait_indirect_dma semaphore(%run_scoped3A_1071 : memref<!tpu.dma_semaphore, #tpu.memory_space<semaphore_mem>>) src(%arg7 : memref<128xf32, #tpu.memory_space<vmem>>) dst(%dma_wait3A_1079 : memref<27648xf32, #tpu.memory_space<vmem_shared>>)
        tpu.yield
      }) : () -> ()
      %run_scoped3A_512 = arith.constant 6 : i32
      "tpu.region"() ({
        %run_scoped3A_1071 = tpu.sem_alloc : memref<!tpu.dma_semaphore, #tpu.memory_space<semaphore_mem>>
        %dma_start3A = arith.constant 0 : i32
        %dma_start3A_1072 = tpu.memref_slice %arg5[%run_scoped3A_512, %dma_start3A] : memref<8x128xi32, #tpu.memory_space<vmem>> -> memref<1x128xi32, #tpu.memory_space<vmem>>
        %dma_start3A_1073 = tpu.memref_squeeze %dma_start3A_1072 : memref<1x128xi32, #tpu.memory_space<vmem>> -> memref<128xi32, #tpu.memory_space<vmem>>
        %dma_start3A_1074 = arith.constant 0 : i32
        %dma_start3A_1075 = tpu.memref_slice %arg12[%dma_start3A_1074] : memref<27648xf32, #tpu.memory_space<vmem_shared>> -> memref<27648xf32, #tpu.memory_space<vmem_shared>>
        tpu.enqueue_indirect_dma source(%arg7 : memref<128xf32, #tpu.memory_space<vmem>>) target(%dma_start3A_1075 : memref<27648xf32, #tpu.memory_space<vmem_shared>>) offsets(%dma_start3A_1073 : memref<128xi32, #tpu.memory_space<vmem>>) semaphore(%run_scoped3A_1071 : memref<!tpu.dma_semaphore, #tpu.memory_space<semaphore_mem>>) {add = true}
        %dma_wait3A = arith.constant 0 : i32
        %dma_wait3A_1076 = tpu.memref_slice %arg5[%run_scoped3A_512, %dma_wait3A] : memref<8x128xi32, #tpu.memory_space<vmem>> -> memref<1x128xi32, #tpu.memory_space<vmem>>
        %dma_wait3A_1077 = tpu.memref_squeeze %dma_wait3A_1076 : memref<1x128xi32, #tpu.memory_space<vmem>> -> memref<128xi32, #tpu.memory_space<vmem>>
        %dma_wait3A_1078 = arith.constant 0 : i32
        %dma_wait3A_1079 = tpu.memref_slice %arg12[%dma_wait3A_1078] : memref<27648xf32, #tpu.memory_space<vmem_shared>> -> memref<27648xf32, #tpu.memory_space<vmem_shared>>
        tpu.wait_indirect_dma semaphore(%run_scoped3A_1071 : memref<!tpu.dma_semaphore, #tpu.memory_space<semaphore_mem>>) src(%arg7 : memref<128xf32, #tpu.memory_space<vmem>>) dst(%dma_wait3A_1079 : memref<27648xf32, #tpu.memory_space<vmem_shared>>)
        tpu.yield
      }) : () -> ()
      %run_scoped3A_513 = arith.constant 7 : i32
      "tpu.region"() ({
        %run_scoped3A_1071 = tpu.sem_alloc : memref<!tpu.dma_semaphore, #tpu.memory_space<semaphore_mem>>
        %dma_start3A = arith.constant 0 : i32
        %dma_start3A_1072 = tpu.memref_slice %arg5[%run_scoped3A_513, %dma_start3A] : memref<8x128xi32, #tpu.memory_space<vmem>> -> memref<1x128xi32, #tpu.memory_space<vmem>>
        %dma_start3A_1073 = tpu.memref_squeeze %dma_start3A_1072 : memref<1x128xi32, #tpu.memory_space<vmem>> -> memref<128xi32, #tpu.memory_space<vmem>>
        %dma_start3A_1074 = arith.constant 0 : i32
        %dma_start3A_1075 = tpu.memref_slice %arg12[%dma_start3A_1074] : memref<27648xf32, #tpu.memory_space<vmem_shared>> -> memref<27648xf32, #tpu.memory_space<vmem_shared>>
        tpu.enqueue_indirect_dma source(%arg7 : memref<128xf32, #tpu.memory_space<vmem>>) target(%dma_start3A_1075 : memref<27648xf32, #tpu.memory_space<vmem_shared>>) offsets(%dma_start3A_1073 : memref<128xi32, #tpu.memory_space<vmem>>) semaphore(%run_scoped3A_1071 : memref<!tpu.dma_semaphore, #tpu.memory_space<semaphore_mem>>) {add = true}
        %dma_wait3A = arith.constant 0 : i32
        %dma_wait3A_1076 = tpu.memref_slice %arg5[%run_scoped3A_513, %dma_wait3A] : memref<8x128xi32, #tpu.memory_space<vmem>> -> memref<1x128xi32, #tpu.memory_space<vmem>>
        %dma_wait3A_1077 = tpu.memref_squeeze %dma_wait3A_1076 : memref<1x128xi32, #tpu.memory_space<vmem>> -> memref<128xi32, #tpu.memory_space<vmem>>
        %dma_wait3A_1078 = arith.constant 0 : i32
        %dma_wait3A_1079 = tpu.memref_slice %arg12[%dma_wait3A_1078] : memref<27648xf32, #tpu.memory_space<vmem_shared>> -> memref<27648xf32, #tpu.memory_space<vmem_shared>>
        tpu.wait_indirect_dma semaphore(%run_scoped3A_1071 : memref<!tpu.dma_semaphore, #tpu.memory_space<semaphore_mem>>) src(%arg7 : memref<128xf32, #tpu.memory_space<vmem>>) dst(%dma_wait3A_1079 : memref<27648xf32, #tpu.memory_space<vmem_shared>>)
        tpu.yield
      }) : () -> ()
      %run_scoped3A_514 = arith.constant 0 : i32
      "tpu.region"() ({
        %run_scoped3A_1071 = tpu.sem_alloc : memref<!tpu.dma_semaphore, #tpu.memory_space<semaphore_mem>>
        %dma_start3A = arith.constant 0 : i32
        %dma_start3A_1072 = tpu.memref_slice %arg6[%run_scoped3A_514, %dma_start3A] : memref<2x128xi32, #tpu.memory_space<vmem>> -> memref<1x128xi32, #tpu.memory_space<vmem>>
        %dma_start3A_1073 = tpu.memref_squeeze %dma_start3A_1072 : memref<1x128xi32, #tpu.memory_space<vmem>> -> memref<128xi32, #tpu.memory_space<vmem>>
        %dma_start3A_1074 = arith.constant 0 : i32
        %dma_start3A_1075 = tpu.memref_slice %arg12[%dma_start3A_1074] : memref<27648xf32, #tpu.memory_space<vmem_shared>> -> memref<27648xf32, #tpu.memory_space<vmem_shared>>
        tpu.enqueue_indirect_dma source(%arg8 : memref<128xf32, #tpu.memory_space<vmem>>) target(%dma_start3A_1075 : memref<27648xf32, #tpu.memory_space<vmem_shared>>) offsets(%dma_start3A_1073 : memref<128xi32, #tpu.memory_space<vmem>>) semaphore(%run_scoped3A_1071 : memref<!tpu.dma_semaphore, #tpu.memory_space<semaphore_mem>>) {add = true}
        %dma_wait3A = arith.constant 0 : i32
        %dma_wait3A_1076 = tpu.memref_slice %arg6[%run_scoped3A_514, %dma_wait3A] : memref<2x128xi32, #tpu.memory_space<vmem>> -> memref<1x128xi32, #tpu.memory_space<vmem>>
        %dma_wait3A_1077 = tpu.memref_squeeze %dma_wait3A_1076 : memref<1x128xi32, #tpu.memory_space<vmem>> -> memref<128xi32, #tpu.memory_space<vmem>>
        %dma_wait3A_1078 = arith.constant 0 : i32
        %dma_wait3A_1079 = tpu.memref_slice %arg12[%dma_wait3A_1078] : memref<27648xf32, #tpu.memory_space<vmem_shared>> -> memref<27648xf32, #tpu.memory_space<vmem_shared>>
        tpu.wait_indirect_dma semaphore(%run_scoped3A_1071 : memref<!tpu.dma_semaphore, #tpu.memory_space<semaphore_mem>>) src(%arg8 : memref<128xf32, #tpu.memory_space<vmem>>) dst(%dma_wait3A_1079 : memref<27648xf32, #tpu.memory_space<vmem_shared>>)
        tpu.yield
      }) : () -> ()
      %run_scoped3A_515 = arith.constant 1 : i32
      "tpu.region"() ({
        %run_scoped3A_1071 = tpu.sem_alloc : memref<!tpu.dma_semaphore, #tpu.memory_space<semaphore_mem>>
        %dma_start3A = arith.constant 0 : i32
        %dma_start3A_1072 = tpu.memref_slice %arg6[%run_scoped3A_515, %dma_start3A] : memref<2x128xi32, #tpu.memory_space<vmem>> -> memref<1x128xi32, #tpu.memory_space<vmem>>
        %dma_start3A_1073 = tpu.memref_squeeze %dma_start3A_1072 : memref<1x128xi32, #tpu.memory_space<vmem>> -> memref<128xi32, #tpu.memory_space<vmem>>
        %dma_start3A_1074 = arith.constant 0 : i32
        %dma_start3A_1075 = tpu.memref_slice %arg12[%dma_start3A_1074] : memref<27648xf32, #tpu.memory_space<vmem_shared>> -> memref<27648xf32, #tpu.memory_space<vmem_shared>>
        tpu.enqueue_indirect_dma source(%arg8 : memref<128xf32, #tpu.memory_space<vmem>>) target(%dma_start3A_1075 : memref<27648xf32, #tpu.memory_space<vmem_shared>>) offsets(%dma_start3A_1073 : memref<128xi32, #tpu.memory_space<vmem>>) semaphore(%run_scoped3A_1071 : memref<!tpu.dma_semaphore, #tpu.memory_space<semaphore_mem>>) {add = true}
        %dma_wait3A = arith.constant 0 : i32
        %dma_wait3A_1076 = tpu.memref_slice %arg6[%run_scoped3A_515, %dma_wait3A] : memref<2x128xi32, #tpu.memory_space<vmem>> -> memref<1x128xi32, #tpu.memory_space<vmem>>
        %dma_wait3A_1077 = tpu.memref_squeeze %dma_wait3A_1076 : memref<1x128xi32, #tpu.memory_space<vmem>> -> memref<128xi32, #tpu.memory_space<vmem>>
        %dma_wait3A_1078 = arith.constant 0 : i32
        %dma_wait3A_1079 = tpu.memref_slice %arg12[%dma_wait3A_1078] : memref<27648xf32, #tpu.memory_space<vmem_shared>> -> memref<27648xf32, #tpu.memory_space<vmem_shared>>
        tpu.wait_indirect_dma semaphore(%run_scoped3A_1071 : memref<!tpu.dma_semaphore, #tpu.memory_space<semaphore_mem>>) src(%arg8 : memref<128xf32, #tpu.memory_space<vmem>>) dst(%dma_wait3A_1079 : memref<27648xf32, #tpu.memory_space<vmem_shared>>)
        tpu.yield
      }) : () -> ()
      %barrier3A_516 = arith.constant 0 : index
      tpu.barrier barrier_id(%barrier3A_516)
      %mul3A_517 = arith.constant 1728 : i32
      %mul3A_518 = arith.muli %arg1, %mul3A_517 : i32
      "tpu.region"() ({
        %run_scoped3A_1071 = tpu.sem_alloc : memref<!tpu.dma_semaphore, #tpu.memory_space<semaphore_mem>>
        %dma_start3A = tpu.memref_slice %arg12[%mul3A_518] : memref<27648xf32, #tpu.memory_space<vmem_shared>> -> memref<1728xf32, #tpu.memory_space<vmem_shared>>
        %dma_start3A_1072 = tpu.memref_slice %arg12[%mul3A_518] : memref<27648xf32, #tpu.memory_space<vmem_shared>> -> memref<1728xf32, #tpu.memory_space<vmem_shared>>
        tpu.enqueue_dma source(%dma_start3A_1072 : memref<1728xf32, #tpu.memory_space<vmem_shared>>) target(%arg9 : memref<1728xf32, #tpu.memory_space<vmem>>) target_semaphore(%run_scoped3A_1071 : memref<!tpu.dma_semaphore, #tpu.memory_space<semaphore_mem>>)
        %dma_wait3A = tpu.memref_slice %arg12[%mul3A_518] : memref<27648xf32, #tpu.memory_space<vmem_shared>> -> memref<1728xf32, #tpu.memory_space<vmem_shared>>
        %dma_wait3A_1073 = tpu.memref_slice %arg12[%mul3A_518] : memref<27648xf32, #tpu.memory_space<vmem_shared>> -> memref<1728xf32, #tpu.memory_space<vmem_shared>>
        tpu.wait_dma2 semaphore(%run_scoped3A_1071 : memref<!tpu.dma_semaphore, #tpu.memory_space<semaphore_mem>>) src(%dma_wait3A_1073 : memref<1728xf32, #tpu.memory_space<vmem_shared>>) dst(%arg9 : memref<1728xf32, #tpu.memory_space<vmem>>)
        tpu.yield
      }) : () -> ()
      %broadcast_in_dim3A_519 = arith.constant 0.000000e+00 : f32
      %broadcast_in_dim3A_520 = vector.broadcast %broadcast_in_dim3A_519 : f32 to vector<16xf32>
      %get3A = arith.constant 0 : index
      %get3A_521 = tpu.vector_load %arg9[%get3A] {strides = array<i32>} : memref<1728xf32, #tpu.memory_space<vmem>>, vector<16xf32>,
      %get3A_522 = vector.shape_cast %get3A_521 : vector<16xf32> to vector<16xf32>
      %mul3A_523 = arith.mulf %get3A_522, %get3A_522 : vector<16xf32>
      %add3A = arith.addf %broadcast_in_dim3A_520, %mul3A_523 : vector<16xf32>
      %get3A_524 = arith.constant 16 : index
      %get3A_525 = tpu.vector_load %arg9[%get3A_524] {strides = array<i32>} : memref<1728xf32, #tpu.memory_space<vmem>>, vector<16xf32>,
      %get3A_526 = vector.shape_cast %get3A_525 : vector<16xf32> to vector<16xf32>
      %mul3A_527 = arith.mulf %get3A_526, %get3A_526 : vector<16xf32>
      %add3A_528 = arith.addf %add3A, %mul3A_527 : vector<16xf32>
      %get3A_529 = arith.constant 32 : index
      %get3A_530 = tpu.vector_load %arg9[%get3A_529] {strides = array<i32>} : memref<1728xf32, #tpu.memory_space<vmem>>, vector<16xf32>,
      %get3A_531 = vector.shape_cast %get3A_530 : vector<16xf32> to vector<16xf32>
      %mul3A_532 = arith.mulf %get3A_531, %get3A_531 : vector<16xf32>
      %add3A_533 = arith.addf %add3A_528, %mul3A_532 : vector<16xf32>
      %get3A_534 = arith.constant 48 : index
      %get3A_535 = tpu.vector_load %arg9[%get3A_534] {strides = array<i32>} : memref<1728xf32, #tpu.memory_space<vmem>>, vector<16xf32>,
      %get3A_536 = vector.shape_cast %get3A_535 : vector<16xf32> to vector<16xf32>
      %mul3A_537 = arith.mulf %get3A_536, %get3A_536 : vector<16xf32>
      %add3A_538 = arith.addf %add3A_533, %mul3A_537 : vector<16xf32>
      %get3A_539 = arith.constant 64 : index
      %get3A_540 = tpu.vector_load %arg9[%get3A_539] {strides = array<i32>} : memref<1728xf32, #tpu.memory_space<vmem>>, vector<16xf32>,
      %get3A_541 = vector.shape_cast %get3A_540 : vector<16xf32> to vector<16xf32>
      %mul3A_542 = arith.mulf %get3A_541, %get3A_541 : vector<16xf32>
      %add3A_543 = arith.addf %add3A_538, %mul3A_542 : vector<16xf32>
      %get3A_544 = arith.constant 80 : index
      %get3A_545 = tpu.vector_load %arg9[%get3A_544] {strides = array<i32>} : memref<1728xf32, #tpu.memory_space<vmem>>, vector<16xf32>,
      %get3A_546 = vector.shape_cast %get3A_545 : vector<16xf32> to vector<16xf32>
      %mul3A_547 = arith.mulf %get3A_546, %get3A_546 : vector<16xf32>
      %add3A_548 = arith.addf %add3A_543, %mul3A_547 : vector<16xf32>
      %get3A_549 = arith.constant 96 : index
      %get3A_550 = tpu.vector_load %arg9[%get3A_549] {strides = array<i32>} : memref<1728xf32, #tpu.memory_space<vmem>>, vector<16xf32>,
      %get3A_551 = vector.shape_cast %get3A_550 : vector<16xf32> to vector<16xf32>
      %mul3A_552 = arith.mulf %get3A_551, %get3A_551 : vector<16xf32>
      %add3A_553 = arith.addf %add3A_548, %mul3A_552 : vector<16xf32>
      %get3A_554 = arith.constant 112 : index
      %get3A_555 = tpu.vector_load %arg9[%get3A_554] {strides = array<i32>} : memref<1728xf32, #tpu.memory_space<vmem>>, vector<16xf32>,
      %get3A_556 = vector.shape_cast %get3A_555 : vector<16xf32> to vector<16xf32>
      %mul3A_557 = arith.mulf %get3A_556, %get3A_556 : vector<16xf32>
      %add3A_558 = arith.addf %add3A_553, %mul3A_557 : vector<16xf32>
      %get3A_559 = arith.constant 128 : index
      %get3A_560 = tpu.vector_load %arg9[%get3A_559] {strides = array<i32>} : memref<1728xf32, #tpu.memory_space<vmem>>, vector<16xf32>,
      %get3A_561 = vector.shape_cast %get3A_560 : vector<16xf32> to vector<16xf32>
      %mul3A_562 = arith.mulf %get3A_561, %get3A_561 : vector<16xf32>
      %add3A_563 = arith.addf %add3A_558, %mul3A_562 : vector<16xf32>
      %get3A_564 = arith.constant 144 : index
      %get3A_565 = tpu.vector_load %arg9[%get3A_564] {strides = array<i32>} : memref<1728xf32, #tpu.memory_space<vmem>>, vector<16xf32>,
      %get3A_566 = vector.shape_cast %get3A_565 : vector<16xf32> to vector<16xf32>
      %mul3A_567 = arith.mulf %get3A_566, %get3A_566 : vector<16xf32>
      %add3A_568 = arith.addf %add3A_563, %mul3A_567 : vector<16xf32>
      %get3A_569 = arith.constant 160 : index
      %get3A_570 = tpu.vector_load %arg9[%get3A_569] {strides = array<i32>} : memref<1728xf32, #tpu.memory_space<vmem>>, vector<16xf32>,
      %get3A_571 = vector.shape_cast %get3A_570 : vector<16xf32> to vector<16xf32>
      %mul3A_572 = arith.mulf %get3A_571, %get3A_571 : vector<16xf32>
      %add3A_573 = arith.addf %add3A_568, %mul3A_572 : vector<16xf32>
      %get3A_574 = arith.constant 176 : index
      %get3A_575 = tpu.vector_load %arg9[%get3A_574] {strides = array<i32>} : memref<1728xf32, #tpu.memory_space<vmem>>, vector<16xf32>,
      %get3A_576 = vector.shape_cast %get3A_575 : vector<16xf32> to vector<16xf32>
      %mul3A_577 = arith.mulf %get3A_576, %get3A_576 : vector<16xf32>
      %add3A_578 = arith.addf %add3A_573, %mul3A_577 : vector<16xf32>
      %get3A_579 = arith.constant 192 : index
      %get3A_580 = tpu.vector_load %arg9[%get3A_579] {strides = array<i32>} : memref<1728xf32, #tpu.memory_space<vmem>>, vector<16xf32>,
      %get3A_581 = vector.shape_cast %get3A_580 : vector<16xf32> to vector<16xf32>
      %mul3A_582 = arith.mulf %get3A_581, %get3A_581 : vector<16xf32>
      %add3A_583 = arith.addf %add3A_578, %mul3A_582 : vector<16xf32>
      %get3A_584 = arith.constant 208 : index
      %get3A_585 = tpu.vector_load %arg9[%get3A_584] {strides = array<i32>} : memref<1728xf32, #tpu.memory_space<vmem>>, vector<16xf32>,
      %get3A_586 = vector.shape_cast %get3A_585 : vector<16xf32> to vector<16xf32>
      %mul3A_587 = arith.mulf %get3A_586, %get3A_586 : vector<16xf32>
      %add3A_588 = arith.addf %add3A_583, %mul3A_587 : vector<16xf32>
      %get3A_589 = arith.constant 224 : index
      %get3A_590 = tpu.vector_load %arg9[%get3A_589] {strides = array<i32>} : memref<1728xf32, #tpu.memory_space<vmem>>, vector<16xf32>,
      %get3A_591 = vector.shape_cast %get3A_590 : vector<16xf32> to vector<16xf32>
      %mul3A_592 = arith.mulf %get3A_591, %get3A_591 : vector<16xf32>
      %add3A_593 = arith.addf %add3A_588, %mul3A_592 : vector<16xf32>
      %get3A_594 = arith.constant 240 : index
      %get3A_595 = tpu.vector_load %arg9[%get3A_594] {strides = array<i32>} : memref<1728xf32, #tpu.memory_space<vmem>>, vector<16xf32>,
      %get3A_596 = vector.shape_cast %get3A_595 : vector<16xf32> to vector<16xf32>
      %mul3A_597 = arith.mulf %get3A_596, %get3A_596 : vector<16xf32>
      %add3A_598 = arith.addf %add3A_593, %mul3A_597 : vector<16xf32>
      %get3A_599 = arith.constant 256 : index
      %get3A_600 = tpu.vector_load %arg9[%get3A_599] {strides = array<i32>} : memref<1728xf32, #tpu.memory_space<vmem>>, vector<16xf32>,
      %get3A_601 = vector.shape_cast %get3A_600 : vector<16xf32> to vector<16xf32>
      %mul3A_602 = arith.mulf %get3A_601, %get3A_601 : vector<16xf32>
      %add3A_603 = arith.addf %add3A_598, %mul3A_602 : vector<16xf32>
      %get3A_604 = arith.constant 272 : index
      %get3A_605 = tpu.vector_load %arg9[%get3A_604] {strides = array<i32>} : memref<1728xf32, #tpu.memory_space<vmem>>, vector<16xf32>,
      %get3A_606 = vector.shape_cast %get3A_605 : vector<16xf32> to vector<16xf32>
      %mul3A_607 = arith.mulf %get3A_606, %get3A_606 : vector<16xf32>
      %add3A_608 = arith.addf %add3A_603, %mul3A_607 : vector<16xf32>
      %get3A_609 = arith.constant 288 : index
      %get3A_610 = tpu.vector_load %arg9[%get3A_609] {strides = array<i32>} : memref<1728xf32, #tpu.memory_space<vmem>>, vector<16xf32>,
      %get3A_611 = vector.shape_cast %get3A_610 : vector<16xf32> to vector<16xf32>
      %mul3A_612 = arith.mulf %get3A_611, %get3A_611 : vector<16xf32>
      %add3A_613 = arith.addf %add3A_608, %mul3A_612 : vector<16xf32>
      %get3A_614 = arith.constant 304 : index
      %get3A_615 = tpu.vector_load %arg9[%get3A_614] {strides = array<i32>} : memref<1728xf32, #tpu.memory_space<vmem>>, vector<16xf32>,
      %get3A_616 = vector.shape_cast %get3A_615 : vector<16xf32> to vector<16xf32>
      %mul3A_617 = arith.mulf %get3A_616, %get3A_616 : vector<16xf32>
      %add3A_618 = arith.addf %add3A_613, %mul3A_617 : vector<16xf32>
      %get3A_619 = arith.constant 320 : index
      %get3A_620 = tpu.vector_load %arg9[%get3A_619] {strides = array<i32>} : memref<1728xf32, #tpu.memory_space<vmem>>, vector<16xf32>,
      %get3A_621 = vector.shape_cast %get3A_620 : vector<16xf32> to vector<16xf32>
      %mul3A_622 = arith.mulf %get3A_621, %get3A_621 : vector<16xf32>
      %add3A_623 = arith.addf %add3A_618, %mul3A_622 : vector<16xf32>
      %get3A_624 = arith.constant 336 : index
      %get3A_625 = tpu.vector_load %arg9[%get3A_624] {strides = array<i32>} : memref<1728xf32, #tpu.memory_space<vmem>>, vector<16xf32>,
      %get3A_626 = vector.shape_cast %get3A_625 : vector<16xf32> to vector<16xf32>
      %mul3A_627 = arith.mulf %get3A_626, %get3A_626 : vector<16xf32>
      %add3A_628 = arith.addf %add3A_623, %mul3A_627 : vector<16xf32>
      %get3A_629 = arith.constant 352 : index
      %get3A_630 = tpu.vector_load %arg9[%get3A_629] {strides = array<i32>} : memref<1728xf32, #tpu.memory_space<vmem>>, vector<16xf32>,
      %get3A_631 = vector.shape_cast %get3A_630 : vector<16xf32> to vector<16xf32>
      %mul3A_632 = arith.mulf %get3A_631, %get3A_631 : vector<16xf32>
      %add3A_633 = arith.addf %add3A_628, %mul3A_632 : vector<16xf32>
      %get3A_634 = arith.constant 368 : index
      %get3A_635 = tpu.vector_load %arg9[%get3A_634] {strides = array<i32>} : memref<1728xf32, #tpu.memory_space<vmem>>, vector<16xf32>,
      %get3A_636 = vector.shape_cast %get3A_635 : vector<16xf32> to vector<16xf32>
      %mul3A_637 = arith.mulf %get3A_636, %get3A_636 : vector<16xf32>
      %add3A_638 = arith.addf %add3A_633, %mul3A_637 : vector<16xf32>
      %get3A_639 = arith.constant 384 : index
      %get3A_640 = tpu.vector_load %arg9[%get3A_639] {strides = array<i32>} : memref<1728xf32, #tpu.memory_space<vmem>>, vector<16xf32>,
      %get3A_641 = vector.shape_cast %get3A_640 : vector<16xf32> to vector<16xf32>
      %mul3A_642 = arith.mulf %get3A_641, %get3A_641 : vector<16xf32>
      %add3A_643 = arith.addf %add3A_638, %mul3A_642 : vector<16xf32>
      %get3A_644 = arith.constant 400 : index
      %get3A_645 = tpu.vector_load %arg9[%get3A_644] {strides = array<i32>} : memref<1728xf32, #tpu.memory_space<vmem>>, vector<16xf32>,
      %get3A_646 = vector.shape_cast %get3A_645 : vector<16xf32> to vector<16xf32>
      %mul3A_647 = arith.mulf %get3A_646, %get3A_646 : vector<16xf32>
      %add3A_648 = arith.addf %add3A_643, %mul3A_647 : vector<16xf32>
      %get3A_649 = arith.constant 416 : index
      %get3A_650 = tpu.vector_load %arg9[%get3A_649] {strides = array<i32>} : memref<1728xf32, #tpu.memory_space<vmem>>, vector<16xf32>,
      %get3A_651 = vector.shape_cast %get3A_650 : vector<16xf32> to vector<16xf32>
      %mul3A_652 = arith.mulf %get3A_651, %get3A_651 : vector<16xf32>
      %add3A_653 = arith.addf %add3A_648, %mul3A_652 : vector<16xf32>
      %get3A_654 = arith.constant 432 : index
      %get3A_655 = tpu.vector_load %arg9[%get3A_654] {strides = array<i32>} : memref<1728xf32, #tpu.memory_space<vmem>>, vector<16xf32>,
      %get3A_656 = vector.shape_cast %get3A_655 : vector<16xf32> to vector<16xf32>
      %mul3A_657 = arith.mulf %get3A_656, %get3A_656 : vector<16xf32>
      %add3A_658 = arith.addf %add3A_653, %mul3A_657 : vector<16xf32>
      %get3A_659 = arith.constant 448 : index
      %get3A_660 = tpu.vector_load %arg9[%get3A_659] {strides = array<i32>} : memref<1728xf32, #tpu.memory_space<vmem>>, vector<16xf32>,
      %get3A_661 = vector.shape_cast %get3A_660 : vector<16xf32> to vector<16xf32>
      %mul3A_662 = arith.mulf %get3A_661, %get3A_661 : vector<16xf32>
      %add3A_663 = arith.addf %add3A_658, %mul3A_662 : vector<16xf32>
      %get3A_664 = arith.constant 464 : index
      %get3A_665 = tpu.vector_load %arg9[%get3A_664] {strides = array<i32>} : memref<1728xf32, #tpu.memory_space<vmem>>, vector<16xf32>,
      %get3A_666 = vector.shape_cast %get3A_665 : vector<16xf32> to vector<16xf32>
      %mul3A_667 = arith.mulf %get3A_666, %get3A_666 : vector<16xf32>
      %add3A_668 = arith.addf %add3A_663, %mul3A_667 : vector<16xf32>
      %get3A_669 = arith.constant 480 : index
      %get3A_670 = tpu.vector_load %arg9[%get3A_669] {strides = array<i32>} : memref<1728xf32, #tpu.memory_space<vmem>>, vector<16xf32>,
      %get3A_671 = vector.shape_cast %get3A_670 : vector<16xf32> to vector<16xf32>
      %mul3A_672 = arith.mulf %get3A_671, %get3A_671 : vector<16xf32>
      %add3A_673 = arith.addf %add3A_668, %mul3A_672 : vector<16xf32>
      %get3A_674 = arith.constant 496 : index
      %get3A_675 = tpu.vector_load %arg9[%get3A_674] {strides = array<i32>} : memref<1728xf32, #tpu.memory_space<vmem>>, vector<16xf32>,
      %get3A_676 = vector.shape_cast %get3A_675 : vector<16xf32> to vector<16xf32>
      %mul3A_677 = arith.mulf %get3A_676, %get3A_676 : vector<16xf32>
      %add3A_678 = arith.addf %add3A_673, %mul3A_677 : vector<16xf32>
      %get3A_679 = arith.constant 512 : index
      %get3A_680 = tpu.vector_load %arg9[%get3A_679] {strides = array<i32>} : memref<1728xf32, #tpu.memory_space<vmem>>, vector<16xf32>,
      %get3A_681 = vector.shape_cast %get3A_680 : vector<16xf32> to vector<16xf32>
      %mul3A_682 = arith.mulf %get3A_681, %get3A_681 : vector<16xf32>
      %add3A_683 = arith.addf %add3A_678, %mul3A_682 : vector<16xf32>
      %get3A_684 = arith.constant 528 : index
      %get3A_685 = tpu.vector_load %arg9[%get3A_684] {strides = array<i32>} : memref<1728xf32, #tpu.memory_space<vmem>>, vector<16xf32>,
      %get3A_686 = vector.shape_cast %get3A_685 : vector<16xf32> to vector<16xf32>
      %mul3A_687 = arith.mulf %get3A_686, %get3A_686 : vector<16xf32>
      %add3A_688 = arith.addf %add3A_683, %mul3A_687 : vector<16xf32>
      %get3A_689 = arith.constant 544 : index
      %get3A_690 = tpu.vector_load %arg9[%get3A_689] {strides = array<i32>} : memref<1728xf32, #tpu.memory_space<vmem>>, vector<16xf32>,
      %get3A_691 = vector.shape_cast %get3A_690 : vector<16xf32> to vector<16xf32>
      %mul3A_692 = arith.mulf %get3A_691, %get3A_691 : vector<16xf32>
      %add3A_693 = arith.addf %add3A_688, %mul3A_692 : vector<16xf32>
      %get3A_694 = arith.constant 560 : index
      %get3A_695 = tpu.vector_load %arg9[%get3A_694] {strides = array<i32>} : memref<1728xf32, #tpu.memory_space<vmem>>, vector<16xf32>,
      %get3A_696 = vector.shape_cast %get3A_695 : vector<16xf32> to vector<16xf32>
      %mul3A_697 = arith.mulf %get3A_696, %get3A_696 : vector<16xf32>
      %add3A_698 = arith.addf %add3A_693, %mul3A_697 : vector<16xf32>
      %get3A_699 = arith.constant 576 : index
      %get3A_700 = tpu.vector_load %arg9[%get3A_699] {strides = array<i32>} : memref<1728xf32, #tpu.memory_space<vmem>>, vector<16xf32>,
      %get3A_701 = vector.shape_cast %get3A_700 : vector<16xf32> to vector<16xf32>
      %mul3A_702 = arith.mulf %get3A_701, %get3A_701 : vector<16xf32>
      %add3A_703 = arith.addf %add3A_698, %mul3A_702 : vector<16xf32>
      %get3A_704 = arith.constant 592 : index
      %get3A_705 = tpu.vector_load %arg9[%get3A_704] {strides = array<i32>} : memref<1728xf32, #tpu.memory_space<vmem>>, vector<16xf32>,
      %get3A_706 = vector.shape_cast %get3A_705 : vector<16xf32> to vector<16xf32>
      %mul3A_707 = arith.mulf %get3A_706, %get3A_706 : vector<16xf32>
      %add3A_708 = arith.addf %add3A_703, %mul3A_707 : vector<16xf32>
      %get3A_709 = arith.constant 608 : index
      %get3A_710 = tpu.vector_load %arg9[%get3A_709] {strides = array<i32>} : memref<1728xf32, #tpu.memory_space<vmem>>, vector<16xf32>,
      %get3A_711 = vector.shape_cast %get3A_710 : vector<16xf32> to vector<16xf32>
      %mul3A_712 = arith.mulf %get3A_711, %get3A_711 : vector<16xf32>
      %add3A_713 = arith.addf %add3A_708, %mul3A_712 : vector<16xf32>
      %get3A_714 = arith.constant 624 : index
      %get3A_715 = tpu.vector_load %arg9[%get3A_714] {strides = array<i32>} : memref<1728xf32, #tpu.memory_space<vmem>>, vector<16xf32>,
      %get3A_716 = vector.shape_cast %get3A_715 : vector<16xf32> to vector<16xf32>
      %mul3A_717 = arith.mulf %get3A_716, %get3A_716 : vector<16xf32>
      %add3A_718 = arith.addf %add3A_713, %mul3A_717 : vector<16xf32>
      %get3A_719 = arith.constant 640 : index
      %get3A_720 = tpu.vector_load %arg9[%get3A_719] {strides = array<i32>} : memref<1728xf32, #tpu.memory_space<vmem>>, vector<16xf32>,
      %get3A_721 = vector.shape_cast %get3A_720 : vector<16xf32> to vector<16xf32>
      %mul3A_722 = arith.mulf %get3A_721, %get3A_721 : vector<16xf32>
      %add3A_723 = arith.addf %add3A_718, %mul3A_722 : vector<16xf32>
      %get3A_724 = arith.constant 656 : index
      %get3A_725 = tpu.vector_load %arg9[%get3A_724] {strides = array<i32>} : memref<1728xf32, #tpu.memory_space<vmem>>, vector<16xf32>,
      %get3A_726 = vector.shape_cast %get3A_725 : vector<16xf32> to vector<16xf32>
      %mul3A_727 = arith.mulf %get3A_726, %get3A_726 : vector<16xf32>
      %add3A_728 = arith.addf %add3A_723, %mul3A_727 : vector<16xf32>
      %get3A_729 = arith.constant 672 : index
      %get3A_730 = tpu.vector_load %arg9[%get3A_729] {strides = array<i32>} : memref<1728xf32, #tpu.memory_space<vmem>>, vector<16xf32>,
      %get3A_731 = vector.shape_cast %get3A_730 : vector<16xf32> to vector<16xf32>
      %mul3A_732 = arith.mulf %get3A_731, %get3A_731 : vector<16xf32>
      %add3A_733 = arith.addf %add3A_728, %mul3A_732 : vector<16xf32>
      %get3A_734 = arith.constant 688 : index
      %get3A_735 = tpu.vector_load %arg9[%get3A_734] {strides = array<i32>} : memref<1728xf32, #tpu.memory_space<vmem>>, vector<16xf32>,
      %get3A_736 = vector.shape_cast %get3A_735 : vector<16xf32> to vector<16xf32>
      %mul3A_737 = arith.mulf %get3A_736, %get3A_736 : vector<16xf32>
      %add3A_738 = arith.addf %add3A_733, %mul3A_737 : vector<16xf32>
      %get3A_739 = arith.constant 704 : index
      %get3A_740 = tpu.vector_load %arg9[%get3A_739] {strides = array<i32>} : memref<1728xf32, #tpu.memory_space<vmem>>, vector<16xf32>,
      %get3A_741 = vector.shape_cast %get3A_740 : vector<16xf32> to vector<16xf32>
      %mul3A_742 = arith.mulf %get3A_741, %get3A_741 : vector<16xf32>
      %add3A_743 = arith.addf %add3A_738, %mul3A_742 : vector<16xf32>
      %get3A_744 = arith.constant 720 : index
      %get3A_745 = tpu.vector_load %arg9[%get3A_744] {strides = array<i32>} : memref<1728xf32, #tpu.memory_space<vmem>>, vector<16xf32>,
      %get3A_746 = vector.shape_cast %get3A_745 : vector<16xf32> to vector<16xf32>
      %mul3A_747 = arith.mulf %get3A_746, %get3A_746 : vector<16xf32>
      %add3A_748 = arith.addf %add3A_743, %mul3A_747 : vector<16xf32>
      %get3A_749 = arith.constant 736 : index
      %get3A_750 = tpu.vector_load %arg9[%get3A_749] {strides = array<i32>} : memref<1728xf32, #tpu.memory_space<vmem>>, vector<16xf32>,
      %get3A_751 = vector.shape_cast %get3A_750 : vector<16xf32> to vector<16xf32>
      %mul3A_752 = arith.mulf %get3A_751, %get3A_751 : vector<16xf32>
      %add3A_753 = arith.addf %add3A_748, %mul3A_752 : vector<16xf32>
      %get3A_754 = arith.constant 752 : index
      %get3A_755 = tpu.vector_load %arg9[%get3A_754] {strides = array<i32>} : memref<1728xf32, #tpu.memory_space<vmem>>, vector<16xf32>,
      %get3A_756 = vector.shape_cast %get3A_755 : vector<16xf32> to vector<16xf32>
      %mul3A_757 = arith.mulf %get3A_756, %get3A_756 : vector<16xf32>
      %add3A_758 = arith.addf %add3A_753, %mul3A_757 : vector<16xf32>
      %get3A_759 = arith.constant 768 : index
      %get3A_760 = tpu.vector_load %arg9[%get3A_759] {strides = array<i32>} : memref<1728xf32, #tpu.memory_space<vmem>>, vector<16xf32>,
      %get3A_761 = vector.shape_cast %get3A_760 : vector<16xf32> to vector<16xf32>
      %mul3A_762 = arith.mulf %get3A_761, %get3A_761 : vector<16xf32>
      %add3A_763 = arith.addf %add3A_758, %mul3A_762 : vector<16xf32>
      %get3A_764 = arith.constant 784 : index
      %get3A_765 = tpu.vector_load %arg9[%get3A_764] {strides = array<i32>} : memref<1728xf32, #tpu.memory_space<vmem>>, vector<16xf32>,
      %get3A_766 = vector.shape_cast %get3A_765 : vector<16xf32> to vector<16xf32>
      %mul3A_767 = arith.mulf %get3A_766, %get3A_766 : vector<16xf32>
      %add3A_768 = arith.addf %add3A_763, %mul3A_767 : vector<16xf32>
      %get3A_769 = arith.constant 800 : index
      %get3A_770 = tpu.vector_load %arg9[%get3A_769] {strides = array<i32>} : memref<1728xf32, #tpu.memory_space<vmem>>, vector<16xf32>,
      %get3A_771 = vector.shape_cast %get3A_770 : vector<16xf32> to vector<16xf32>
      %mul3A_772 = arith.mulf %get3A_771, %get3A_771 : vector<16xf32>
      %add3A_773 = arith.addf %add3A_768, %mul3A_772 : vector<16xf32>
      %get3A_774 = arith.constant 816 : index
      %get3A_775 = tpu.vector_load %arg9[%get3A_774] {strides = array<i32>} : memref<1728xf32, #tpu.memory_space<vmem>>, vector<16xf32>,
      %get3A_776 = vector.shape_cast %get3A_775 : vector<16xf32> to vector<16xf32>
      %mul3A_777 = arith.mulf %get3A_776, %get3A_776 : vector<16xf32>
      %add3A_778 = arith.addf %add3A_773, %mul3A_777 : vector<16xf32>
      %get3A_779 = arith.constant 832 : index
      %get3A_780 = tpu.vector_load %arg9[%get3A_779] {strides = array<i32>} : memref<1728xf32, #tpu.memory_space<vmem>>, vector<16xf32>,
      %get3A_781 = vector.shape_cast %get3A_780 : vector<16xf32> to vector<16xf32>
      %mul3A_782 = arith.mulf %get3A_781, %get3A_781 : vector<16xf32>
      %add3A_783 = arith.addf %add3A_778, %mul3A_782 : vector<16xf32>
      %get3A_784 = arith.constant 848 : index
      %get3A_785 = tpu.vector_load %arg9[%get3A_784] {strides = array<i32>} : memref<1728xf32, #tpu.memory_space<vmem>>, vector<16xf32>,
      %get3A_786 = vector.shape_cast %get3A_785 : vector<16xf32> to vector<16xf32>
      %mul3A_787 = arith.mulf %get3A_786, %get3A_786 : vector<16xf32>
      %add3A_788 = arith.addf %add3A_783, %mul3A_787 : vector<16xf32>
      %get3A_789 = arith.constant 864 : index
      %get3A_790 = tpu.vector_load %arg9[%get3A_789] {strides = array<i32>} : memref<1728xf32, #tpu.memory_space<vmem>>, vector<16xf32>,
      %get3A_791 = vector.shape_cast %get3A_790 : vector<16xf32> to vector<16xf32>
      %mul3A_792 = arith.mulf %get3A_791, %get3A_791 : vector<16xf32>
      %add3A_793 = arith.addf %add3A_788, %mul3A_792 : vector<16xf32>
      %get3A_794 = arith.constant 880 : index
      %get3A_795 = tpu.vector_load %arg9[%get3A_794] {strides = array<i32>} : memref<1728xf32, #tpu.memory_space<vmem>>, vector<16xf32>,
      %get3A_796 = vector.shape_cast %get3A_795 : vector<16xf32> to vector<16xf32>
      %mul3A_797 = arith.mulf %get3A_796, %get3A_796 : vector<16xf32>
      %add3A_798 = arith.addf %add3A_793, %mul3A_797 : vector<16xf32>
      %get3A_799 = arith.constant 896 : index
      %get3A_800 = tpu.vector_load %arg9[%get3A_799] {strides = array<i32>} : memref<1728xf32, #tpu.memory_space<vmem>>, vector<16xf32>,
      %get3A_801 = vector.shape_cast %get3A_800 : vector<16xf32> to vector<16xf32>
      %mul3A_802 = arith.mulf %get3A_801, %get3A_801 : vector<16xf32>
      %add3A_803 = arith.addf %add3A_798, %mul3A_802 : vector<16xf32>
      %get3A_804 = arith.constant 912 : index
      %get3A_805 = tpu.vector_load %arg9[%get3A_804] {strides = array<i32>} : memref<1728xf32, #tpu.memory_space<vmem>>, vector<16xf32>,
      %get3A_806 = vector.shape_cast %get3A_805 : vector<16xf32> to vector<16xf32>
      %mul3A_807 = arith.mulf %get3A_806, %get3A_806 : vector<16xf32>
      %add3A_808 = arith.addf %add3A_803, %mul3A_807 : vector<16xf32>
      %get3A_809 = arith.constant 928 : index
      %get3A_810 = tpu.vector_load %arg9[%get3A_809] {strides = array<i32>} : memref<1728xf32, #tpu.memory_space<vmem>>, vector<16xf32>,
      %get3A_811 = vector.shape_cast %get3A_810 : vector<16xf32> to vector<16xf32>
      %mul3A_812 = arith.mulf %get3A_811, %get3A_811 : vector<16xf32>
      %add3A_813 = arith.addf %add3A_808, %mul3A_812 : vector<16xf32>
      %get3A_814 = arith.constant 944 : index
      %get3A_815 = tpu.vector_load %arg9[%get3A_814] {strides = array<i32>} : memref<1728xf32, #tpu.memory_space<vmem>>, vector<16xf32>,
      %get3A_816 = vector.shape_cast %get3A_815 : vector<16xf32> to vector<16xf32>
      %mul3A_817 = arith.mulf %get3A_816, %get3A_816 : vector<16xf32>
      %add3A_818 = arith.addf %add3A_813, %mul3A_817 : vector<16xf32>
      %get3A_819 = arith.constant 960 : index
      %get3A_820 = tpu.vector_load %arg9[%get3A_819] {strides = array<i32>} : memref<1728xf32, #tpu.memory_space<vmem>>, vector<16xf32>,
      %get3A_821 = vector.shape_cast %get3A_820 : vector<16xf32> to vector<16xf32>
      %mul3A_822 = arith.mulf %get3A_821, %get3A_821 : vector<16xf32>
      %add3A_823 = arith.addf %add3A_818, %mul3A_822 : vector<16xf32>
      %get3A_824 = arith.constant 976 : index
      %get3A_825 = tpu.vector_load %arg9[%get3A_824] {strides = array<i32>} : memref<1728xf32, #tpu.memory_space<vmem>>, vector<16xf32>,
      %get3A_826 = vector.shape_cast %get3A_825 : vector<16xf32> to vector<16xf32>
      %mul3A_827 = arith.mulf %get3A_826, %get3A_826 : vector<16xf32>
      %add3A_828 = arith.addf %add3A_823, %mul3A_827 : vector<16xf32>
      %get3A_829 = arith.constant 992 : index
      %get3A_830 = tpu.vector_load %arg9[%get3A_829] {strides = array<i32>} : memref<1728xf32, #tpu.memory_space<vmem>>, vector<16xf32>,
      %get3A_831 = vector.shape_cast %get3A_830 : vector<16xf32> to vector<16xf32>
      %mul3A_832 = arith.mulf %get3A_831, %get3A_831 : vector<16xf32>
      %add3A_833 = arith.addf %add3A_828, %mul3A_832 : vector<16xf32>
      %get3A_834 = arith.constant 1008 : index
      %get3A_835 = tpu.vector_load %arg9[%get3A_834] {strides = array<i32>} : memref<1728xf32, #tpu.memory_space<vmem>>, vector<16xf32>,
      %get3A_836 = vector.shape_cast %get3A_835 : vector<16xf32> to vector<16xf32>
      %mul3A_837 = arith.mulf %get3A_836, %get3A_836 : vector<16xf32>
      %add3A_838 = arith.addf %add3A_833, %mul3A_837 : vector<16xf32>
      %get3A_839 = arith.constant 1024 : index
      %get3A_840 = tpu.vector_load %arg9[%get3A_839] {strides = array<i32>} : memref<1728xf32, #tpu.memory_space<vmem>>, vector<16xf32>,
      %get3A_841 = vector.shape_cast %get3A_840 : vector<16xf32> to vector<16xf32>
      %mul3A_842 = arith.mulf %get3A_841, %get3A_841 : vector<16xf32>
      %add3A_843 = arith.addf %add3A_838, %mul3A_842 : vector<16xf32>
      %get3A_844 = arith.constant 1040 : index
      %get3A_845 = tpu.vector_load %arg9[%get3A_844] {strides = array<i32>} : memref<1728xf32, #tpu.memory_space<vmem>>, vector<16xf32>,
      %get3A_846 = vector.shape_cast %get3A_845 : vector<16xf32> to vector<16xf32>
      %mul3A_847 = arith.mulf %get3A_846, %get3A_846 : vector<16xf32>
      %add3A_848 = arith.addf %add3A_843, %mul3A_847 : vector<16xf32>
      %get3A_849 = arith.constant 1056 : index
      %get3A_850 = tpu.vector_load %arg9[%get3A_849] {strides = array<i32>} : memref<1728xf32, #tpu.memory_space<vmem>>, vector<16xf32>,
      %get3A_851 = vector.shape_cast %get3A_850 : vector<16xf32> to vector<16xf32>
      %mul3A_852 = arith.mulf %get3A_851, %get3A_851 : vector<16xf32>
      %add3A_853 = arith.addf %add3A_848, %mul3A_852 : vector<16xf32>
      %get3A_854 = arith.constant 1072 : index
      %get3A_855 = tpu.vector_load %arg9[%get3A_854] {strides = array<i32>} : memref<1728xf32, #tpu.memory_space<vmem>>, vector<16xf32>,
      %get3A_856 = vector.shape_cast %get3A_855 : vector<16xf32> to vector<16xf32>
      %mul3A_857 = arith.mulf %get3A_856, %get3A_856 : vector<16xf32>
      %add3A_858 = arith.addf %add3A_853, %mul3A_857 : vector<16xf32>
      %get3A_859 = arith.constant 1088 : index
      %get3A_860 = tpu.vector_load %arg9[%get3A_859] {strides = array<i32>} : memref<1728xf32, #tpu.memory_space<vmem>>, vector<16xf32>,
      %get3A_861 = vector.shape_cast %get3A_860 : vector<16xf32> to vector<16xf32>
      %mul3A_862 = arith.mulf %get3A_861, %get3A_861 : vector<16xf32>
      %add3A_863 = arith.addf %add3A_858, %mul3A_862 : vector<16xf32>
      %get3A_864 = arith.constant 1104 : index
      %get3A_865 = tpu.vector_load %arg9[%get3A_864] {strides = array<i32>} : memref<1728xf32, #tpu.memory_space<vmem>>, vector<16xf32>,
      %get3A_866 = vector.shape_cast %get3A_865 : vector<16xf32> to vector<16xf32>
      %mul3A_867 = arith.mulf %get3A_866, %get3A_866 : vector<16xf32>
      %add3A_868 = arith.addf %add3A_863, %mul3A_867 : vector<16xf32>
      %get3A_869 = arith.constant 1120 : index
      %get3A_870 = tpu.vector_load %arg9[%get3A_869] {strides = array<i32>} : memref<1728xf32, #tpu.memory_space<vmem>>, vector<16xf32>,
      %get3A_871 = vector.shape_cast %get3A_870 : vector<16xf32> to vector<16xf32>
      %mul3A_872 = arith.mulf %get3A_871, %get3A_871 : vector<16xf32>
      %add3A_873 = arith.addf %add3A_868, %mul3A_872 : vector<16xf32>
      %get3A_874 = arith.constant 1136 : index
      %get3A_875 = tpu.vector_load %arg9[%get3A_874] {strides = array<i32>} : memref<1728xf32, #tpu.memory_space<vmem>>, vector<16xf32>,
      %get3A_876 = vector.shape_cast %get3A_875 : vector<16xf32> to vector<16xf32>
      %mul3A_877 = arith.mulf %get3A_876, %get3A_876 : vector<16xf32>
      %add3A_878 = arith.addf %add3A_873, %mul3A_877 : vector<16xf32>
      %get3A_879 = arith.constant 1152 : index
      %get3A_880 = tpu.vector_load %arg9[%get3A_879] {strides = array<i32>} : memref<1728xf32, #tpu.memory_space<vmem>>, vector<16xf32>,
      %get3A_881 = vector.shape_cast %get3A_880 : vector<16xf32> to vector<16xf32>
      %mul3A_882 = arith.mulf %get3A_881, %get3A_881 : vector<16xf32>
      %add3A_883 = arith.addf %add3A_878, %mul3A_882 : vector<16xf32>
      %get3A_884 = arith.constant 1168 : index
      %get3A_885 = tpu.vector_load %arg9[%get3A_884] {strides = array<i32>} : memref<1728xf32, #tpu.memory_space<vmem>>, vector<16xf32>,
      %get3A_886 = vector.shape_cast %get3A_885 : vector<16xf32> to vector<16xf32>
      %mul3A_887 = arith.mulf %get3A_886, %get3A_886 : vector<16xf32>
      %add3A_888 = arith.addf %add3A_883, %mul3A_887 : vector<16xf32>
      %get3A_889 = arith.constant 1184 : index
      %get3A_890 = tpu.vector_load %arg9[%get3A_889] {strides = array<i32>} : memref<1728xf32, #tpu.memory_space<vmem>>, vector<16xf32>,
      %get3A_891 = vector.shape_cast %get3A_890 : vector<16xf32> to vector<16xf32>
      %mul3A_892 = arith.mulf %get3A_891, %get3A_891 : vector<16xf32>
      %add3A_893 = arith.addf %add3A_888, %mul3A_892 : vector<16xf32>
      %get3A_894 = arith.constant 1200 : index
      %get3A_895 = tpu.vector_load %arg9[%get3A_894] {strides = array<i32>} : memref<1728xf32, #tpu.memory_space<vmem>>, vector<16xf32>,
      %get3A_896 = vector.shape_cast %get3A_895 : vector<16xf32> to vector<16xf32>
      %mul3A_897 = arith.mulf %get3A_896, %get3A_896 : vector<16xf32>
      %add3A_898 = arith.addf %add3A_893, %mul3A_897 : vector<16xf32>
      %get3A_899 = arith.constant 1216 : index
      %get3A_900 = tpu.vector_load %arg9[%get3A_899] {strides = array<i32>} : memref<1728xf32, #tpu.memory_space<vmem>>, vector<16xf32>,
      %get3A_901 = vector.shape_cast %get3A_900 : vector<16xf32> to vector<16xf32>
      %mul3A_902 = arith.mulf %get3A_901, %get3A_901 : vector<16xf32>
      %add3A_903 = arith.addf %add3A_898, %mul3A_902 : vector<16xf32>
      %get3A_904 = arith.constant 1232 : index
      %get3A_905 = tpu.vector_load %arg9[%get3A_904] {strides = array<i32>} : memref<1728xf32, #tpu.memory_space<vmem>>, vector<16xf32>,
      %get3A_906 = vector.shape_cast %get3A_905 : vector<16xf32> to vector<16xf32>
      %mul3A_907 = arith.mulf %get3A_906, %get3A_906 : vector<16xf32>
      %add3A_908 = arith.addf %add3A_903, %mul3A_907 : vector<16xf32>
      %get3A_909 = arith.constant 1248 : index
      %get3A_910 = tpu.vector_load %arg9[%get3A_909] {strides = array<i32>} : memref<1728xf32, #tpu.memory_space<vmem>>, vector<16xf32>,
      %get3A_911 = vector.shape_cast %get3A_910 : vector<16xf32> to vector<16xf32>
      %mul3A_912 = arith.mulf %get3A_911, %get3A_911 : vector<16xf32>
      %add3A_913 = arith.addf %add3A_908, %mul3A_912 : vector<16xf32>
      %get3A_914 = arith.constant 1264 : index
      %get3A_915 = tpu.vector_load %arg9[%get3A_914] {strides = array<i32>} : memref<1728xf32, #tpu.memory_space<vmem>>, vector<16xf32>,
      %get3A_916 = vector.shape_cast %get3A_915 : vector<16xf32> to vector<16xf32>
      %mul3A_917 = arith.mulf %get3A_916, %get3A_916 : vector<16xf32>
      %add3A_918 = arith.addf %add3A_913, %mul3A_917 : vector<16xf32>
      %get3A_919 = arith.constant 1280 : index
      %get3A_920 = tpu.vector_load %arg9[%get3A_919] {strides = array<i32>} : memref<1728xf32, #tpu.memory_space<vmem>>, vector<16xf32>,
      %get3A_921 = vector.shape_cast %get3A_920 : vector<16xf32> to vector<16xf32>
      %mul3A_922 = arith.mulf %get3A_921, %get3A_921 : vector<16xf32>
      %add3A_923 = arith.addf %add3A_918, %mul3A_922 : vector<16xf32>
      %get3A_924 = arith.constant 1296 : index
      %get3A_925 = tpu.vector_load %arg9[%get3A_924] {strides = array<i32>} : memref<1728xf32, #tpu.memory_space<vmem>>, vector<16xf32>,
      %get3A_926 = vector.shape_cast %get3A_925 : vector<16xf32> to vector<16xf32>
      %mul3A_927 = arith.mulf %get3A_926, %get3A_926 : vector<16xf32>
      %add3A_928 = arith.addf %add3A_923, %mul3A_927 : vector<16xf32>
      %get3A_929 = arith.constant 1312 : index
      %get3A_930 = tpu.vector_load %arg9[%get3A_929] {strides = array<i32>} : memref<1728xf32, #tpu.memory_space<vmem>>, vector<16xf32>,
      %get3A_931 = vector.shape_cast %get3A_930 : vector<16xf32> to vector<16xf32>
      %mul3A_932 = arith.mulf %get3A_931, %get3A_931 : vector<16xf32>
      %add3A_933 = arith.addf %add3A_928, %mul3A_932 : vector<16xf32>
      %get3A_934 = arith.constant 1328 : index
      %get3A_935 = tpu.vector_load %arg9[%get3A_934] {strides = array<i32>} : memref<1728xf32, #tpu.memory_space<vmem>>, vector<16xf32>,
      %get3A_936 = vector.shape_cast %get3A_935 : vector<16xf32> to vector<16xf32>
      %mul3A_937 = arith.mulf %get3A_936, %get3A_936 : vector<16xf32>
      %add3A_938 = arith.addf %add3A_933, %mul3A_937 : vector<16xf32>
      %get3A_939 = arith.constant 1344 : index
      %get3A_940 = tpu.vector_load %arg9[%get3A_939] {strides = array<i32>} : memref<1728xf32, #tpu.memory_space<vmem>>, vector<16xf32>,
      %get3A_941 = vector.shape_cast %get3A_940 : vector<16xf32> to vector<16xf32>
      %mul3A_942 = arith.mulf %get3A_941, %get3A_941 : vector<16xf32>
      %add3A_943 = arith.addf %add3A_938, %mul3A_942 : vector<16xf32>
      %get3A_944 = arith.constant 1360 : index
      %get3A_945 = tpu.vector_load %arg9[%get3A_944] {strides = array<i32>} : memref<1728xf32, #tpu.memory_space<vmem>>, vector<16xf32>,
      %get3A_946 = vector.shape_cast %get3A_945 : vector<16xf32> to vector<16xf32>
      %mul3A_947 = arith.mulf %get3A_946, %get3A_946 : vector<16xf32>
      %add3A_948 = arith.addf %add3A_943, %mul3A_947 : vector<16xf32>
      %get3A_949 = arith.constant 1376 : index
      %get3A_950 = tpu.vector_load %arg9[%get3A_949] {strides = array<i32>} : memref<1728xf32, #tpu.memory_space<vmem>>, vector<16xf32>,
      %get3A_951 = vector.shape_cast %get3A_950 : vector<16xf32> to vector<16xf32>
      %mul3A_952 = arith.mulf %get3A_951, %get3A_951 : vector<16xf32>
      %add3A_953 = arith.addf %add3A_948, %mul3A_952 : vector<16xf32>
      %get3A_954 = arith.constant 1392 : index
      %get3A_955 = tpu.vector_load %arg9[%get3A_954] {strides = array<i32>} : memref<1728xf32, #tpu.memory_space<vmem>>, vector<16xf32>,
      %get3A_956 = vector.shape_cast %get3A_955 : vector<16xf32> to vector<16xf32>
      %mul3A_957 = arith.mulf %get3A_956, %get3A_956 : vector<16xf32>
      %add3A_958 = arith.addf %add3A_953, %mul3A_957 : vector<16xf32>
      %get3A_959 = arith.constant 1408 : index
      %get3A_960 = tpu.vector_load %arg9[%get3A_959] {strides = array<i32>} : memref<1728xf32, #tpu.memory_space<vmem>>, vector<16xf32>,
      %get3A_961 = vector.shape_cast %get3A_960 : vector<16xf32> to vector<16xf32>
      %mul3A_962 = arith.mulf %get3A_961, %get3A_961 : vector<16xf32>
      %add3A_963 = arith.addf %add3A_958, %mul3A_962 : vector<16xf32>
      %get3A_964 = arith.constant 1424 : index
      %get3A_965 = tpu.vector_load %arg9[%get3A_964] {strides = array<i32>} : memref<1728xf32, #tpu.memory_space<vmem>>, vector<16xf32>,
      %get3A_966 = vector.shape_cast %get3A_965 : vector<16xf32> to vector<16xf32>
      %mul3A_967 = arith.mulf %get3A_966, %get3A_966 : vector<16xf32>
      %add3A_968 = arith.addf %add3A_963, %mul3A_967 : vector<16xf32>
      %get3A_969 = arith.constant 1440 : index
      %get3A_970 = tpu.vector_load %arg9[%get3A_969] {strides = array<i32>} : memref<1728xf32, #tpu.memory_space<vmem>>, vector<16xf32>,
      %get3A_971 = vector.shape_cast %get3A_970 : vector<16xf32> to vector<16xf32>
      %mul3A_972 = arith.mulf %get3A_971, %get3A_971 : vector<16xf32>
      %add3A_973 = arith.addf %add3A_968, %mul3A_972 : vector<16xf32>
      %get3A_974 = arith.constant 1456 : index
      %get3A_975 = tpu.vector_load %arg9[%get3A_974] {strides = array<i32>} : memref<1728xf32, #tpu.memory_space<vmem>>, vector<16xf32>,
      %get3A_976 = vector.shape_cast %get3A_975 : vector<16xf32> to vector<16xf32>
      %mul3A_977 = arith.mulf %get3A_976, %get3A_976 : vector<16xf32>
      %add3A_978 = arith.addf %add3A_973, %mul3A_977 : vector<16xf32>
      %get3A_979 = arith.constant 1472 : index
      %get3A_980 = tpu.vector_load %arg9[%get3A_979] {strides = array<i32>} : memref<1728xf32, #tpu.memory_space<vmem>>, vector<16xf32>,
      %get3A_981 = vector.shape_cast %get3A_980 : vector<16xf32> to vector<16xf32>
      %mul3A_982 = arith.mulf %get3A_981, %get3A_981 : vector<16xf32>
      %add3A_983 = arith.addf %add3A_978, %mul3A_982 : vector<16xf32>
      %get3A_984 = arith.constant 1488 : index
      %get3A_985 = tpu.vector_load %arg9[%get3A_984] {strides = array<i32>} : memref<1728xf32, #tpu.memory_space<vmem>>, vector<16xf32>,
      %get3A_986 = vector.shape_cast %get3A_985 : vector<16xf32> to vector<16xf32>
      %mul3A_987 = arith.mulf %get3A_986, %get3A_986 : vector<16xf32>
      %add3A_988 = arith.addf %add3A_983, %mul3A_987 : vector<16xf32>
      %get3A_989 = arith.constant 1504 : index
      %get3A_990 = tpu.vector_load %arg9[%get3A_989] {strides = array<i32>} : memref<1728xf32, #tpu.memory_space<vmem>>, vector<16xf32>,
      %get3A_991 = vector.shape_cast %get3A_990 : vector<16xf32> to vector<16xf32>
      %mul3A_992 = arith.mulf %get3A_991, %get3A_991 : vector<16xf32>
      %add3A_993 = arith.addf %add3A_988, %mul3A_992 : vector<16xf32>
      %get3A_994 = arith.constant 1520 : index
      %get3A_995 = tpu.vector_load %arg9[%get3A_994] {strides = array<i32>} : memref<1728xf32, #tpu.memory_space<vmem>>, vector<16xf32>,
      %get3A_996 = vector.shape_cast %get3A_995 : vector<16xf32> to vector<16xf32>
      %mul3A_997 = arith.mulf %get3A_996, %get3A_996 : vector<16xf32>
      %add3A_998 = arith.addf %add3A_993, %mul3A_997 : vector<16xf32>
      %get3A_999 = arith.constant 1536 : index
      %get3A_1000 = tpu.vector_load %arg9[%get3A_999] {strides = array<i32>} : memref<1728xf32, #tpu.memory_space<vmem>>, vector<16xf32>,
      %get3A_1001 = vector.shape_cast %get3A_1000 : vector<16xf32> to vector<16xf32>
      %mul3A_1002 = arith.mulf %get3A_1001, %get3A_1001 : vector<16xf32>
      %add3A_1003 = arith.addf %add3A_998, %mul3A_1002 : vector<16xf32>
      %get3A_1004 = arith.constant 1552 : index
      %get3A_1005 = tpu.vector_load %arg9[%get3A_1004] {strides = array<i32>} : memref<1728xf32, #tpu.memory_space<vmem>>, vector<16xf32>,
      %get3A_1006 = vector.shape_cast %get3A_1005 : vector<16xf32> to vector<16xf32>
      %mul3A_1007 = arith.mulf %get3A_1006, %get3A_1006 : vector<16xf32>
      %add3A_1008 = arith.addf %add3A_1003, %mul3A_1007 : vector<16xf32>
      %get3A_1009 = arith.constant 1568 : index
      %get3A_1010 = tpu.vector_load %arg9[%get3A_1009] {strides = array<i32>} : memref<1728xf32, #tpu.memory_space<vmem>>, vector<16xf32>,
      %get3A_1011 = vector.shape_cast %get3A_1010 : vector<16xf32> to vector<16xf32>
      %mul3A_1012 = arith.mulf %get3A_1011, %get3A_1011 : vector<16xf32>
      %add3A_1013 = arith.addf %add3A_1008, %mul3A_1012 : vector<16xf32>
      %get3A_1014 = arith.constant 1584 : index
      %get3A_1015 = tpu.vector_load %arg9[%get3A_1014] {strides = array<i32>} : memref<1728xf32, #tpu.memory_space<vmem>>, vector<16xf32>,
      %get3A_1016 = vector.shape_cast %get3A_1015 : vector<16xf32> to vector<16xf32>
      %mul3A_1017 = arith.mulf %get3A_1016, %get3A_1016 : vector<16xf32>
      %add3A_1018 = arith.addf %add3A_1013, %mul3A_1017 : vector<16xf32>
      %get3A_1019 = arith.constant 1600 : index
      %get3A_1020 = tpu.vector_load %arg9[%get3A_1019] {strides = array<i32>} : memref<1728xf32, #tpu.memory_space<vmem>>, vector<16xf32>,
      %get3A_1021 = vector.shape_cast %get3A_1020 : vector<16xf32> to vector<16xf32>
      %mul3A_1022 = arith.mulf %get3A_1021, %get3A_1021 : vector<16xf32>
      %add3A_1023 = arith.addf %add3A_1018, %mul3A_1022 : vector<16xf32>
      %get3A_1024 = arith.constant 1616 : index
      %get3A_1025 = tpu.vector_load %arg9[%get3A_1024] {strides = array<i32>} : memref<1728xf32, #tpu.memory_space<vmem>>, vector<16xf32>,
      %get3A_1026 = vector.shape_cast %get3A_1025 : vector<16xf32> to vector<16xf32>
      %mul3A_1027 = arith.mulf %get3A_1026, %get3A_1026 : vector<16xf32>
      %add3A_1028 = arith.addf %add3A_1023, %mul3A_1027 : vector<16xf32>
      %get3A_1029 = arith.constant 1632 : index
      %get3A_1030 = tpu.vector_load %arg9[%get3A_1029] {strides = array<i32>} : memref<1728xf32, #tpu.memory_space<vmem>>, vector<16xf32>,
      %get3A_1031 = vector.shape_cast %get3A_1030 : vector<16xf32> to vector<16xf32>
      %mul3A_1032 = arith.mulf %get3A_1031, %get3A_1031 : vector<16xf32>
      %add3A_1033 = arith.addf %add3A_1028, %mul3A_1032 : vector<16xf32>
      %get3A_1034 = arith.constant 1648 : index
      %get3A_1035 = tpu.vector_load %arg9[%get3A_1034] {strides = array<i32>} : memref<1728xf32, #tpu.memory_space<vmem>>, vector<16xf32>,
      %get3A_1036 = vector.shape_cast %get3A_1035 : vector<16xf32> to vector<16xf32>
      %mul3A_1037 = arith.mulf %get3A_1036, %get3A_1036 : vector<16xf32>
      %add3A_1038 = arith.addf %add3A_1033, %mul3A_1037 : vector<16xf32>
      %get3A_1039 = arith.constant 1664 : index
      %get3A_1040 = tpu.vector_load %arg9[%get3A_1039] {strides = array<i32>} : memref<1728xf32, #tpu.memory_space<vmem>>, vector<16xf32>,
      %get3A_1041 = vector.shape_cast %get3A_1040 : vector<16xf32> to vector<16xf32>
      %mul3A_1042 = arith.mulf %get3A_1041, %get3A_1041 : vector<16xf32>
      %add3A_1043 = arith.addf %add3A_1038, %mul3A_1042 : vector<16xf32>
      %get3A_1044 = arith.constant 1680 : index
      %get3A_1045 = tpu.vector_load %arg9[%get3A_1044] {strides = array<i32>} : memref<1728xf32, #tpu.memory_space<vmem>>, vector<16xf32>,
      %get3A_1046 = vector.shape_cast %get3A_1045 : vector<16xf32> to vector<16xf32>
      %mul3A_1047 = arith.mulf %get3A_1046, %get3A_1046 : vector<16xf32>
      %add3A_1048 = arith.addf %add3A_1043, %mul3A_1047 : vector<16xf32>
      %get3A_1049 = arith.constant 1696 : index
      %get3A_1050 = tpu.vector_load %arg9[%get3A_1049] {strides = array<i32>} : memref<1728xf32, #tpu.memory_space<vmem>>, vector<16xf32>,
      %get3A_1051 = vector.shape_cast %get3A_1050 : vector<16xf32> to vector<16xf32>
      %mul3A_1052 = arith.mulf %get3A_1051, %get3A_1051 : vector<16xf32>
      %add3A_1053 = arith.addf %add3A_1048, %mul3A_1052 : vector<16xf32>
      %get3A_1054 = arith.constant 1712 : index
      %get3A_1055 = tpu.vector_load %arg9[%get3A_1054] {strides = array<i32>} : memref<1728xf32, #tpu.memory_space<vmem>>, vector<16xf32>,
      %get3A_1056 = vector.shape_cast %get3A_1055 : vector<16xf32> to vector<16xf32>
      %mul3A_1057 = arith.mulf %get3A_1056, %get3A_1056 : vector<16xf32>
      %add3A_1058 = arith.addf %add3A_1053, %mul3A_1057 : vector<16xf32>
      %swap3A_1059 = arith.constant 0 : index
      %swap3A_1060 = tpu.vector_load %arg11[%swap3A_1059] {strides = array<i32>} : memref<16xf32, #tpu.memory_space<vmem>>, vector<16xf32>,
      %swap3A_1061 = vector.shape_cast %swap3A_1060 : vector<16xf32> to vector<16xf32>
      %swap3A_1062 = vector.shape_cast %add3A_1058 : vector<16xf32> to vector<16xf32>
      tpu.vector_store %arg11[%swap3A_1059], %swap3A_1062 {strides = array<i32>} : memref<16xf32, #tpu.memory_space<vmem>>, vector<16xf32>,
      %mul3A_1063 = arith.constant 16 : i32
      %mul3A_1064 = arith.muli %arg1, %mul3A_1063 : i32
      "tpu.region"() ({
        %run_scoped3A_1071 = tpu.sem_alloc : memref<!tpu.dma_semaphore, #tpu.memory_space<semaphore_mem>>
        %dma_start3A = tpu.memref_slice %arg13[%mul3A_1064] : memref<256xf32, #tpu.memory_space<vmem_shared>> -> memref<16xf32, #tpu.memory_space<vmem_shared>>
        %dma_start3A_1072 = tpu.memref_slice %arg13[%mul3A_1064] : memref<256xf32, #tpu.memory_space<vmem_shared>> -> memref<16xf32, #tpu.memory_space<vmem_shared>>
        tpu.enqueue_dma source(%arg11 : memref<16xf32, #tpu.memory_space<vmem>>) target(%dma_start3A_1072 : memref<16xf32, #tpu.memory_space<vmem_shared>>) target_semaphore(%run_scoped3A_1071 : memref<!tpu.dma_semaphore, #tpu.memory_space<semaphore_mem>>)
        %dma_wait3A = tpu.memref_slice %arg13[%mul3A_1064] : memref<256xf32, #tpu.memory_space<vmem_shared>> -> memref<16xf32, #tpu.memory_space<vmem_shared>>
        %dma_wait3A_1073 = tpu.memref_slice %arg13[%mul3A_1064] : memref<256xf32, #tpu.memory_space<vmem_shared>> -> memref<16xf32, #tpu.memory_space<vmem_shared>>
        tpu.wait_dma2 semaphore(%run_scoped3A_1071 : memref<!tpu.dma_semaphore, #tpu.memory_space<semaphore_mem>>) src(%arg11 : memref<16xf32, #tpu.memory_space<vmem>>) dst(%dma_wait3A_1073 : memref<16xf32, #tpu.memory_space<vmem_shared>>)
        tpu.yield
      }) : () -> ()
      %barrier3A_1065 = arith.constant 0 : index
      tpu.barrier barrier_id(%barrier3A_1065)
      %eq3A_1066 = arith.constant 0 : i32
      %eq3A_1067 = arith.cmpi eq, %arg1, %eq3A_1066 : i32
      %convert_element_type3A_1068 = arith.extui %eq3A_1067 : i1 to i32
      %cond3A_1069 = arith.constant 0 : i32
      %cond3A_1070 = arith.cmpi ne, %convert_element_type3A_1068, %cond3A_1069 : i32
      scf.if %cond3A_1070 {
        "tpu.region"() ({
          %run_scoped3A_1191 = tpu.sem_alloc : memref<!tpu.dma_semaphore, #tpu.memory_space<semaphore_mem>>
          tpu.enqueue_dma source(%arg13 : memref<256xf32, #tpu.memory_space<vmem_shared>>) target(%arg10 : memref<256xf32, #tpu.memory_space<vmem>>) target_semaphore(%run_scoped3A_1191 : memref<!tpu.dma_semaphore, #tpu.memory_space<semaphore_mem>>)
          tpu.wait_dma2 semaphore(%run_scoped3A_1191 : memref<!tpu.dma_semaphore, #tpu.memory_space<semaphore_mem>>) src(%arg13 : memref<256xf32, #tpu.memory_space<vmem_shared>>) dst(%arg10 : memref<256xf32, #tpu.memory_space<vmem>>)
          tpu.yield
        }) : () -> ()
        %broadcast_in_dim3A_1071 = arith.constant 0.000000e+00 : f32
        %broadcast_in_dim3A_1072 = vector.broadcast %broadcast_in_dim3A_1071 : f32 to vector<16xf32>
        %get3A_1073 = arith.constant 0 : index
        %get3A_1074 = tpu.vector_load %arg10[%get3A_1073] {strides = array<i32>} : memref<256xf32, #tpu.memory_space<vmem>>, vector<16xf32>,
        %get3A_1075 = vector.shape_cast %get3A_1074 : vector<16xf32> to vector<16xf32>
        %add3A_1076 = arith.addf %broadcast_in_dim3A_1072, %get3A_1075 : vector<16xf32>
        %get3A_1077 = arith.constant 16 : index
        %get3A_1078 = tpu.vector_load %arg10[%get3A_1077] {strides = array<i32>} : memref<256xf32, #tpu.memory_space<vmem>>, vector<16xf32>,
        %get3A_1079 = vector.shape_cast %get3A_1078 : vector<16xf32> to vector<16xf32>
        %add3A_1080 = arith.addf %add3A_1076, %get3A_1079 : vector<16xf32>
        %get3A_1081 = arith.constant 32 : index
        %get3A_1082 = tpu.vector_load %arg10[%get3A_1081] {strides = array<i32>} : memref<256xf32, #tpu.memory_space<vmem>>, vector<16xf32>,
        %get3A_1083 = vector.shape_cast %get3A_1082 : vector<16xf32> to vector<16xf32>
        %add3A_1084 = arith.addf %add3A_1080, %get3A_1083 : vector<16xf32>
        %get3A_1085 = arith.constant 48 : index
        %get3A_1086 = tpu.vector_load %arg10[%get3A_1085] {strides = array<i32>} : memref<256xf32, #tpu.memory_space<vmem>>, vector<16xf32>,
        %get3A_1087 = vector.shape_cast %get3A_1086 : vector<16xf32> to vector<16xf32>
        %add3A_1088 = arith.addf %add3A_1084, %get3A_1087 : vector<16xf32>
        %get3A_1089 = arith.constant 64 : index
        %get3A_1090 = tpu.vector_load %arg10[%get3A_1089] {strides = array<i32>} : memref<256xf32, #tpu.memory_space<vmem>>, vector<16xf32>,
        %get3A_1091 = vector.shape_cast %get3A_1090 : vector<16xf32> to vector<16xf32>
        %add3A_1092 = arith.addf %add3A_1088, %get3A_1091 : vector<16xf32>
        %get3A_1093 = arith.constant 80 : index
        %get3A_1094 = tpu.vector_load %arg10[%get3A_1093] {strides = array<i32>} : memref<256xf32, #tpu.memory_space<vmem>>, vector<16xf32>,
        %get3A_1095 = vector.shape_cast %get3A_1094 : vector<16xf32> to vector<16xf32>
        %add3A_1096 = arith.addf %add3A_1092, %get3A_1095 : vector<16xf32>
        %get3A_1097 = arith.constant 96 : index
        %get3A_1098 = tpu.vector_load %arg10[%get3A_1097] {strides = array<i32>} : memref<256xf32, #tpu.memory_space<vmem>>, vector<16xf32>,
        %get3A_1099 = vector.shape_cast %get3A_1098 : vector<16xf32> to vector<16xf32>
        %add3A_1100 = arith.addf %add3A_1096, %get3A_1099 : vector<16xf32>
        %get3A_1101 = arith.constant 112 : index
        %get3A_1102 = tpu.vector_load %arg10[%get3A_1101] {strides = array<i32>} : memref<256xf32, #tpu.memory_space<vmem>>, vector<16xf32>,
        %get3A_1103 = vector.shape_cast %get3A_1102 : vector<16xf32> to vector<16xf32>
        %add3A_1104 = arith.addf %add3A_1100, %get3A_1103 : vector<16xf32>
        %get3A_1105 = arith.constant 128 : index
        %get3A_1106 = tpu.vector_load %arg10[%get3A_1105] {strides = array<i32>} : memref<256xf32, #tpu.memory_space<vmem>>, vector<16xf32>,
        %get3A_1107 = vector.shape_cast %get3A_1106 : vector<16xf32> to vector<16xf32>
        %add3A_1108 = arith.addf %add3A_1104, %get3A_1107 : vector<16xf32>
        %get3A_1109 = arith.constant 144 : index
        %get3A_1110 = tpu.vector_load %arg10[%get3A_1109] {strides = array<i32>} : memref<256xf32, #tpu.memory_space<vmem>>, vector<16xf32>,
        %get3A_1111 = vector.shape_cast %get3A_1110 : vector<16xf32> to vector<16xf32>
        %add3A_1112 = arith.addf %add3A_1108, %get3A_1111 : vector<16xf32>
        %get3A_1113 = arith.constant 160 : index
        %get3A_1114 = tpu.vector_load %arg10[%get3A_1113] {strides = array<i32>} : memref<256xf32, #tpu.memory_space<vmem>>, vector<16xf32>,
        %get3A_1115 = vector.shape_cast %get3A_1114 : vector<16xf32> to vector<16xf32>
        %add3A_1116 = arith.addf %add3A_1112, %get3A_1115 : vector<16xf32>
        %get3A_1117 = arith.constant 176 : index
        %get3A_1118 = tpu.vector_load %arg10[%get3A_1117] {strides = array<i32>} : memref<256xf32, #tpu.memory_space<vmem>>, vector<16xf32>,
        %get3A_1119 = vector.shape_cast %get3A_1118 : vector<16xf32> to vector<16xf32>
        %add3A_1120 = arith.addf %add3A_1116, %get3A_1119 : vector<16xf32>
        %get3A_1121 = arith.constant 192 : index
        %get3A_1122 = tpu.vector_load %arg10[%get3A_1121] {strides = array<i32>} : memref<256xf32, #tpu.memory_space<vmem>>, vector<16xf32>,
        %get3A_1123 = vector.shape_cast %get3A_1122 : vector<16xf32> to vector<16xf32>
        %add3A_1124 = arith.addf %add3A_1120, %get3A_1123 : vector<16xf32>
        %get3A_1125 = arith.constant 208 : index
        %get3A_1126 = tpu.vector_load %arg10[%get3A_1125] {strides = array<i32>} : memref<256xf32, #tpu.memory_space<vmem>>, vector<16xf32>,
        %get3A_1127 = vector.shape_cast %get3A_1126 : vector<16xf32> to vector<16xf32>
        %add3A_1128 = arith.addf %add3A_1124, %get3A_1127 : vector<16xf32>
        %get3A_1129 = arith.constant 224 : index
        %get3A_1130 = tpu.vector_load %arg10[%get3A_1129] {strides = array<i32>} : memref<256xf32, #tpu.memory_space<vmem>>, vector<16xf32>,
        %get3A_1131 = vector.shape_cast %get3A_1130 : vector<16xf32> to vector<16xf32>
        %add3A_1132 = arith.addf %add3A_1128, %get3A_1131 : vector<16xf32>
        %get3A_1133 = arith.constant 240 : index
        %get3A_1134 = tpu.vector_load %arg10[%get3A_1133] {strides = array<i32>} : memref<256xf32, #tpu.memory_space<vmem>>, vector<16xf32>,
        %get3A_1135 = vector.shape_cast %get3A_1134 : vector<16xf32> to vector<16xf32>
        %add3A_1136 = arith.addf %add3A_1132, %get3A_1135 : vector<16xf32>
        %slice3A = vector.extract_strided_slice %add3A_1136 {offsets = [0], sizes = [1], strides = [1]} : vector<16xf32> to vector<1xf32>
        %squeeze3A = vector.extract %slice3A[0] : f32 from vector<1xf32>
        %add3A_1137 = arith.constant 0.000000e+00 : f32
        %add3A_1138 = arith.addf %add3A_1137, %squeeze3A : f32
        %slice3A_1139 = vector.extract_strided_slice %add3A_1136 {offsets = [1], sizes = [1], strides = [1]} : vector<16xf32> to vector<1xf32>
        %squeeze3A_1140 = vector.extract %slice3A_1139[0] : f32 from vector<1xf32>
        %add3A_1141 = arith.addf %add3A_1138, %squeeze3A_1140 : f32
        %slice3A_1142 = vector.extract_strided_slice %add3A_1136 {offsets = [2], sizes = [1], strides = [1]} : vector<16xf32> to vector<1xf32>
        %squeeze3A_1143 = vector.extract %slice3A_1142[0] : f32 from vector<1xf32>
        %add3A_1144 = arith.addf %add3A_1141, %squeeze3A_1143 : f32
        %slice3A_1145 = vector.extract_strided_slice %add3A_1136 {offsets = [3], sizes = [1], strides = [1]} : vector<16xf32> to vector<1xf32>
        %squeeze3A_1146 = vector.extract %slice3A_1145[0] : f32 from vector<1xf32>
        %add3A_1147 = arith.addf %add3A_1144, %squeeze3A_1146 : f32
        %slice3A_1148 = vector.extract_strided_slice %add3A_1136 {offsets = [4], sizes = [1], strides = [1]} : vector<16xf32> to vector<1xf32>
        %squeeze3A_1149 = vector.extract %slice3A_1148[0] : f32 from vector<1xf32>
        %add3A_1150 = arith.addf %add3A_1147, %squeeze3A_1149 : f32
        %slice3A_1151 = vector.extract_strided_slice %add3A_1136 {offsets = [5], sizes = [1], strides = [1]} : vector<16xf32> to vector<1xf32>
        %squeeze3A_1152 = vector.extract %slice3A_1151[0] : f32 from vector<1xf32>
        %add3A_1153 = arith.addf %add3A_1150, %squeeze3A_1152 : f32
        %slice3A_1154 = vector.extract_strided_slice %add3A_1136 {offsets = [6], sizes = [1], strides = [1]} : vector<16xf32> to vector<1xf32>
        %squeeze3A_1155 = vector.extract %slice3A_1154[0] : f32 from vector<1xf32>
        %add3A_1156 = arith.addf %add3A_1153, %squeeze3A_1155 : f32
        %slice3A_1157 = vector.extract_strided_slice %add3A_1136 {offsets = [7], sizes = [1], strides = [1]} : vector<16xf32> to vector<1xf32>
        %squeeze3A_1158 = vector.extract %slice3A_1157[0] : f32 from vector<1xf32>
        %add3A_1159 = arith.addf %add3A_1156, %squeeze3A_1158 : f32
        %slice3A_1160 = vector.extract_strided_slice %add3A_1136 {offsets = [8], sizes = [1], strides = [1]} : vector<16xf32> to vector<1xf32>
        %squeeze3A_1161 = vector.extract %slice3A_1160[0] : f32 from vector<1xf32>
        %add3A_1162 = arith.addf %add3A_1159, %squeeze3A_1161 : f32
        %slice3A_1163 = vector.extract_strided_slice %add3A_1136 {offsets = [9], sizes = [1], strides = [1]} : vector<16xf32> to vector<1xf32>
        %squeeze3A_1164 = vector.extract %slice3A_1163[0] : f32 from vector<1xf32>
        %add3A_1165 = arith.addf %add3A_1162, %squeeze3A_1164 : f32
        %slice3A_1166 = vector.extract_strided_slice %add3A_1136 {offsets = [10], sizes = [1], strides = [1]} : vector<16xf32> to vector<1xf32>
        %squeeze3A_1167 = vector.extract %slice3A_1166[0] : f32 from vector<1xf32>
        %add3A_1168 = arith.addf %add3A_1165, %squeeze3A_1167 : f32
        %slice3A_1169 = vector.extract_strided_slice %add3A_1136 {offsets = [11], sizes = [1], strides = [1]} : vector<16xf32> to vector<1xf32>
        %squeeze3A_1170 = vector.extract %slice3A_1169[0] : f32 from vector<1xf32>
        %add3A_1171 = arith.addf %add3A_1168, %squeeze3A_1170 : f32
        %slice3A_1172 = vector.extract_strided_slice %add3A_1136 {offsets = [12], sizes = [1], strides = [1]} : vector<16xf32> to vector<1xf32>
        %squeeze3A_1173 = vector.extract %slice3A_1172[0] : f32 from vector<1xf32>
        %add3A_1174 = arith.addf %add3A_1171, %squeeze3A_1173 : f32
        %slice3A_1175 = vector.extract_strided_slice %add3A_1136 {offsets = [13], sizes = [1], strides = [1]} : vector<16xf32> to vector<1xf32>
        %squeeze3A_1176 = vector.extract %slice3A_1175[0] : f32 from vector<1xf32>
        %add3A_1177 = arith.addf %add3A_1174, %squeeze3A_1176 : f32
        %slice3A_1178 = vector.extract_strided_slice %add3A_1136 {offsets = [14], sizes = [1], strides = [1]} : vector<16xf32> to vector<1xf32>
        %squeeze3A_1179 = vector.extract %slice3A_1178[0] : f32 from vector<1xf32>
        %add3A_1180 = arith.addf %add3A_1177, %squeeze3A_1179 : f32
        %slice3A_1181 = vector.extract_strided_slice %add3A_1136 {offsets = [15], sizes = [1], strides = [1]} : vector<16xf32> to vector<1xf32>
        %squeeze3A_1182 = vector.extract %slice3A_1181[0] : f32 from vector<1xf32>
        %add3A_1183 = arith.addf %add3A_1180, %squeeze3A_1182 : f32
        %mul3A_1184 = arith.constant 3.63266481E-5 : f32
        %mul3A_1185 = arith.mulf %add3A_1183, %mul3A_1184 : f32
        %broadcast_in_dim3A_1186 = vector.broadcast %mul3A_1185 : f32 to vector<16xf32>
        %swap3A_1187 = arith.constant 0 : index
        %swap3A_1188 = tpu.vector_load %arg11[%swap3A_1187] {strides = array<i32>} : memref<16xf32, #tpu.memory_space<vmem>>, vector<16xf32>,
        %swap3A_1189 = vector.shape_cast %swap3A_1188 : vector<16xf32> to vector<16xf32>
        %swap3A_1190 = vector.shape_cast %broadcast_in_dim3A_1186 : vector<16xf32> to vector<16xf32>
        tpu.vector_store %arg11[%swap3A_1187], %swap3A_1190 {strides = array<i32>} : memref<16xf32, #tpu.memory_space<vmem>>, vector<16xf32>,
        "tpu.region"() ({
          %run_scoped3A_1191 = tpu.sem_alloc : memref<!tpu.dma_semaphore, #tpu.memory_space<semaphore_mem>>
          tpu.enqueue_dma source(%arg11 : memref<16xf32, #tpu.memory_space<vmem>>) target(%arg4 : memref<16xf32, #tpu.memory_space<hbm>>) target_semaphore(%run_scoped3A_1191 : memref<!tpu.dma_semaphore, #tpu.memory_space<semaphore_mem>>)
          tpu.wait_dma2 semaphore(%run_scoped3A_1191 : memref<!tpu.dma_semaphore, #tpu.memory_space<semaphore_mem>>) src(%arg11 : memref<16xf32, #tpu.memory_space<vmem>>) dst(%arg4 : memref<16xf32, #tpu.memory_space<hbm>>)
          tpu.yield
        }) : () -> ()
      } else {
      }
    } else {
    }
    return
  }
}

module attributes {stable_mosaic.version = 14 : i64} {
  func.func @_idx_body(%arg0: memref<128x128xf32, #tpu.memory_space<vmem>>, %arg1: memref<128x128xf32, #tpu.memory_space<vmem>>, %arg2: memref<32x128xf32, #tpu.memory_space<vmem>>, %arg3: memref<32x128xf32, #tpu.memory_space<vmem>>, %arg4: memref<128x128xi32, #tpu.memory_space<vmem>>, %arg5: memref<32x128xi32, #tpu.memory_space<vmem>>) attributes {dimension_semantics = [], scalar_prefetch = 0 : i64, scratch_operands = 0 : i64, tpu.core_type = #tpu.core_type<tc>} {
    %get3A = arith.constant 0 : index
    %get3A_0 = arith.constant 0 : index
    %get3A_1 = vector.load %arg0[%get3A, %get3A_0] : memref<128x128xf32, #tpu.memory_space<vmem>>, vector<128x128xf32>
    %get3A_2 = arith.constant 0 : index
    %get3A_3 = arith.constant 0 : index
    %get3A_4 = vector.load %arg1[%get3A_2, %get3A_3] : memref<128x128xf32, #tpu.memory_space<vmem>>, vector<128x128xf32>
    %reduce_min3A = vector.shape_cast %get3A_1 : vector<128x128xf32> to vector<1x128x128xf32>
    %reduce_min3A_5 = arith.constant dense<0x7F800000> : vector<1xf32>
    %reduce_min3A_6 = vector.multi_reduction <minimumf>, %reduce_min3A, %reduce_min3A_5 [1, 2] : vector<1x128x128xf32> to vector<1xf32>
    %reduce_min3A_7 = vector.shape_cast %reduce_min3A_6 : vector<1xf32> to vector<1x1x1xf32>
    %reduce_min3A_8 = vector.extract %reduce_min3A_7[0, 0, 0] : f32 from vector<1x1x1xf32>
    %sub3A = vector.broadcast %reduce_min3A_8 : f32 to vector<128x128xf32>
    %sub3A_9 = arith.subf %get3A_1, %sub3A : vector<128x128xf32>
    %reduce_min3A_10 = vector.shape_cast %get3A_4 : vector<128x128xf32> to vector<1x128x128xf32>
    %reduce_min3A_11 = arith.constant dense<0x7F800000> : vector<1xf32>
    %reduce_min3A_12 = vector.multi_reduction <minimumf>, %reduce_min3A_10, %reduce_min3A_11 [1, 2] : vector<1x128x128xf32> to vector<1xf32>
    %reduce_min3A_13 = vector.shape_cast %reduce_min3A_12 : vector<1xf32> to vector<1x1x1xf32>
    %reduce_min3A_14 = vector.extract %reduce_min3A_13[0, 0, 0] : f32 from vector<1x1x1xf32>
    %sub3A_15 = vector.broadcast %reduce_min3A_14 : f32 to vector<128x128xf32>
    %sub3A_16 = arith.subf %get3A_4, %sub3A_15 : vector<128x128xf32>
    %reduce_max3A = vector.shape_cast %sub3A_9 : vector<128x128xf32> to vector<1x128x128xf32>
    %reduce_max3A_17 = arith.constant dense<0xFF800000> : vector<1xf32>
    %reduce_max3A_18 = vector.multi_reduction <maximumf>, %reduce_max3A, %reduce_max3A_17 [1, 2] : vector<1x128x128xf32> to vector<1xf32>
    %reduce_max3A_19 = vector.shape_cast %reduce_max3A_18 : vector<1xf32> to vector<1x1x1xf32>
    %reduce_max3A_20 = vector.extract %reduce_max3A_19[0, 0, 0] : f32 from vector<1x1x1xf32>
    %div3A = vector.broadcast %reduce_max3A_20 : f32 to vector<128x128xf32>
    %div3A_21 = arith.divf %sub3A_9, %div3A : vector<128x128xf32>
    %mul3A = arith.constant 2.210000e+02 : f32
    %mul3A_22 = vector.broadcast %mul3A : f32 to vector<128x128xf32>
    %mul3A_23 = arith.mulf %div3A_21, %mul3A_22 : vector<128x128xf32>
    %round3A = math.roundeven %mul3A_23 : vector<128x128xf32>
    %convert_element_type3A = arith.fptosi %round3A : vector<128x128xf32> to vector<128x128xi32>
    %reduce_max3A_24 = vector.shape_cast %sub3A_16 : vector<128x128xf32> to vector<1x128x128xf32>
    %reduce_max3A_25 = arith.constant dense<0xFF800000> : vector<1xf32>
    %reduce_max3A_26 = vector.multi_reduction <maximumf>, %reduce_max3A_24, %reduce_max3A_25 [1, 2] : vector<1x128x128xf32> to vector<1xf32>
    %reduce_max3A_27 = vector.shape_cast %reduce_max3A_26 : vector<1xf32> to vector<1x1x1xf32>
    %reduce_max3A_28 = vector.extract %reduce_max3A_27[0, 0, 0] : f32 from vector<1x1x1xf32>
    %div3A_29 = vector.broadcast %reduce_max3A_28 : f32 to vector<128x128xf32>
    %div3A_30 = arith.divf %sub3A_16, %div3A_29 : vector<128x128xf32>
    %mul3A_31 = arith.constant 1.230000e+02 : f32
    %mul3A_32 = vector.broadcast %mul3A_31 : f32 to vector<128x128xf32>
    %mul3A_33 = arith.mulf %div3A_30, %mul3A_32 : vector<128x128xf32>
    %round3A_34 = math.roundeven %mul3A_33 : vector<128x128xf32>
    %convert_element_type3A_35 = arith.fptosi %round3A_34 : vector<128x128xf32> to vector<128x128xi32>
    %mul3A_36 = arith.constant 124 : i32
    %mul3A_37 = vector.broadcast %mul3A_36 : i32 to vector<128x128xi32>
    %mul3A_38 = arith.muli %convert_element_type3A, %mul3A_37 : vector<128x128xi32>
    %add3A = arith.addi %mul3A_38, %convert_element_type3A_35 : vector<128x128xi32>
    %swap3A = arith.constant 0 : index
    %swap3A_39 = arith.constant 0 : index
    %swap3A_40 = vector.load %arg4[%swap3A, %swap3A_39] : memref<128x128xi32, #tpu.memory_space<vmem>>, vector<128x128xi32>
    tpu.vector_store %arg4[%swap3A, %swap3A_39], %add3A {strides = array<i32>} : memref<128x128xi32, #tpu.memory_space<vmem>>, vector<128x128xi32>,
    %get3A_41 = arith.constant 0 : index
    %get3A_42 = arith.constant 0 : index
    %get3A_43 = vector.load %arg2[%get3A_41, %get3A_42] : memref<32x128xf32, #tpu.memory_space<vmem>>, vector<32x128xf32>
    %get3A_44 = arith.constant 0 : index
    %get3A_45 = arith.constant 0 : index
    %get3A_46 = vector.load %arg3[%get3A_44, %get3A_45] : memref<32x128xf32, #tpu.memory_space<vmem>>, vector<32x128xf32>
    %reduce_min3A_47 = vector.shape_cast %get3A_43 : vector<32x128xf32> to vector<1x32x128xf32>
    %reduce_min3A_48 = arith.constant dense<0x7F800000> : vector<1xf32>
    %reduce_min3A_49 = vector.multi_reduction <minimumf>, %reduce_min3A_47, %reduce_min3A_48 [1, 2] : vector<1x32x128xf32> to vector<1xf32>
    %reduce_min3A_50 = vector.shape_cast %reduce_min3A_49 : vector<1xf32> to vector<1x1x1xf32>
    %reduce_min3A_51 = vector.extract %reduce_min3A_50[0, 0, 0] : f32 from vector<1x1x1xf32>
    %sub3A_52 = vector.broadcast %reduce_min3A_51 : f32 to vector<32x128xf32>
    %sub3A_53 = arith.subf %get3A_43, %sub3A_52 : vector<32x128xf32>
    %reduce_min3A_54 = vector.shape_cast %get3A_46 : vector<32x128xf32> to vector<1x32x128xf32>
    %reduce_min3A_55 = arith.constant dense<0x7F800000> : vector<1xf32>
    %reduce_min3A_56 = vector.multi_reduction <minimumf>, %reduce_min3A_54, %reduce_min3A_55 [1, 2] : vector<1x32x128xf32> to vector<1xf32>
    %reduce_min3A_57 = vector.shape_cast %reduce_min3A_56 : vector<1xf32> to vector<1x1x1xf32>
    %reduce_min3A_58 = vector.extract %reduce_min3A_57[0, 0, 0] : f32 from vector<1x1x1xf32>
    %sub3A_59 = vector.broadcast %reduce_min3A_58 : f32 to vector<32x128xf32>
    %sub3A_60 = arith.subf %get3A_46, %sub3A_59 : vector<32x128xf32>
    %reduce_max3A_61 = vector.shape_cast %sub3A_53 : vector<32x128xf32> to vector<1x32x128xf32>
    %reduce_max3A_62 = arith.constant dense<0xFF800000> : vector<1xf32>
    %reduce_max3A_63 = vector.multi_reduction <maximumf>, %reduce_max3A_61, %reduce_max3A_62 [1, 2] : vector<1x32x128xf32> to vector<1xf32>
    %reduce_max3A_64 = vector.shape_cast %reduce_max3A_63 : vector<1xf32> to vector<1x1x1xf32>
    %reduce_max3A_65 = vector.extract %reduce_max3A_64[0, 0, 0] : f32 from vector<1x1x1xf32>
    %div3A_66 = vector.broadcast %reduce_max3A_65 : f32 to vector<32x128xf32>
    %div3A_67 = arith.divf %sub3A_53, %div3A_66 : vector<32x128xf32>
    %mul3A_68 = arith.constant 2.210000e+02 : f32
    %mul3A_69 = vector.broadcast %mul3A_68 : f32 to vector<32x128xf32>
    %mul3A_70 = arith.mulf %div3A_67, %mul3A_69 : vector<32x128xf32>
    %round3A_71 = math.roundeven %mul3A_70 : vector<32x128xf32>
    %convert_element_type3A_72 = arith.fptosi %round3A_71 : vector<32x128xf32> to vector<32x128xi32>
    %reduce_max3A_73 = vector.shape_cast %sub3A_60 : vector<32x128xf32> to vector<1x32x128xf32>
    %reduce_max3A_74 = arith.constant dense<0xFF800000> : vector<1xf32>
    %reduce_max3A_75 = vector.multi_reduction <maximumf>, %reduce_max3A_73, %reduce_max3A_74 [1, 2] : vector<1x32x128xf32> to vector<1xf32>
    %reduce_max3A_76 = vector.shape_cast %reduce_max3A_75 : vector<1xf32> to vector<1x1x1xf32>
    %reduce_max3A_77 = vector.extract %reduce_max3A_76[0, 0, 0] : f32 from vector<1x1x1xf32>
    %div3A_78 = vector.broadcast %reduce_max3A_77 : f32 to vector<32x128xf32>
    %div3A_79 = arith.divf %sub3A_60, %div3A_78 : vector<32x128xf32>
    %mul3A_80 = arith.constant 1.230000e+02 : f32
    %mul3A_81 = vector.broadcast %mul3A_80 : f32 to vector<32x128xf32>
    %mul3A_82 = arith.mulf %div3A_79, %mul3A_81 : vector<32x128xf32>
    %round3A_83 = math.roundeven %mul3A_82 : vector<32x128xf32>
    %convert_element_type3A_84 = arith.fptosi %round3A_83 : vector<32x128xf32> to vector<32x128xi32>
    %mul3A_85 = arith.constant 124 : i32
    %mul3A_86 = vector.broadcast %mul3A_85 : i32 to vector<32x128xi32>
    %mul3A_87 = arith.muli %convert_element_type3A_72, %mul3A_86 : vector<32x128xi32>
    %add3A_88 = arith.addi %mul3A_87, %convert_element_type3A_84 : vector<32x128xi32>
    %swap3A_89 = arith.constant 0 : index
    %swap3A_90 = arith.constant 0 : index
    %swap3A_91 = vector.load %arg5[%swap3A_89, %swap3A_90] : memref<32x128xi32, #tpu.memory_space<vmem>>, vector<32x128xi32>
    tpu.vector_store %arg5[%swap3A_89, %swap3A_90], %add3A_88 {strides = array<i32>} : memref<32x128xi32, #tpu.memory_space<vmem>>, vector<32x128xi32>,
    return
  }
}

module attributes {stable_mosaic.version = 14 : i64} {
  func.func @_chamfer_body(%arg0: memref<4x1024x3xf32, #tpu.memory_space<vmem>>, %arg1: memref<4x1024x3xbf16, #tpu.memory_space<vmem>>, %arg2: memref<4x3x4096xbf16, #tpu.memory_space<vmem>>, %arg3: memref<4x4096xf32, #tpu.memory_space<vmem>>, %arg4: memref<4x4096xf32, #tpu.memory_space<vmem>>, %arg5: memref<4x4096xf32, #tpu.memory_space<vmem>>, %arg6: memref<1x4xf32, #tpu.memory_space<smem>>, %arg7: memref<8x128xf32, #tpu.memory_space<vmem>>) attributes {dimension_semantics = [], scalar_prefetch = 0 : i64, scratch_operands = 0 : i64, tpu.core_type = #tpu.core_type<tc>} {
    %get3A = arith.constant 0 : index
    %get3A_0 = arith.constant 0 : index
    %get3A_1 = arith.constant 0 : index
    %get3A_2 = vector.load %arg0[%get3A, %get3A_0, %get3A_1] : memref<4x1024x3xf32, #tpu.memory_space<vmem>>, vector<1x1024x3xf32>
    %get3A_3 = vector.shape_cast %get3A_2 : vector<1x1024x3xf32> to vector<1024x3xf32>
    %slice3A = vector.extract_strided_slice %get3A_3 {offsets = [0, 0], sizes = [1024, 1], strides = [1, 1]} : vector<1024x3xf32> to vector<1024x1xf32>
    %slice3A_4 = vector.extract_strided_slice %get3A_3 {offsets = [0, 1], sizes = [1024, 1], strides = [1, 1]} : vector<1024x3xf32> to vector<1024x1xf32>
    %slice3A_5 = vector.extract_strided_slice %get3A_3 {offsets = [0, 2], sizes = [1024, 1], strides = [1, 1]} : vector<1024x3xf32> to vector<1024x1xf32>
    %mul3A = arith.mulf %slice3A, %slice3A : vector<1024x1xf32>
    %mul3A_6 = arith.mulf %slice3A_4, %slice3A_4 : vector<1024x1xf32>
    %add3A = arith.addf %mul3A, %mul3A_6 : vector<1024x1xf32>
    %mul3A_7 = arith.mulf %slice3A_5, %slice3A_5 : vector<1024x1xf32>
    %add3A_8 = arith.addf %add3A, %mul3A_7 : vector<1024x1xf32>
    %get3A_9 = arith.constant 0 : index
    %get3A_10 = arith.constant 0 : index
    %get3A_11 = arith.constant 0 : index
    %get3A_12 = vector.load %arg1[%get3A_9, %get3A_10, %get3A_11] : memref<4x1024x3xbf16, #tpu.memory_space<vmem>>, vector<1x1024x3xbf16>
    %get3A_13 = vector.shape_cast %get3A_12 : vector<1x1024x3xbf16> to vector<1024x3xbf16>
    %get3A_14 = arith.constant 0 : index
    %get3A_15 = arith.constant 0 : index
    %get3A_16 = arith.constant 0 : index
    %get3A_17 = vector.load %arg2[%get3A_14, %get3A_15, %get3A_16] : memref<4x3x4096xbf16, #tpu.memory_space<vmem>>, vector<1x3x4096xbf16>
    %get3A_18 = vector.shape_cast %get3A_17 : vector<1x3x4096xbf16> to vector<3x4096xbf16>
    %get3A_19 = arith.constant 0 : index
    %get3A_20 = arith.constant 0 : index
    %get3A_21 = vector.load %arg3[%get3A_19, %get3A_20] : memref<4x4096xf32, #tpu.memory_space<vmem>>, vector<1x1024xf32>
    %get3A_22 = arith.constant 0 : index
    %get3A_23 = arith.constant 0 : index
    %get3A_24 = vector.load %arg4[%get3A_22, %get3A_23] : memref<4x4096xf32, #tpu.memory_space<vmem>>, vector<1x1024xf32>
    %get3A_25 = arith.constant 0 : index
    %get3A_26 = arith.constant 0 : index
    %get3A_27 = vector.load %arg5[%get3A_25, %get3A_26] : memref<4x4096xf32, #tpu.memory_space<vmem>>, vector<1x1024xf32>
    %mul3A_28 = arith.mulf %get3A_21, %get3A_21 : vector<1x1024xf32>
    %mul3A_29 = arith.mulf %get3A_24, %get3A_24 : vector<1x1024xf32>
    %add3A_30 = arith.addf %mul3A_28, %mul3A_29 : vector<1x1024xf32>
    %mul3A_31 = arith.mulf %get3A_27, %get3A_27 : vector<1x1024xf32>
    %add3A_32 = arith.addf %add3A_30, %mul3A_31 : vector<1x1024xf32>
    %slice3A_33 = vector.extract_strided_slice %get3A_18 {offsets = [0, 0], sizes = [3, 1024], strides = [1, 1]} : vector<3x4096xbf16> to vector<3x1024xbf16>
    %dot_general3A = arith.constant dense<0.000000e+00> : vector<1024x1024xf32>
    %dot_general3A_34 = tpu.matmul %get3A_13, %slice3A_33, %dot_general3A {dimension_numbers = #tpu.dot_dimension_numbers<[1], [0], [0], [1], [0, 0, 1, 1], [], []>, transpose_lhs_hint = false} : vector<1024x3xbf16>, vector<3x1024xbf16>, vector<1024x1024xf32> -> vector<1024x1024xf32>
    %add3A_35 = vector.broadcast %add3A_8 : vector<1024x1xf32> to vector<1024x1024xf32>
    %add3A_36 = vector.broadcast %add3A_32 : vector<1x1024xf32> to vector<1024x1024xf32>
    %add3A_37 = arith.addf %add3A_35, %add3A_36 : vector<1024x1024xf32>
    %sub3A = arith.subf %add3A_37, %dot_general3A_34 : vector<1024x1024xf32>
    %reduce_min3A = arith.constant dense<0x7F800000> : vector<1024xf32>
    %reduce_min3A_38 = vector.multi_reduction <minimumf>, %sub3A, %reduce_min3A [1] : vector<1024x1024xf32> to vector<1024xf32>
    %broadcast_in_dim3A = vector.shape_cast %reduce_min3A_38 : vector<1024xf32> to vector<1024x1xf32>
    %reduce_min3A_39 = arith.constant dense<0x7F800000> : vector<1024xf32>
    %reduce_min3A_40 = vector.multi_reduction <minimumf>, %sub3A, %reduce_min3A_39 [0] : vector<1024x1024xf32> to vector<1024xf32>
    %broadcast_in_dim3A_41 = vector.shape_cast %reduce_min3A_40 : vector<1024xf32> to vector<1x1024xf32>
    %max3A = arith.constant 0.000000e+00 : f32
    %max3A_42 = vector.broadcast %max3A : f32 to vector<1x1024xf32>
    %max3A_43 = arith.maximumf %broadcast_in_dim3A_41, %max3A_42 : vector<1x1024xf32>
    %reduce_sum3A = vector.shape_cast %max3A_43 : vector<1x1024xf32> to vector<1x1x1024xf32>
    %reduce_sum3A_44 = arith.constant dense<0.000000e+00> : vector<1xf32>
    %reduce_sum3A_45 = vector.multi_reduction <add>, %reduce_sum3A, %reduce_sum3A_44 [1, 2] : vector<1x1x1024xf32> to vector<1xf32>
    %reduce_sum3A_46 = vector.shape_cast %reduce_sum3A_45 : vector<1xf32> to vector<1x1x1xf32>
    %reduce_sum3A_47 = vector.extract %reduce_sum3A_46[0, 0, 0] : f32 from vector<1x1x1xf32>
    %add3A_48 = arith.constant 0.000000e+00 : f32
    %add3A_49 = arith.addf %add3A_48, %reduce_sum3A_47 : f32
    %get3A_50 = arith.constant 0 : index
    %get3A_51 = arith.constant 1024 : index
    %get3A_52 = vector.load %arg3[%get3A_50, %get3A_51] : memref<4x4096xf32, #tpu.memory_space<vmem>>, vector<1x1024xf32>
    %get3A_53 = arith.constant 0 : index
    %get3A_54 = arith.constant 1024 : index
    %get3A_55 = vector.load %arg4[%get3A_53, %get3A_54] : memref<4x4096xf32, #tpu.memory_space<vmem>>, vector<1x1024xf32>
    %get3A_56 = arith.constant 0 : index
    %get3A_57 = arith.constant 1024 : index
    %get3A_58 = vector.load %arg5[%get3A_56, %get3A_57] : memref<4x4096xf32, #tpu.memory_space<vmem>>, vector<1x1024xf32>
    %mul3A_59 = arith.mulf %get3A_52, %get3A_52 : vector<1x1024xf32>
    %mul3A_60 = arith.mulf %get3A_55, %get3A_55 : vector<1x1024xf32>
    %add3A_61 = arith.addf %mul3A_59, %mul3A_60 : vector<1x1024xf32>
    %mul3A_62 = arith.mulf %get3A_58, %get3A_58 : vector<1x1024xf32>
    %add3A_63 = arith.addf %add3A_61, %mul3A_62 : vector<1x1024xf32>
    %slice3A_64 = vector.extract_strided_slice %get3A_18 {offsets = [0, 1024], sizes = [3, 1024], strides = [1, 1]} : vector<3x4096xbf16> to vector<3x1024xbf16>
    %dot_general3A_65 = arith.constant dense<0.000000e+00> : vector<1024x1024xf32>
    %dot_general3A_66 = tpu.matmul %get3A_13, %slice3A_64, %dot_general3A_65 {dimension_numbers = #tpu.dot_dimension_numbers<[1], [0], [0], [1], [0, 0, 1, 1], [], []>, transpose_lhs_hint = false} : vector<1024x3xbf16>, vector<3x1024xbf16>, vector<1024x1024xf32> -> vector<1024x1024xf32>
    %add3A_67 = vector.broadcast %add3A_8 : vector<1024x1xf32> to vector<1024x1024xf32>
    %add3A_68 = vector.broadcast %add3A_63 : vector<1x1024xf32> to vector<1024x1024xf32>
    %add3A_69 = arith.addf %add3A_67, %add3A_68 : vector<1024x1024xf32>
    %sub3A_70 = arith.subf %add3A_69, %dot_general3A_66 : vector<1024x1024xf32>
    %reduce_min3A_71 = arith.constant dense<0x7F800000> : vector<1024xf32>
    %reduce_min3A_72 = vector.multi_reduction <minimumf>, %sub3A_70, %reduce_min3A_71 [1] : vector<1024x1024xf32> to vector<1024xf32>
    %broadcast_in_dim3A_73 = vector.shape_cast %reduce_min3A_72 : vector<1024xf32> to vector<1024x1xf32>
    %min3A = arith.minimumf %broadcast_in_dim3A, %broadcast_in_dim3A_73 : vector<1024x1xf32>
    %reduce_min3A_74 = arith.constant dense<0x7F800000> : vector<1024xf32>
    %reduce_min3A_75 = vector.multi_reduction <minimumf>, %sub3A_70, %reduce_min3A_74 [0] : vector<1024x1024xf32> to vector<1024xf32>
    %broadcast_in_dim3A_76 = vector.shape_cast %reduce_min3A_75 : vector<1024xf32> to vector<1x1024xf32>
    %max3A_77 = arith.constant 0.000000e+00 : f32
    %max3A_78 = vector.broadcast %max3A_77 : f32 to vector<1x1024xf32>
    %max3A_79 = arith.maximumf %broadcast_in_dim3A_76, %max3A_78 : vector<1x1024xf32>
    %reduce_sum3A_80 = vector.shape_cast %max3A_79 : vector<1x1024xf32> to vector<1x1x1024xf32>
    %reduce_sum3A_81 = arith.constant dense<0.000000e+00> : vector<1xf32>
    %reduce_sum3A_82 = vector.multi_reduction <add>, %reduce_sum3A_80, %reduce_sum3A_81 [1, 2] : vector<1x1x1024xf32> to vector<1xf32>
    %reduce_sum3A_83 = vector.shape_cast %reduce_sum3A_82 : vector<1xf32> to vector<1x1x1xf32>
    %reduce_sum3A_84 = vector.extract %reduce_sum3A_83[0, 0, 0] : f32 from vector<1x1x1xf32>
    %add3A_85 = arith.addf %add3A_49, %reduce_sum3A_84 : f32
    %get3A_86 = arith.constant 0 : index
    %get3A_87 = arith.constant 2048 : index
    %get3A_88 = vector.load %arg3[%get3A_86, %get3A_87] : memref<4x4096xf32, #tpu.memory_space<vmem>>, vector<1x1024xf32>
    %get3A_89 = arith.constant 0 : index
    %get3A_90 = arith.constant 2048 : index
    %get3A_91 = vector.load %arg4[%get3A_89, %get3A_90] : memref<4x4096xf32, #tpu.memory_space<vmem>>, vector<1x1024xf32>
    %get3A_92 = arith.constant 0 : index
    %get3A_93 = arith.constant 2048 : index
    %get3A_94 = vector.load %arg5[%get3A_92, %get3A_93] : memref<4x4096xf32, #tpu.memory_space<vmem>>, vector<1x1024xf32>
    %mul3A_95 = arith.mulf %get3A_88, %get3A_88 : vector<1x1024xf32>
    %mul3A_96 = arith.mulf %get3A_91, %get3A_91 : vector<1x1024xf32>
    %add3A_97 = arith.addf %mul3A_95, %mul3A_96 : vector<1x1024xf32>
    %mul3A_98 = arith.mulf %get3A_94, %get3A_94 : vector<1x1024xf32>
    %add3A_99 = arith.addf %add3A_97, %mul3A_98 : vector<1x1024xf32>
    %slice3A_100 = vector.extract_strided_slice %get3A_18 {offsets = [0, 2048], sizes = [3, 1024], strides = [1, 1]} : vector<3x4096xbf16> to vector<3x1024xbf16>
    %dot_general3A_101 = arith.constant dense<0.000000e+00> : vector<1024x1024xf32>
    %dot_general3A_102 = tpu.matmul %get3A_13, %slice3A_100, %dot_general3A_101 {dimension_numbers = #tpu.dot_dimension_numbers<[1], [0], [0], [1], [0, 0, 1, 1], [], []>, transpose_lhs_hint = false} : vector<1024x3xbf16>, vector<3x1024xbf16>, vector<1024x1024xf32> -> vector<1024x1024xf32>
    %add3A_103 = vector.broadcast %add3A_8 : vector<1024x1xf32> to vector<1024x1024xf32>
    %add3A_104 = vector.broadcast %add3A_99 : vector<1x1024xf32> to vector<1024x1024xf32>
    %add3A_105 = arith.addf %add3A_103, %add3A_104 : vector<1024x1024xf32>
    %sub3A_106 = arith.subf %add3A_105, %dot_general3A_102 : vector<1024x1024xf32>
    %reduce_min3A_107 = arith.constant dense<0x7F800000> : vector<1024xf32>
    %reduce_min3A_108 = vector.multi_reduction <minimumf>, %sub3A_106, %reduce_min3A_107 [1] : vector<1024x1024xf32> to vector<1024xf32>
    %broadcast_in_dim3A_109 = vector.shape_cast %reduce_min3A_108 : vector<1024xf32> to vector<1024x1xf32>
    %min3A_110 = arith.minimumf %min3A, %broadcast_in_dim3A_109 : vector<1024x1xf32>
    %reduce_min3A_111 = arith.constant dense<0x7F800000> : vector<1024xf32>
    %reduce_min3A_112 = vector.multi_reduction <minimumf>, %sub3A_106, %reduce_min3A_111 [0] : vector<1024x1024xf32> to vector<1024xf32>
    %broadcast_in_dim3A_113 = vector.shape_cast %reduce_min3A_112 : vector<1024xf32> to vector<1x1024xf32>
    %max3A_114 = arith.constant 0.000000e+00 : f32
    %max3A_115 = vector.broadcast %max3A_114 : f32 to vector<1x1024xf32>
    %max3A_116 = arith.maximumf %broadcast_in_dim3A_113, %max3A_115 : vector<1x1024xf32>
    %reduce_sum3A_117 = vector.shape_cast %max3A_116 : vector<1x1024xf32> to vector<1x1x1024xf32>
    %reduce_sum3A_118 = arith.constant dense<0.000000e+00> : vector<1xf32>
    %reduce_sum3A_119 = vector.multi_reduction <add>, %reduce_sum3A_117, %reduce_sum3A_118 [1, 2] : vector<1x1x1024xf32> to vector<1xf32>
    %reduce_sum3A_120 = vector.shape_cast %reduce_sum3A_119 : vector<1xf32> to vector<1x1x1xf32>
    %reduce_sum3A_121 = vector.extract %reduce_sum3A_120[0, 0, 0] : f32 from vector<1x1x1xf32>
    %add3A_122 = arith.addf %add3A_85, %reduce_sum3A_121 : f32
    %get3A_123 = arith.constant 0 : index
    %get3A_124 = arith.constant 3072 : index
    %get3A_125 = vector.load %arg3[%get3A_123, %get3A_124] : memref<4x4096xf32, #tpu.memory_space<vmem>>, vector<1x1024xf32>
    %get3A_126 = arith.constant 0 : index
    %get3A_127 = arith.constant 3072 : index
    %get3A_128 = vector.load %arg4[%get3A_126, %get3A_127] : memref<4x4096xf32, #tpu.memory_space<vmem>>, vector<1x1024xf32>
    %get3A_129 = arith.constant 0 : index
    %get3A_130 = arith.constant 3072 : index
    %get3A_131 = vector.load %arg5[%get3A_129, %get3A_130] : memref<4x4096xf32, #tpu.memory_space<vmem>>, vector<1x1024xf32>
    %mul3A_132 = arith.mulf %get3A_125, %get3A_125 : vector<1x1024xf32>
    %mul3A_133 = arith.mulf %get3A_128, %get3A_128 : vector<1x1024xf32>
    %add3A_134 = arith.addf %mul3A_132, %mul3A_133 : vector<1x1024xf32>
    %mul3A_135 = arith.mulf %get3A_131, %get3A_131 : vector<1x1024xf32>
    %add3A_136 = arith.addf %add3A_134, %mul3A_135 : vector<1x1024xf32>
    %slice3A_137 = vector.extract_strided_slice %get3A_18 {offsets = [0, 3072], sizes = [3, 1024], strides = [1, 1]} : vector<3x4096xbf16> to vector<3x1024xbf16>
    %dot_general3A_138 = arith.constant dense<0.000000e+00> : vector<1024x1024xf32>
    %dot_general3A_139 = tpu.matmul %get3A_13, %slice3A_137, %dot_general3A_138 {dimension_numbers = #tpu.dot_dimension_numbers<[1], [0], [0], [1], [0, 0, 1, 1], [], []>, transpose_lhs_hint = false} : vector<1024x3xbf16>, vector<3x1024xbf16>, vector<1024x1024xf32> -> vector<1024x1024xf32>
    %add3A_140 = vector.broadcast %add3A_8 : vector<1024x1xf32> to vector<1024x1024xf32>
    %add3A_141 = vector.broadcast %add3A_136 : vector<1x1024xf32> to vector<1024x1024xf32>
    %add3A_142 = arith.addf %add3A_140, %add3A_141 : vector<1024x1024xf32>
    %sub3A_143 = arith.subf %add3A_142, %dot_general3A_139 : vector<1024x1024xf32>
    %reduce_min3A_144 = arith.constant dense<0x7F800000> : vector<1024xf32>
    %reduce_min3A_145 = vector.multi_reduction <minimumf>, %sub3A_143, %reduce_min3A_144 [1] : vector<1024x1024xf32> to vector<1024xf32>
    %broadcast_in_dim3A_146 = vector.shape_cast %reduce_min3A_145 : vector<1024xf32> to vector<1024x1xf32>
    %min3A_147 = arith.minimumf %min3A_110, %broadcast_in_dim3A_146 : vector<1024x1xf32>
    %reduce_min3A_148 = arith.constant dense<0x7F800000> : vector<1024xf32>
    %reduce_min3A_149 = vector.multi_reduction <minimumf>, %sub3A_143, %reduce_min3A_148 [0] : vector<1024x1024xf32> to vector<1024xf32>
    %broadcast_in_dim3A_150 = vector.shape_cast %reduce_min3A_149 : vector<1024xf32> to vector<1x1024xf32>
    %max3A_151 = arith.constant 0.000000e+00 : f32
    %max3A_152 = vector.broadcast %max3A_151 : f32 to vector<1x1024xf32>
    %max3A_153 = arith.maximumf %broadcast_in_dim3A_150, %max3A_152 : vector<1x1024xf32>
    %reduce_sum3A_154 = vector.shape_cast %max3A_153 : vector<1x1024xf32> to vector<1x1x1024xf32>
    %reduce_sum3A_155 = arith.constant dense<0.000000e+00> : vector<1xf32>
    %reduce_sum3A_156 = vector.multi_reduction <add>, %reduce_sum3A_154, %reduce_sum3A_155 [1, 2] : vector<1x1x1024xf32> to vector<1xf32>
    %reduce_sum3A_157 = vector.shape_cast %reduce_sum3A_156 : vector<1xf32> to vector<1x1x1xf32>
    %reduce_sum3A_158 = vector.extract %reduce_sum3A_157[0, 0, 0] : f32 from vector<1x1x1xf32>
    %add3A_159 = arith.addf %add3A_122, %reduce_sum3A_158 : f32
    %max3A_160 = arith.constant 0.000000e+00 : f32
    %max3A_161 = vector.broadcast %max3A_160 : f32 to vector<1024x1xf32>
    %max3A_162 = arith.maximumf %min3A_147, %max3A_161 : vector<1024x1xf32>
    %reduce_sum3A_163 = vector.shape_cast %max3A_162 : vector<1024x1xf32> to vector<1x1024x1xf32>
    %reduce_sum3A_164 = arith.constant dense<0.000000e+00> : vector<1xf32>
    %reduce_sum3A_165 = vector.multi_reduction <add>, %reduce_sum3A_163, %reduce_sum3A_164 [1, 2] : vector<1x1024x1xf32> to vector<1xf32>
    %reduce_sum3A_166 = vector.shape_cast %reduce_sum3A_165 : vector<1xf32> to vector<1x1x1xf32>
    %reduce_sum3A_167 = vector.extract %reduce_sum3A_166[0, 0, 0] : f32 from vector<1x1x1xf32>
    %mul3A_168 = arith.constant 9.765625E-4 : f32
    %mul3A_169 = arith.mulf %reduce_sum3A_167, %mul3A_168 : f32
    %mul3A_170 = arith.constant 2.44140625E-4 : f32
    %mul3A_171 = arith.mulf %add3A_159, %mul3A_170 : f32
    %mul3A_172 = arith.constant 8.000000e-01 : f32
    %mul3A_173 = arith.mulf %mul3A_172, %mul3A_169 : f32
    %mul3A_174 = arith.constant 2.000000e-01 : f32
    %mul3A_175 = arith.mulf %mul3A_174, %mul3A_171 : f32
    %add3A_176 = arith.addf %mul3A_173, %mul3A_175 : f32
    %get3A_177 = arith.constant 0 : index
    %get3A_178 = arith.constant 0 : index
    %get3A_179 = memref.load %arg6[%get3A_177, %get3A_178] : memref<1x4xf32, #tpu.memory_space<smem>>
    %div3A = arith.divf %add3A_176, %get3A_179 : f32
    %add3A_180 = arith.constant 0.000000e+00 : f32
    %add3A_181 = arith.addf %add3A_180, %div3A : f32
    %get3A_182 = arith.constant 1 : index
    %get3A_183 = arith.constant 0 : index
    %get3A_184 = arith.constant 0 : index
    %get3A_185 = vector.load %arg0[%get3A_182, %get3A_183, %get3A_184] : memref<4x1024x3xf32, #tpu.memory_space<vmem>>, vector<1x1024x3xf32>
    %get3A_186 = vector.shape_cast %get3A_185 : vector<1x1024x3xf32> to vector<1024x3xf32>
    %slice3A_187 = vector.extract_strided_slice %get3A_186 {offsets = [0, 0], sizes = [1024, 1], strides = [1, 1]} : vector<1024x3xf32> to vector<1024x1xf32>
    %slice3A_188 = vector.extract_strided_slice %get3A_186 {offsets = [0, 1], sizes = [1024, 1], strides = [1, 1]} : vector<1024x3xf32> to vector<1024x1xf32>
    %slice3A_189 = vector.extract_strided_slice %get3A_186 {offsets = [0, 2], sizes = [1024, 1], strides = [1, 1]} : vector<1024x3xf32> to vector<1024x1xf32>
    %mul3A_190 = arith.mulf %slice3A_187, %slice3A_187 : vector<1024x1xf32>
    %mul3A_191 = arith.mulf %slice3A_188, %slice3A_188 : vector<1024x1xf32>
    %add3A_192 = arith.addf %mul3A_190, %mul3A_191 : vector<1024x1xf32>
    %mul3A_193 = arith.mulf %slice3A_189, %slice3A_189 : vector<1024x1xf32>
    %add3A_194 = arith.addf %add3A_192, %mul3A_193 : vector<1024x1xf32>
    %get3A_195 = arith.constant 1 : index
    %get3A_196 = arith.constant 0 : index
    %get3A_197 = arith.constant 0 : index
    %get3A_198 = vector.load %arg1[%get3A_195, %get3A_196, %get3A_197] : memref<4x1024x3xbf16, #tpu.memory_space<vmem>>, vector<1x1024x3xbf16>
    %get3A_199 = vector.shape_cast %get3A_198 : vector<1x1024x3xbf16> to vector<1024x3xbf16>
    %get3A_200 = arith.constant 1 : index
    %get3A_201 = arith.constant 0 : index
    %get3A_202 = arith.constant 0 : index
    %get3A_203 = vector.load %arg2[%get3A_200, %get3A_201, %get3A_202] : memref<4x3x4096xbf16, #tpu.memory_space<vmem>>, vector<1x3x4096xbf16>
    %get3A_204 = vector.shape_cast %get3A_203 : vector<1x3x4096xbf16> to vector<3x4096xbf16>
    %get3A_205 = arith.constant 1 : index
    %get3A_206 = arith.constant 0 : index
    %get3A_207 = vector.load %arg3[%get3A_205, %get3A_206] : memref<4x4096xf32, #tpu.memory_space<vmem>>, vector<1x1024xf32>
    %get3A_208 = arith.constant 1 : index
    %get3A_209 = arith.constant 0 : index
    %get3A_210 = vector.load %arg4[%get3A_208, %get3A_209] : memref<4x4096xf32, #tpu.memory_space<vmem>>, vector<1x1024xf32>
    %get3A_211 = arith.constant 1 : index
    %get3A_212 = arith.constant 0 : index
    %get3A_213 = vector.load %arg5[%get3A_211, %get3A_212] : memref<4x4096xf32, #tpu.memory_space<vmem>>, vector<1x1024xf32>
    %mul3A_214 = arith.mulf %get3A_207, %get3A_207 : vector<1x1024xf32>
    %mul3A_215 = arith.mulf %get3A_210, %get3A_210 : vector<1x1024xf32>
    %add3A_216 = arith.addf %mul3A_214, %mul3A_215 : vector<1x1024xf32>
    %mul3A_217 = arith.mulf %get3A_213, %get3A_213 : vector<1x1024xf32>
    %add3A_218 = arith.addf %add3A_216, %mul3A_217 : vector<1x1024xf32>
    %slice3A_219 = vector.extract_strided_slice %get3A_204 {offsets = [0, 0], sizes = [3, 1024], strides = [1, 1]} : vector<3x4096xbf16> to vector<3x1024xbf16>
    %dot_general3A_220 = arith.constant dense<0.000000e+00> : vector<1024x1024xf32>
    %dot_general3A_221 = tpu.matmul %get3A_199, %slice3A_219, %dot_general3A_220 {dimension_numbers = #tpu.dot_dimension_numbers<[1], [0], [0], [1], [0, 0, 1, 1], [], []>, transpose_lhs_hint = false} : vector<1024x3xbf16>, vector<3x1024xbf16>, vector<1024x1024xf32> -> vector<1024x1024xf32>
    %add3A_222 = vector.broadcast %add3A_194 : vector<1024x1xf32> to vector<1024x1024xf32>
    %add3A_223 = vector.broadcast %add3A_218 : vector<1x1024xf32> to vector<1024x1024xf32>
    %add3A_224 = arith.addf %add3A_222, %add3A_223 : vector<1024x1024xf32>
    %sub3A_225 = arith.subf %add3A_224, %dot_general3A_221 : vector<1024x1024xf32>
    %reduce_min3A_226 = arith.constant dense<0x7F800000> : vector<1024xf32>
    %reduce_min3A_227 = vector.multi_reduction <minimumf>, %sub3A_225, %reduce_min3A_226 [1] : vector<1024x1024xf32> to vector<1024xf32>
    %broadcast_in_dim3A_228 = vector.shape_cast %reduce_min3A_227 : vector<1024xf32> to vector<1024x1xf32>
    %reduce_min3A_229 = arith.constant dense<0x7F800000> : vector<1024xf32>
    %reduce_min3A_230 = vector.multi_reduction <minimumf>, %sub3A_225, %reduce_min3A_229 [0] : vector<1024x1024xf32> to vector<1024xf32>
    %broadcast_in_dim3A_231 = vector.shape_cast %reduce_min3A_230 : vector<1024xf32> to vector<1x1024xf32>
    %max3A_232 = arith.constant 0.000000e+00 : f32
    %max3A_233 = vector.broadcast %max3A_232 : f32 to vector<1x1024xf32>
    %max3A_234 = arith.maximumf %broadcast_in_dim3A_231, %max3A_233 : vector<1x1024xf32>
    %reduce_sum3A_235 = vector.shape_cast %max3A_234 : vector<1x1024xf32> to vector<1x1x1024xf32>
    %reduce_sum3A_236 = arith.constant dense<0.000000e+00> : vector<1xf32>
    %reduce_sum3A_237 = vector.multi_reduction <add>, %reduce_sum3A_235, %reduce_sum3A_236 [1, 2] : vector<1x1x1024xf32> to vector<1xf32>
    %reduce_sum3A_238 = vector.shape_cast %reduce_sum3A_237 : vector<1xf32> to vector<1x1x1xf32>
    %reduce_sum3A_239 = vector.extract %reduce_sum3A_238[0, 0, 0] : f32 from vector<1x1x1xf32>
    %add3A_240 = arith.constant 0.000000e+00 : f32
    %add3A_241 = arith.addf %add3A_240, %reduce_sum3A_239 : f32
    %get3A_242 = arith.constant 1 : index
    %get3A_243 = arith.constant 1024 : index
    %get3A_244 = vector.load %arg3[%get3A_242, %get3A_243] : memref<4x4096xf32, #tpu.memory_space<vmem>>, vector<1x1024xf32>
    %get3A_245 = arith.constant 1 : index
    %get3A_246 = arith.constant 1024 : index
    %get3A_247 = vector.load %arg4[%get3A_245, %get3A_246] : memref<4x4096xf32, #tpu.memory_space<vmem>>, vector<1x1024xf32>
    %get3A_248 = arith.constant 1 : index
    %get3A_249 = arith.constant 1024 : index
    %get3A_250 = vector.load %arg5[%get3A_248, %get3A_249] : memref<4x4096xf32, #tpu.memory_space<vmem>>, vector<1x1024xf32>
    %mul3A_251 = arith.mulf %get3A_244, %get3A_244 : vector<1x1024xf32>
    %mul3A_252 = arith.mulf %get3A_247, %get3A_247 : vector<1x1024xf32>
    %add3A_253 = arith.addf %mul3A_251, %mul3A_252 : vector<1x1024xf32>
    %mul3A_254 = arith.mulf %get3A_250, %get3A_250 : vector<1x1024xf32>
    %add3A_255 = arith.addf %add3A_253, %mul3A_254 : vector<1x1024xf32>
    %slice3A_256 = vector.extract_strided_slice %get3A_204 {offsets = [0, 1024], sizes = [3, 1024], strides = [1, 1]} : vector<3x4096xbf16> to vector<3x1024xbf16>
    %dot_general3A_257 = arith.constant dense<0.000000e+00> : vector<1024x1024xf32>
    %dot_general3A_258 = tpu.matmul %get3A_199, %slice3A_256, %dot_general3A_257 {dimension_numbers = #tpu.dot_dimension_numbers<[1], [0], [0], [1], [0, 0, 1, 1], [], []>, transpose_lhs_hint = false} : vector<1024x3xbf16>, vector<3x1024xbf16>, vector<1024x1024xf32> -> vector<1024x1024xf32>
    %add3A_259 = vector.broadcast %add3A_194 : vector<1024x1xf32> to vector<1024x1024xf32>
    %add3A_260 = vector.broadcast %add3A_255 : vector<1x1024xf32> to vector<1024x1024xf32>
    %add3A_261 = arith.addf %add3A_259, %add3A_260 : vector<1024x1024xf32>
    %sub3A_262 = arith.subf %add3A_261, %dot_general3A_258 : vector<1024x1024xf32>
    %reduce_min3A_263 = arith.constant dense<0x7F800000> : vector<1024xf32>
    %reduce_min3A_264 = vector.multi_reduction <minimumf>, %sub3A_262, %reduce_min3A_263 [1] : vector<1024x1024xf32> to vector<1024xf32>
    %broadcast_in_dim3A_265 = vector.shape_cast %reduce_min3A_264 : vector<1024xf32> to vector<1024x1xf32>
    %min3A_266 = arith.minimumf %broadcast_in_dim3A_228, %broadcast_in_dim3A_265 : vector<1024x1xf32>
    %reduce_min3A_267 = arith.constant dense<0x7F800000> : vector<1024xf32>
    %reduce_min3A_268 = vector.multi_reduction <minimumf>, %sub3A_262, %reduce_min3A_267 [0] : vector<1024x1024xf32> to vector<1024xf32>
    %broadcast_in_dim3A_269 = vector.shape_cast %reduce_min3A_268 : vector<1024xf32> to vector<1x1024xf32>
    %max3A_270 = arith.constant 0.000000e+00 : f32
    %max3A_271 = vector.broadcast %max3A_270 : f32 to vector<1x1024xf32>
    %max3A_272 = arith.maximumf %broadcast_in_dim3A_269, %max3A_271 : vector<1x1024xf32>
    %reduce_sum3A_273 = vector.shape_cast %max3A_272 : vector<1x1024xf32> to vector<1x1x1024xf32>
    %reduce_sum3A_274 = arith.constant dense<0.000000e+00> : vector<1xf32>
    %reduce_sum3A_275 = vector.multi_reduction <add>, %reduce_sum3A_273, %reduce_sum3A_274 [1, 2] : vector<1x1x1024xf32> to vector<1xf32>
    %reduce_sum3A_276 = vector.shape_cast %reduce_sum3A_275 : vector<1xf32> to vector<1x1x1xf32>
    %reduce_sum3A_277 = vector.extract %reduce_sum3A_276[0, 0, 0] : f32 from vector<1x1x1xf32>
    %add3A_278 = arith.addf %add3A_241, %reduce_sum3A_277 : f32
    %get3A_279 = arith.constant 1 : index
    %get3A_280 = arith.constant 2048 : index
    %get3A_281 = vector.load %arg3[%get3A_279, %get3A_280] : memref<4x4096xf32, #tpu.memory_space<vmem>>, vector<1x1024xf32>
    %get3A_282 = arith.constant 1 : index
    %get3A_283 = arith.constant 2048 : index
    %get3A_284 = vector.load %arg4[%get3A_282, %get3A_283] : memref<4x4096xf32, #tpu.memory_space<vmem>>, vector<1x1024xf32>
    %get3A_285 = arith.constant 1 : index
    %get3A_286 = arith.constant 2048 : index
    %get3A_287 = vector.load %arg5[%get3A_285, %get3A_286] : memref<4x4096xf32, #tpu.memory_space<vmem>>, vector<1x1024xf32>
    %mul3A_288 = arith.mulf %get3A_281, %get3A_281 : vector<1x1024xf32>
    %mul3A_289 = arith.mulf %get3A_284, %get3A_284 : vector<1x1024xf32>
    %add3A_290 = arith.addf %mul3A_288, %mul3A_289 : vector<1x1024xf32>
    %mul3A_291 = arith.mulf %get3A_287, %get3A_287 : vector<1x1024xf32>
    %add3A_292 = arith.addf %add3A_290, %mul3A_291 : vector<1x1024xf32>
    %slice3A_293 = vector.extract_strided_slice %get3A_204 {offsets = [0, 2048], sizes = [3, 1024], strides = [1, 1]} : vector<3x4096xbf16> to vector<3x1024xbf16>
    %dot_general3A_294 = arith.constant dense<0.000000e+00> : vector<1024x1024xf32>
    %dot_general3A_295 = tpu.matmul %get3A_199, %slice3A_293, %dot_general3A_294 {dimension_numbers = #tpu.dot_dimension_numbers<[1], [0], [0], [1], [0, 0, 1, 1], [], []>, transpose_lhs_hint = false} : vector<1024x3xbf16>, vector<3x1024xbf16>, vector<1024x1024xf32> -> vector<1024x1024xf32>
    %add3A_296 = vector.broadcast %add3A_194 : vector<1024x1xf32> to vector<1024x1024xf32>
    %add3A_297 = vector.broadcast %add3A_292 : vector<1x1024xf32> to vector<1024x1024xf32>
    %add3A_298 = arith.addf %add3A_296, %add3A_297 : vector<1024x1024xf32>
    %sub3A_299 = arith.subf %add3A_298, %dot_general3A_295 : vector<1024x1024xf32>
    %reduce_min3A_300 = arith.constant dense<0x7F800000> : vector<1024xf32>
    %reduce_min3A_301 = vector.multi_reduction <minimumf>, %sub3A_299, %reduce_min3A_300 [1] : vector<1024x1024xf32> to vector<1024xf32>
    %broadcast_in_dim3A_302 = vector.shape_cast %reduce_min3A_301 : vector<1024xf32> to vector<1024x1xf32>
    %min3A_303 = arith.minimumf %min3A_266, %broadcast_in_dim3A_302 : vector<1024x1xf32>
    %reduce_min3A_304 = arith.constant dense<0x7F800000> : vector<1024xf32>
    %reduce_min3A_305 = vector.multi_reduction <minimumf>, %sub3A_299, %reduce_min3A_304 [0] : vector<1024x1024xf32> to vector<1024xf32>
    %broadcast_in_dim3A_306 = vector.shape_cast %reduce_min3A_305 : vector<1024xf32> to vector<1x1024xf32>
    %max3A_307 = arith.constant 0.000000e+00 : f32
    %max3A_308 = vector.broadcast %max3A_307 : f32 to vector<1x1024xf32>
    %max3A_309 = arith.maximumf %broadcast_in_dim3A_306, %max3A_308 : vector<1x1024xf32>
    %reduce_sum3A_310 = vector.shape_cast %max3A_309 : vector<1x1024xf32> to vector<1x1x1024xf32>
    %reduce_sum3A_311 = arith.constant dense<0.000000e+00> : vector<1xf32>
    %reduce_sum3A_312 = vector.multi_reduction <add>, %reduce_sum3A_310, %reduce_sum3A_311 [1, 2] : vector<1x1x1024xf32> to vector<1xf32>
    %reduce_sum3A_313 = vector.shape_cast %reduce_sum3A_312 : vector<1xf32> to vector<1x1x1xf32>
    %reduce_sum3A_314 = vector.extract %reduce_sum3A_313[0, 0, 0] : f32 from vector<1x1x1xf32>
    %add3A_315 = arith.addf %add3A_278, %reduce_sum3A_314 : f32
    %get3A_316 = arith.constant 1 : index
    %get3A_317 = arith.constant 3072 : index
    %get3A_318 = vector.load %arg3[%get3A_316, %get3A_317] : memref<4x4096xf32, #tpu.memory_space<vmem>>, vector<1x1024xf32>
    %get3A_319 = arith.constant 1 : index
    %get3A_320 = arith.constant 3072 : index
    %get3A_321 = vector.load %arg4[%get3A_319, %get3A_320] : memref<4x4096xf32, #tpu.memory_space<vmem>>, vector<1x1024xf32>
    %get3A_322 = arith.constant 1 : index
    %get3A_323 = arith.constant 3072 : index
    %get3A_324 = vector.load %arg5[%get3A_322, %get3A_323] : memref<4x4096xf32, #tpu.memory_space<vmem>>, vector<1x1024xf32>
    %mul3A_325 = arith.mulf %get3A_318, %get3A_318 : vector<1x1024xf32>
    %mul3A_326 = arith.mulf %get3A_321, %get3A_321 : vector<1x1024xf32>
    %add3A_327 = arith.addf %mul3A_325, %mul3A_326 : vector<1x1024xf32>
    %mul3A_328 = arith.mulf %get3A_324, %get3A_324 : vector<1x1024xf32>
    %add3A_329 = arith.addf %add3A_327, %mul3A_328 : vector<1x1024xf32>
    %slice3A_330 = vector.extract_strided_slice %get3A_204 {offsets = [0, 3072], sizes = [3, 1024], strides = [1, 1]} : vector<3x4096xbf16> to vector<3x1024xbf16>
    %dot_general3A_331 = arith.constant dense<0.000000e+00> : vector<1024x1024xf32>
    %dot_general3A_332 = tpu.matmul %get3A_199, %slice3A_330, %dot_general3A_331 {dimension_numbers = #tpu.dot_dimension_numbers<[1], [0], [0], [1], [0, 0, 1, 1], [], []>, transpose_lhs_hint = false} : vector<1024x3xbf16>, vector<3x1024xbf16>, vector<1024x1024xf32> -> vector<1024x1024xf32>
    %add3A_333 = vector.broadcast %add3A_194 : vector<1024x1xf32> to vector<1024x1024xf32>
    %add3A_334 = vector.broadcast %add3A_329 : vector<1x1024xf32> to vector<1024x1024xf32>
    %add3A_335 = arith.addf %add3A_333, %add3A_334 : vector<1024x1024xf32>
    %sub3A_336 = arith.subf %add3A_335, %dot_general3A_332 : vector<1024x1024xf32>
    %reduce_min3A_337 = arith.constant dense<0x7F800000> : vector<1024xf32>
    %reduce_min3A_338 = vector.multi_reduction <minimumf>, %sub3A_336, %reduce_min3A_337 [1] : vector<1024x1024xf32> to vector<1024xf32>
    %broadcast_in_dim3A_339 = vector.shape_cast %reduce_min3A_338 : vector<1024xf32> to vector<1024x1xf32>
    %min3A_340 = arith.minimumf %min3A_303, %broadcast_in_dim3A_339 : vector<1024x1xf32>
    %reduce_min3A_341 = arith.constant dense<0x7F800000> : vector<1024xf32>
    %reduce_min3A_342 = vector.multi_reduction <minimumf>, %sub3A_336, %reduce_min3A_341 [0] : vector<1024x1024xf32> to vector<1024xf32>
    %broadcast_in_dim3A_343 = vector.shape_cast %reduce_min3A_342 : vector<1024xf32> to vector<1x1024xf32>
    %max3A_344 = arith.constant 0.000000e+00 : f32
    %max3A_345 = vector.broadcast %max3A_344 : f32 to vector<1x1024xf32>
    %max3A_346 = arith.maximumf %broadcast_in_dim3A_343, %max3A_345 : vector<1x1024xf32>
    %reduce_sum3A_347 = vector.shape_cast %max3A_346 : vector<1x1024xf32> to vector<1x1x1024xf32>
    %reduce_sum3A_348 = arith.constant dense<0.000000e+00> : vector<1xf32>
    %reduce_sum3A_349 = vector.multi_reduction <add>, %reduce_sum3A_347, %reduce_sum3A_348 [1, 2] : vector<1x1x1024xf32> to vector<1xf32>
    %reduce_sum3A_350 = vector.shape_cast %reduce_sum3A_349 : vector<1xf32> to vector<1x1x1xf32>
    %reduce_sum3A_351 = vector.extract %reduce_sum3A_350[0, 0, 0] : f32 from vector<1x1x1xf32>
    %add3A_352 = arith.addf %add3A_315, %reduce_sum3A_351 : f32
    %max3A_353 = arith.constant 0.000000e+00 : f32
    %max3A_354 = vector.broadcast %max3A_353 : f32 to vector<1024x1xf32>
    %max3A_355 = arith.maximumf %min3A_340, %max3A_354 : vector<1024x1xf32>
    %reduce_sum3A_356 = vector.shape_cast %max3A_355 : vector<1024x1xf32> to vector<1x1024x1xf32>
    %reduce_sum3A_357 = arith.constant dense<0.000000e+00> : vector<1xf32>
    %reduce_sum3A_358 = vector.multi_reduction <add>, %reduce_sum3A_356, %reduce_sum3A_357 [1, 2] : vector<1x1024x1xf32> to vector<1xf32>
    %reduce_sum3A_359 = vector.shape_cast %reduce_sum3A_358 : vector<1xf32> to vector<1x1x1xf32>
    %reduce_sum3A_360 = vector.extract %reduce_sum3A_359[0, 0, 0] : f32 from vector<1x1x1xf32>
    %mul3A_361 = arith.constant 9.765625E-4 : f32
    %mul3A_362 = arith.mulf %reduce_sum3A_360, %mul3A_361 : f32
    %mul3A_363 = arith.constant 2.44140625E-4 : f32
    %mul3A_364 = arith.mulf %add3A_352, %mul3A_363 : f32
    %mul3A_365 = arith.constant 8.000000e-01 : f32
    %mul3A_366 = arith.mulf %mul3A_365, %mul3A_362 : f32
    %mul3A_367 = arith.constant 2.000000e-01 : f32
    %mul3A_368 = arith.mulf %mul3A_367, %mul3A_364 : f32
    %add3A_369 = arith.addf %mul3A_366, %mul3A_368 : f32
    %get3A_370 = arith.constant 0 : index
    %get3A_371 = arith.constant 1 : index
    %get3A_372 = memref.load %arg6[%get3A_370, %get3A_371] : memref<1x4xf32, #tpu.memory_space<smem>>
    %div3A_373 = arith.divf %add3A_369, %get3A_372 : f32
    %add3A_374 = arith.addf %add3A_181, %div3A_373 : f32
    %get3A_375 = arith.constant 2 : index
    %get3A_376 = arith.constant 0 : index
    %get3A_377 = arith.constant 0 : index
    %get3A_378 = vector.load %arg0[%get3A_375, %get3A_376, %get3A_377] : memref<4x1024x3xf32, #tpu.memory_space<vmem>>, vector<1x1024x3xf32>
    %get3A_379 = vector.shape_cast %get3A_378 : vector<1x1024x3xf32> to vector<1024x3xf32>
    %slice3A_380 = vector.extract_strided_slice %get3A_379 {offsets = [0, 0], sizes = [1024, 1], strides = [1, 1]} : vector<1024x3xf32> to vector<1024x1xf32>
    %slice3A_381 = vector.extract_strided_slice %get3A_379 {offsets = [0, 1], sizes = [1024, 1], strides = [1, 1]} : vector<1024x3xf32> to vector<1024x1xf32>
    %slice3A_382 = vector.extract_strided_slice %get3A_379 {offsets = [0, 2], sizes = [1024, 1], strides = [1, 1]} : vector<1024x3xf32> to vector<1024x1xf32>
    %mul3A_383 = arith.mulf %slice3A_380, %slice3A_380 : vector<1024x1xf32>
    %mul3A_384 = arith.mulf %slice3A_381, %slice3A_381 : vector<1024x1xf32>
    %add3A_385 = arith.addf %mul3A_383, %mul3A_384 : vector<1024x1xf32>
    %mul3A_386 = arith.mulf %slice3A_382, %slice3A_382 : vector<1024x1xf32>
    %add3A_387 = arith.addf %add3A_385, %mul3A_386 : vector<1024x1xf32>
    %get3A_388 = arith.constant 2 : index
    %get3A_389 = arith.constant 0 : index
    %get3A_390 = arith.constant 0 : index
    %get3A_391 = vector.load %arg1[%get3A_388, %get3A_389, %get3A_390] : memref<4x1024x3xbf16, #tpu.memory_space<vmem>>, vector<1x1024x3xbf16>
    %get3A_392 = vector.shape_cast %get3A_391 : vector<1x1024x3xbf16> to vector<1024x3xbf16>
    %get3A_393 = arith.constant 2 : index
    %get3A_394 = arith.constant 0 : index
    %get3A_395 = arith.constant 0 : index
    %get3A_396 = vector.load %arg2[%get3A_393, %get3A_394, %get3A_395] : memref<4x3x4096xbf16, #tpu.memory_space<vmem>>, vector<1x3x4096xbf16>
    %get3A_397 = vector.shape_cast %get3A_396 : vector<1x3x4096xbf16> to vector<3x4096xbf16>
    %get3A_398 = arith.constant 2 : index
    %get3A_399 = arith.constant 0 : index
    %get3A_400 = vector.load %arg3[%get3A_398, %get3A_399] : memref<4x4096xf32, #tpu.memory_space<vmem>>, vector<1x1024xf32>
    %get3A_401 = arith.constant 2 : index
    %get3A_402 = arith.constant 0 : index
    %get3A_403 = vector.load %arg4[%get3A_401, %get3A_402] : memref<4x4096xf32, #tpu.memory_space<vmem>>, vector<1x1024xf32>
    %get3A_404 = arith.constant 2 : index
    %get3A_405 = arith.constant 0 : index
    %get3A_406 = vector.load %arg5[%get3A_404, %get3A_405] : memref<4x4096xf32, #tpu.memory_space<vmem>>, vector<1x1024xf32>
    %mul3A_407 = arith.mulf %get3A_400, %get3A_400 : vector<1x1024xf32>
    %mul3A_408 = arith.mulf %get3A_403, %get3A_403 : vector<1x1024xf32>
    %add3A_409 = arith.addf %mul3A_407, %mul3A_408 : vector<1x1024xf32>
    %mul3A_410 = arith.mulf %get3A_406, %get3A_406 : vector<1x1024xf32>
    %add3A_411 = arith.addf %add3A_409, %mul3A_410 : vector<1x1024xf32>
    %slice3A_412 = vector.extract_strided_slice %get3A_397 {offsets = [0, 0], sizes = [3, 1024], strides = [1, 1]} : vector<3x4096xbf16> to vector<3x1024xbf16>
    %dot_general3A_413 = arith.constant dense<0.000000e+00> : vector<1024x1024xf32>
    %dot_general3A_414 = tpu.matmul %get3A_392, %slice3A_412, %dot_general3A_413 {dimension_numbers = #tpu.dot_dimension_numbers<[1], [0], [0], [1], [0, 0, 1, 1], [], []>, transpose_lhs_hint = false} : vector<1024x3xbf16>, vector<3x1024xbf16>, vector<1024x1024xf32> -> vector<1024x1024xf32>
    %add3A_415 = vector.broadcast %add3A_387 : vector<1024x1xf32> to vector<1024x1024xf32>
    %add3A_416 = vector.broadcast %add3A_411 : vector<1x1024xf32> to vector<1024x1024xf32>
    %add3A_417 = arith.addf %add3A_415, %add3A_416 : vector<1024x1024xf32>
    %sub3A_418 = arith.subf %add3A_417, %dot_general3A_414 : vector<1024x1024xf32>
    %reduce_min3A_419 = arith.constant dense<0x7F800000> : vector<1024xf32>
    %reduce_min3A_420 = vector.multi_reduction <minimumf>, %sub3A_418, %reduce_min3A_419 [1] : vector<1024x1024xf32> to vector<1024xf32>
    %broadcast_in_dim3A_421 = vector.shape_cast %reduce_min3A_420 : vector<1024xf32> to vector<1024x1xf32>
    %reduce_min3A_422 = arith.constant dense<0x7F800000> : vector<1024xf32>
    %reduce_min3A_423 = vector.multi_reduction <minimumf>, %sub3A_418, %reduce_min3A_422 [0] : vector<1024x1024xf32> to vector<1024xf32>
    %broadcast_in_dim3A_424 = vector.shape_cast %reduce_min3A_423 : vector<1024xf32> to vector<1x1024xf32>
    %max3A_425 = arith.constant 0.000000e+00 : f32
    %max3A_426 = vector.broadcast %max3A_425 : f32 to vector<1x1024xf32>
    %max3A_427 = arith.maximumf %broadcast_in_dim3A_424, %max3A_426 : vector<1x1024xf32>
    %reduce_sum3A_428 = vector.shape_cast %max3A_427 : vector<1x1024xf32> to vector<1x1x1024xf32>
    %reduce_sum3A_429 = arith.constant dense<0.000000e+00> : vector<1xf32>
    %reduce_sum3A_430 = vector.multi_reduction <add>, %reduce_sum3A_428, %reduce_sum3A_429 [1, 2] : vector<1x1x1024xf32> to vector<1xf32>
    %reduce_sum3A_431 = vector.shape_cast %reduce_sum3A_430 : vector<1xf32> to vector<1x1x1xf32>
    %reduce_sum3A_432 = vector.extract %reduce_sum3A_431[0, 0, 0] : f32 from vector<1x1x1xf32>
    %add3A_433 = arith.constant 0.000000e+00 : f32
    %add3A_434 = arith.addf %add3A_433, %reduce_sum3A_432 : f32
    %get3A_435 = arith.constant 2 : index
    %get3A_436 = arith.constant 1024 : index
    %get3A_437 = vector.load %arg3[%get3A_435, %get3A_436] : memref<4x4096xf32, #tpu.memory_space<vmem>>, vector<1x1024xf32>
    %get3A_438 = arith.constant 2 : index
    %get3A_439 = arith.constant 1024 : index
    %get3A_440 = vector.load %arg4[%get3A_438, %get3A_439] : memref<4x4096xf32, #tpu.memory_space<vmem>>, vector<1x1024xf32>
    %get3A_441 = arith.constant 2 : index
    %get3A_442 = arith.constant 1024 : index
    %get3A_443 = vector.load %arg5[%get3A_441, %get3A_442] : memref<4x4096xf32, #tpu.memory_space<vmem>>, vector<1x1024xf32>
    %mul3A_444 = arith.mulf %get3A_437, %get3A_437 : vector<1x1024xf32>
    %mul3A_445 = arith.mulf %get3A_440, %get3A_440 : vector<1x1024xf32>
    %add3A_446 = arith.addf %mul3A_444, %mul3A_445 : vector<1x1024xf32>
    %mul3A_447 = arith.mulf %get3A_443, %get3A_443 : vector<1x1024xf32>
    %add3A_448 = arith.addf %add3A_446, %mul3A_447 : vector<1x1024xf32>
    %slice3A_449 = vector.extract_strided_slice %get3A_397 {offsets = [0, 1024], sizes = [3, 1024], strides = [1, 1]} : vector<3x4096xbf16> to vector<3x1024xbf16>
    %dot_general3A_450 = arith.constant dense<0.000000e+00> : vector<1024x1024xf32>
    %dot_general3A_451 = tpu.matmul %get3A_392, %slice3A_449, %dot_general3A_450 {dimension_numbers = #tpu.dot_dimension_numbers<[1], [0], [0], [1], [0, 0, 1, 1], [], []>, transpose_lhs_hint = false} : vector<1024x3xbf16>, vector<3x1024xbf16>, vector<1024x1024xf32> -> vector<1024x1024xf32>
    %add3A_452 = vector.broadcast %add3A_387 : vector<1024x1xf32> to vector<1024x1024xf32>
    %add3A_453 = vector.broadcast %add3A_448 : vector<1x1024xf32> to vector<1024x1024xf32>
    %add3A_454 = arith.addf %add3A_452, %add3A_453 : vector<1024x1024xf32>
    %sub3A_455 = arith.subf %add3A_454, %dot_general3A_451 : vector<1024x1024xf32>
    %reduce_min3A_456 = arith.constant dense<0x7F800000> : vector<1024xf32>
    %reduce_min3A_457 = vector.multi_reduction <minimumf>, %sub3A_455, %reduce_min3A_456 [1] : vector<1024x1024xf32> to vector<1024xf32>
    %broadcast_in_dim3A_458 = vector.shape_cast %reduce_min3A_457 : vector<1024xf32> to vector<1024x1xf32>
    %min3A_459 = arith.minimumf %broadcast_in_dim3A_421, %broadcast_in_dim3A_458 : vector<1024x1xf32>
    %reduce_min3A_460 = arith.constant dense<0x7F800000> : vector<1024xf32>
    %reduce_min3A_461 = vector.multi_reduction <minimumf>, %sub3A_455, %reduce_min3A_460 [0] : vector<1024x1024xf32> to vector<1024xf32>
    %broadcast_in_dim3A_462 = vector.shape_cast %reduce_min3A_461 : vector<1024xf32> to vector<1x1024xf32>
    %max3A_463 = arith.constant 0.000000e+00 : f32
    %max3A_464 = vector.broadcast %max3A_463 : f32 to vector<1x1024xf32>
    %max3A_465 = arith.maximumf %broadcast_in_dim3A_462, %max3A_464 : vector<1x1024xf32>
    %reduce_sum3A_466 = vector.shape_cast %max3A_465 : vector<1x1024xf32> to vector<1x1x1024xf32>
    %reduce_sum3A_467 = arith.constant dense<0.000000e+00> : vector<1xf32>
    %reduce_sum3A_468 = vector.multi_reduction <add>, %reduce_sum3A_466, %reduce_sum3A_467 [1, 2] : vector<1x1x1024xf32> to vector<1xf32>
    %reduce_sum3A_469 = vector.shape_cast %reduce_sum3A_468 : vector<1xf32> to vector<1x1x1xf32>
    %reduce_sum3A_470 = vector.extract %reduce_sum3A_469[0, 0, 0] : f32 from vector<1x1x1xf32>
    %add3A_471 = arith.addf %add3A_434, %reduce_sum3A_470 : f32
    %get3A_472 = arith.constant 2 : index
    %get3A_473 = arith.constant 2048 : index
    %get3A_474 = vector.load %arg3[%get3A_472, %get3A_473] : memref<4x4096xf32, #tpu.memory_space<vmem>>, vector<1x1024xf32>
    %get3A_475 = arith.constant 2 : index
    %get3A_476 = arith.constant 2048 : index
    %get3A_477 = vector.load %arg4[%get3A_475, %get3A_476] : memref<4x4096xf32, #tpu.memory_space<vmem>>, vector<1x1024xf32>
    %get3A_478 = arith.constant 2 : index
    %get3A_479 = arith.constant 2048 : index
    %get3A_480 = vector.load %arg5[%get3A_478, %get3A_479] : memref<4x4096xf32, #tpu.memory_space<vmem>>, vector<1x1024xf32>
    %mul3A_481 = arith.mulf %get3A_474, %get3A_474 : vector<1x1024xf32>
    %mul3A_482 = arith.mulf %get3A_477, %get3A_477 : vector<1x1024xf32>
    %add3A_483 = arith.addf %mul3A_481, %mul3A_482 : vector<1x1024xf32>
    %mul3A_484 = arith.mulf %get3A_480, %get3A_480 : vector<1x1024xf32>
    %add3A_485 = arith.addf %add3A_483, %mul3A_484 : vector<1x1024xf32>
    %slice3A_486 = vector.extract_strided_slice %get3A_397 {offsets = [0, 2048], sizes = [3, 1024], strides = [1, 1]} : vector<3x4096xbf16> to vector<3x1024xbf16>
    %dot_general3A_487 = arith.constant dense<0.000000e+00> : vector<1024x1024xf32>
    %dot_general3A_488 = tpu.matmul %get3A_392, %slice3A_486, %dot_general3A_487 {dimension_numbers = #tpu.dot_dimension_numbers<[1], [0], [0], [1], [0, 0, 1, 1], [], []>, transpose_lhs_hint = false} : vector<1024x3xbf16>, vector<3x1024xbf16>, vector<1024x1024xf32> -> vector<1024x1024xf32>
    %add3A_489 = vector.broadcast %add3A_387 : vector<1024x1xf32> to vector<1024x1024xf32>
    %add3A_490 = vector.broadcast %add3A_485 : vector<1x1024xf32> to vector<1024x1024xf32>
    %add3A_491 = arith.addf %add3A_489, %add3A_490 : vector<1024x1024xf32>
    %sub3A_492 = arith.subf %add3A_491, %dot_general3A_488 : vector<1024x1024xf32>
    %reduce_min3A_493 = arith.constant dense<0x7F800000> : vector<1024xf32>
    %reduce_min3A_494 = vector.multi_reduction <minimumf>, %sub3A_492, %reduce_min3A_493 [1] : vector<1024x1024xf32> to vector<1024xf32>
    %broadcast_in_dim3A_495 = vector.shape_cast %reduce_min3A_494 : vector<1024xf32> to vector<1024x1xf32>
    %min3A_496 = arith.minimumf %min3A_459, %broadcast_in_dim3A_495 : vector<1024x1xf32>
    %reduce_min3A_497 = arith.constant dense<0x7F800000> : vector<1024xf32>
    %reduce_min3A_498 = vector.multi_reduction <minimumf>, %sub3A_492, %reduce_min3A_497 [0] : vector<1024x1024xf32> to vector<1024xf32>
    %broadcast_in_dim3A_499 = vector.shape_cast %reduce_min3A_498 : vector<1024xf32> to vector<1x1024xf32>
    %max3A_500 = arith.constant 0.000000e+00 : f32
    %max3A_501 = vector.broadcast %max3A_500 : f32 to vector<1x1024xf32>
    %max3A_502 = arith.maximumf %broadcast_in_dim3A_499, %max3A_501 : vector<1x1024xf32>
    %reduce_sum3A_503 = vector.shape_cast %max3A_502 : vector<1x1024xf32> to vector<1x1x1024xf32>
    %reduce_sum3A_504 = arith.constant dense<0.000000e+00> : vector<1xf32>
    %reduce_sum3A_505 = vector.multi_reduction <add>, %reduce_sum3A_503, %reduce_sum3A_504 [1, 2] : vector<1x1x1024xf32> to vector<1xf32>
    %reduce_sum3A_506 = vector.shape_cast %reduce_sum3A_505 : vector<1xf32> to vector<1x1x1xf32>
    %reduce_sum3A_507 = vector.extract %reduce_sum3A_506[0, 0, 0] : f32 from vector<1x1x1xf32>
    %add3A_508 = arith.addf %add3A_471, %reduce_sum3A_507 : f32
    %get3A_509 = arith.constant 2 : index
    %get3A_510 = arith.constant 3072 : index
    %get3A_511 = vector.load %arg3[%get3A_509, %get3A_510] : memref<4x4096xf32, #tpu.memory_space<vmem>>, vector<1x1024xf32>
    %get3A_512 = arith.constant 2 : index
    %get3A_513 = arith.constant 3072 : index
    %get3A_514 = vector.load %arg4[%get3A_512, %get3A_513] : memref<4x4096xf32, #tpu.memory_space<vmem>>, vector<1x1024xf32>
    %get3A_515 = arith.constant 2 : index
    %get3A_516 = arith.constant 3072 : index
    %get3A_517 = vector.load %arg5[%get3A_515, %get3A_516] : memref<4x4096xf32, #tpu.memory_space<vmem>>, vector<1x1024xf32>
    %mul3A_518 = arith.mulf %get3A_511, %get3A_511 : vector<1x1024xf32>
    %mul3A_519 = arith.mulf %get3A_514, %get3A_514 : vector<1x1024xf32>
    %add3A_520 = arith.addf %mul3A_518, %mul3A_519 : vector<1x1024xf32>
    %mul3A_521 = arith.mulf %get3A_517, %get3A_517 : vector<1x1024xf32>
    %add3A_522 = arith.addf %add3A_520, %mul3A_521 : vector<1x1024xf32>
    %slice3A_523 = vector.extract_strided_slice %get3A_397 {offsets = [0, 3072], sizes = [3, 1024], strides = [1, 1]} : vector<3x4096xbf16> to vector<3x1024xbf16>
    %dot_general3A_524 = arith.constant dense<0.000000e+00> : vector<1024x1024xf32>
    %dot_general3A_525 = tpu.matmul %get3A_392, %slice3A_523, %dot_general3A_524 {dimension_numbers = #tpu.dot_dimension_numbers<[1], [0], [0], [1], [0, 0, 1, 1], [], []>, transpose_lhs_hint = false} : vector<1024x3xbf16>, vector<3x1024xbf16>, vector<1024x1024xf32> -> vector<1024x1024xf32>
    %add3A_526 = vector.broadcast %add3A_387 : vector<1024x1xf32> to vector<1024x1024xf32>
    %add3A_527 = vector.broadcast %add3A_522 : vector<1x1024xf32> to vector<1024x1024xf32>
    %add3A_528 = arith.addf %add3A_526, %add3A_527 : vector<1024x1024xf32>
    %sub3A_529 = arith.subf %add3A_528, %dot_general3A_525 : vector<1024x1024xf32>
    %reduce_min3A_530 = arith.constant dense<0x7F800000> : vector<1024xf32>
    %reduce_min3A_531 = vector.multi_reduction <minimumf>, %sub3A_529, %reduce_min3A_530 [1] : vector<1024x1024xf32> to vector<1024xf32>
    %broadcast_in_dim3A_532 = vector.shape_cast %reduce_min3A_531 : vector<1024xf32> to vector<1024x1xf32>
    %min3A_533 = arith.minimumf %min3A_496, %broadcast_in_dim3A_532 : vector<1024x1xf32>
    %reduce_min3A_534 = arith.constant dense<0x7F800000> : vector<1024xf32>
    %reduce_min3A_535 = vector.multi_reduction <minimumf>, %sub3A_529, %reduce_min3A_534 [0] : vector<1024x1024xf32> to vector<1024xf32>
    %broadcast_in_dim3A_536 = vector.shape_cast %reduce_min3A_535 : vector<1024xf32> to vector<1x1024xf32>
    %max3A_537 = arith.constant 0.000000e+00 : f32
    %max3A_538 = vector.broadcast %max3A_537 : f32 to vector<1x1024xf32>
    %max3A_539 = arith.maximumf %broadcast_in_dim3A_536, %max3A_538 : vector<1x1024xf32>
    %reduce_sum3A_540 = vector.shape_cast %max3A_539 : vector<1x1024xf32> to vector<1x1x1024xf32>
    %reduce_sum3A_541 = arith.constant dense<0.000000e+00> : vector<1xf32>
    %reduce_sum3A_542 = vector.multi_reduction <add>, %reduce_sum3A_540, %reduce_sum3A_541 [1, 2] : vector<1x1x1024xf32> to vector<1xf32>
    %reduce_sum3A_543 = vector.shape_cast %reduce_sum3A_542 : vector<1xf32> to vector<1x1x1xf32>
    %reduce_sum3A_544 = vector.extract %reduce_sum3A_543[0, 0, 0] : f32 from vector<1x1x1xf32>
    %add3A_545 = arith.addf %add3A_508, %reduce_sum3A_544 : f32
    %max3A_546 = arith.constant 0.000000e+00 : f32
    %max3A_547 = vector.broadcast %max3A_546 : f32 to vector<1024x1xf32>
    %max3A_548 = arith.maximumf %min3A_533, %max3A_547 : vector<1024x1xf32>
    %reduce_sum3A_549 = vector.shape_cast %max3A_548 : vector<1024x1xf32> to vector<1x1024x1xf32>
    %reduce_sum3A_550 = arith.constant dense<0.000000e+00> : vector<1xf32>
    %reduce_sum3A_551 = vector.multi_reduction <add>, %reduce_sum3A_549, %reduce_sum3A_550 [1, 2] : vector<1x1024x1xf32> to vector<1xf32>
    %reduce_sum3A_552 = vector.shape_cast %reduce_sum3A_551 : vector<1xf32> to vector<1x1x1xf32>
    %reduce_sum3A_553 = vector.extract %reduce_sum3A_552[0, 0, 0] : f32 from vector<1x1x1xf32>
    %mul3A_554 = arith.constant 9.765625E-4 : f32
    %mul3A_555 = arith.mulf %reduce_sum3A_553, %mul3A_554 : f32
    %mul3A_556 = arith.constant 2.44140625E-4 : f32
    %mul3A_557 = arith.mulf %add3A_545, %mul3A_556 : f32
    %mul3A_558 = arith.constant 8.000000e-01 : f32
    %mul3A_559 = arith.mulf %mul3A_558, %mul3A_555 : f32
    %mul3A_560 = arith.constant 2.000000e-01 : f32
    %mul3A_561 = arith.mulf %mul3A_560, %mul3A_557 : f32
    %add3A_562 = arith.addf %mul3A_559, %mul3A_561 : f32
    %get3A_563 = arith.constant 0 : index
    %get3A_564 = arith.constant 2 : index
    %get3A_565 = memref.load %arg6[%get3A_563, %get3A_564] : memref<1x4xf32, #tpu.memory_space<smem>>
    %div3A_566 = arith.divf %add3A_562, %get3A_565 : f32
    %add3A_567 = arith.addf %add3A_374, %div3A_566 : f32
    %get3A_568 = arith.constant 3 : index
    %get3A_569 = arith.constant 0 : index
    %get3A_570 = arith.constant 0 : index
    %get3A_571 = vector.load %arg0[%get3A_568, %get3A_569, %get3A_570] : memref<4x1024x3xf32, #tpu.memory_space<vmem>>, vector<1x1024x3xf32>
    %get3A_572 = vector.shape_cast %get3A_571 : vector<1x1024x3xf32> to vector<1024x3xf32>
    %slice3A_573 = vector.extract_strided_slice %get3A_572 {offsets = [0, 0], sizes = [1024, 1], strides = [1, 1]} : vector<1024x3xf32> to vector<1024x1xf32>
    %slice3A_574 = vector.extract_strided_slice %get3A_572 {offsets = [0, 1], sizes = [1024, 1], strides = [1, 1]} : vector<1024x3xf32> to vector<1024x1xf32>
    %slice3A_575 = vector.extract_strided_slice %get3A_572 {offsets = [0, 2], sizes = [1024, 1], strides = [1, 1]} : vector<1024x3xf32> to vector<1024x1xf32>
    %mul3A_576 = arith.mulf %slice3A_573, %slice3A_573 : vector<1024x1xf32>
    %mul3A_577 = arith.mulf %slice3A_574, %slice3A_574 : vector<1024x1xf32>
    %add3A_578 = arith.addf %mul3A_576, %mul3A_577 : vector<1024x1xf32>
    %mul3A_579 = arith.mulf %slice3A_575, %slice3A_575 : vector<1024x1xf32>
    %add3A_580 = arith.addf %add3A_578, %mul3A_579 : vector<1024x1xf32>
    %get3A_581 = arith.constant 3 : index
    %get3A_582 = arith.constant 0 : index
    %get3A_583 = arith.constant 0 : index
    %get3A_584 = vector.load %arg1[%get3A_581, %get3A_582, %get3A_583] : memref<4x1024x3xbf16, #tpu.memory_space<vmem>>, vector<1x1024x3xbf16>
    %get3A_585 = vector.shape_cast %get3A_584 : vector<1x1024x3xbf16> to vector<1024x3xbf16>
    %get3A_586 = arith.constant 3 : index
    %get3A_587 = arith.constant 0 : index
    %get3A_588 = arith.constant 0 : index
    %get3A_589 = vector.load %arg2[%get3A_586, %get3A_587, %get3A_588] : memref<4x3x4096xbf16, #tpu.memory_space<vmem>>, vector<1x3x4096xbf16>
    %get3A_590 = vector.shape_cast %get3A_589 : vector<1x3x4096xbf16> to vector<3x4096xbf16>
    %get3A_591 = arith.constant 3 : index
    %get3A_592 = arith.constant 0 : index
    %get3A_593 = vector.load %arg3[%get3A_591, %get3A_592] : memref<4x4096xf32, #tpu.memory_space<vmem>>, vector<1x1024xf32>
    %get3A_594 = arith.constant 3 : index
    %get3A_595 = arith.constant 0 : index
    %get3A_596 = vector.load %arg4[%get3A_594, %get3A_595] : memref<4x4096xf32, #tpu.memory_space<vmem>>, vector<1x1024xf32>
    %get3A_597 = arith.constant 3 : index
    %get3A_598 = arith.constant 0 : index
    %get3A_599 = vector.load %arg5[%get3A_597, %get3A_598] : memref<4x4096xf32, #tpu.memory_space<vmem>>, vector<1x1024xf32>
    %mul3A_600 = arith.mulf %get3A_593, %get3A_593 : vector<1x1024xf32>
    %mul3A_601 = arith.mulf %get3A_596, %get3A_596 : vector<1x1024xf32>
    %add3A_602 = arith.addf %mul3A_600, %mul3A_601 : vector<1x1024xf32>
    %mul3A_603 = arith.mulf %get3A_599, %get3A_599 : vector<1x1024xf32>
    %add3A_604 = arith.addf %add3A_602, %mul3A_603 : vector<1x1024xf32>
    %slice3A_605 = vector.extract_strided_slice %get3A_590 {offsets = [0, 0], sizes = [3, 1024], strides = [1, 1]} : vector<3x4096xbf16> to vector<3x1024xbf16>
    %dot_general3A_606 = arith.constant dense<0.000000e+00> : vector<1024x1024xf32>
    %dot_general3A_607 = tpu.matmul %get3A_585, %slice3A_605, %dot_general3A_606 {dimension_numbers = #tpu.dot_dimension_numbers<[1], [0], [0], [1], [0, 0, 1, 1], [], []>, transpose_lhs_hint = false} : vector<1024x3xbf16>, vector<3x1024xbf16>, vector<1024x1024xf32> -> vector<1024x1024xf32>
    %add3A_608 = vector.broadcast %add3A_580 : vector<1024x1xf32> to vector<1024x1024xf32>
    %add3A_609 = vector.broadcast %add3A_604 : vector<1x1024xf32> to vector<1024x1024xf32>
    %add3A_610 = arith.addf %add3A_608, %add3A_609 : vector<1024x1024xf32>
    %sub3A_611 = arith.subf %add3A_610, %dot_general3A_607 : vector<1024x1024xf32>
    %reduce_min3A_612 = arith.constant dense<0x7F800000> : vector<1024xf32>
    %reduce_min3A_613 = vector.multi_reduction <minimumf>, %sub3A_611, %reduce_min3A_612 [1] : vector<1024x1024xf32> to vector<1024xf32>
    %broadcast_in_dim3A_614 = vector.shape_cast %reduce_min3A_613 : vector<1024xf32> to vector<1024x1xf32>
    %reduce_min3A_615 = arith.constant dense<0x7F800000> : vector<1024xf32>
    %reduce_min3A_616 = vector.multi_reduction <minimumf>, %sub3A_611, %reduce_min3A_615 [0] : vector<1024x1024xf32> to vector<1024xf32>
    %broadcast_in_dim3A_617 = vector.shape_cast %reduce_min3A_616 : vector<1024xf32> to vector<1x1024xf32>
    %max3A_618 = arith.constant 0.000000e+00 : f32
    %max3A_619 = vector.broadcast %max3A_618 : f32 to vector<1x1024xf32>
    %max3A_620 = arith.maximumf %broadcast_in_dim3A_617, %max3A_619 : vector<1x1024xf32>
    %reduce_sum3A_621 = vector.shape_cast %max3A_620 : vector<1x1024xf32> to vector<1x1x1024xf32>
    %reduce_sum3A_622 = arith.constant dense<0.000000e+00> : vector<1xf32>
    %reduce_sum3A_623 = vector.multi_reduction <add>, %reduce_sum3A_621, %reduce_sum3A_622 [1, 2] : vector<1x1x1024xf32> to vector<1xf32>
    %reduce_sum3A_624 = vector.shape_cast %reduce_sum3A_623 : vector<1xf32> to vector<1x1x1xf32>
    %reduce_sum3A_625 = vector.extract %reduce_sum3A_624[0, 0, 0] : f32 from vector<1x1x1xf32>
    %add3A_626 = arith.constant 0.000000e+00 : f32
    %add3A_627 = arith.addf %add3A_626, %reduce_sum3A_625 : f32
    %get3A_628 = arith.constant 3 : index
    %get3A_629 = arith.constant 1024 : index
    %get3A_630 = vector.load %arg3[%get3A_628, %get3A_629] : memref<4x4096xf32, #tpu.memory_space<vmem>>, vector<1x1024xf32>
    %get3A_631 = arith.constant 3 : index
    %get3A_632 = arith.constant 1024 : index
    %get3A_633 = vector.load %arg4[%get3A_631, %get3A_632] : memref<4x4096xf32, #tpu.memory_space<vmem>>, vector<1x1024xf32>
    %get3A_634 = arith.constant 3 : index
    %get3A_635 = arith.constant 1024 : index
    %get3A_636 = vector.load %arg5[%get3A_634, %get3A_635] : memref<4x4096xf32, #tpu.memory_space<vmem>>, vector<1x1024xf32>
    %mul3A_637 = arith.mulf %get3A_630, %get3A_630 : vector<1x1024xf32>
    %mul3A_638 = arith.mulf %get3A_633, %get3A_633 : vector<1x1024xf32>
    %add3A_639 = arith.addf %mul3A_637, %mul3A_638 : vector<1x1024xf32>
    %mul3A_640 = arith.mulf %get3A_636, %get3A_636 : vector<1x1024xf32>
    %add3A_641 = arith.addf %add3A_639, %mul3A_640 : vector<1x1024xf32>
    %slice3A_642 = vector.extract_strided_slice %get3A_590 {offsets = [0, 1024], sizes = [3, 1024], strides = [1, 1]} : vector<3x4096xbf16> to vector<3x1024xbf16>
    %dot_general3A_643 = arith.constant dense<0.000000e+00> : vector<1024x1024xf32>
    %dot_general3A_644 = tpu.matmul %get3A_585, %slice3A_642, %dot_general3A_643 {dimension_numbers = #tpu.dot_dimension_numbers<[1], [0], [0], [1], [0, 0, 1, 1], [], []>, transpose_lhs_hint = false} : vector<1024x3xbf16>, vector<3x1024xbf16>, vector<1024x1024xf32> -> vector<1024x1024xf32>
    %add3A_645 = vector.broadcast %add3A_580 : vector<1024x1xf32> to vector<1024x1024xf32>
    %add3A_646 = vector.broadcast %add3A_641 : vector<1x1024xf32> to vector<1024x1024xf32>
    %add3A_647 = arith.addf %add3A_645, %add3A_646 : vector<1024x1024xf32>
    %sub3A_648 = arith.subf %add3A_647, %dot_general3A_644 : vector<1024x1024xf32>
    %reduce_min3A_649 = arith.constant dense<0x7F800000> : vector<1024xf32>
    %reduce_min3A_650 = vector.multi_reduction <minimumf>, %sub3A_648, %reduce_min3A_649 [1] : vector<1024x1024xf32> to vector<1024xf32>
    %broadcast_in_dim3A_651 = vector.shape_cast %reduce_min3A_650 : vector<1024xf32> to vector<1024x1xf32>
    %min3A_652 = arith.minimumf %broadcast_in_dim3A_614, %broadcast_in_dim3A_651 : vector<1024x1xf32>
    %reduce_min3A_653 = arith.constant dense<0x7F800000> : vector<1024xf32>
    %reduce_min3A_654 = vector.multi_reduction <minimumf>, %sub3A_648, %reduce_min3A_653 [0] : vector<1024x1024xf32> to vector<1024xf32>
    %broadcast_in_dim3A_655 = vector.shape_cast %reduce_min3A_654 : vector<1024xf32> to vector<1x1024xf32>
    %max3A_656 = arith.constant 0.000000e+00 : f32
    %max3A_657 = vector.broadcast %max3A_656 : f32 to vector<1x1024xf32>
    %max3A_658 = arith.maximumf %broadcast_in_dim3A_655, %max3A_657 : vector<1x1024xf32>
    %reduce_sum3A_659 = vector.shape_cast %max3A_658 : vector<1x1024xf32> to vector<1x1x1024xf32>
    %reduce_sum3A_660 = arith.constant dense<0.000000e+00> : vector<1xf32>
    %reduce_sum3A_661 = vector.multi_reduction <add>, %reduce_sum3A_659, %reduce_sum3A_660 [1, 2] : vector<1x1x1024xf32> to vector<1xf32>
    %reduce_sum3A_662 = vector.shape_cast %reduce_sum3A_661 : vector<1xf32> to vector<1x1x1xf32>
    %reduce_sum3A_663 = vector.extract %reduce_sum3A_662[0, 0, 0] : f32 from vector<1x1x1xf32>
    %add3A_664 = arith.addf %add3A_627, %reduce_sum3A_663 : f32
    %get3A_665 = arith.constant 3 : index
    %get3A_666 = arith.constant 2048 : index
    %get3A_667 = vector.load %arg3[%get3A_665, %get3A_666] : memref<4x4096xf32, #tpu.memory_space<vmem>>, vector<1x1024xf32>
    %get3A_668 = arith.constant 3 : index
    %get3A_669 = arith.constant 2048 : index
    %get3A_670 = vector.load %arg4[%get3A_668, %get3A_669] : memref<4x4096xf32, #tpu.memory_space<vmem>>, vector<1x1024xf32>
    %get3A_671 = arith.constant 3 : index
    %get3A_672 = arith.constant 2048 : index
    %get3A_673 = vector.load %arg5[%get3A_671, %get3A_672] : memref<4x4096xf32, #tpu.memory_space<vmem>>, vector<1x1024xf32>
    %mul3A_674 = arith.mulf %get3A_667, %get3A_667 : vector<1x1024xf32>
    %mul3A_675 = arith.mulf %get3A_670, %get3A_670 : vector<1x1024xf32>
    %add3A_676 = arith.addf %mul3A_674, %mul3A_675 : vector<1x1024xf32>
    %mul3A_677 = arith.mulf %get3A_673, %get3A_673 : vector<1x1024xf32>
    %add3A_678 = arith.addf %add3A_676, %mul3A_677 : vector<1x1024xf32>
    %slice3A_679 = vector.extract_strided_slice %get3A_590 {offsets = [0, 2048], sizes = [3, 1024], strides = [1, 1]} : vector<3x4096xbf16> to vector<3x1024xbf16>
    %dot_general3A_680 = arith.constant dense<0.000000e+00> : vector<1024x1024xf32>
    %dot_general3A_681 = tpu.matmul %get3A_585, %slice3A_679, %dot_general3A_680 {dimension_numbers = #tpu.dot_dimension_numbers<[1], [0], [0], [1], [0, 0, 1, 1], [], []>, transpose_lhs_hint = false} : vector<1024x3xbf16>, vector<3x1024xbf16>, vector<1024x1024xf32> -> vector<1024x1024xf32>
    %add3A_682 = vector.broadcast %add3A_580 : vector<1024x1xf32> to vector<1024x1024xf32>
    %add3A_683 = vector.broadcast %add3A_678 : vector<1x1024xf32> to vector<1024x1024xf32>
    %add3A_684 = arith.addf %add3A_682, %add3A_683 : vector<1024x1024xf32>
    %sub3A_685 = arith.subf %add3A_684, %dot_general3A_681 : vector<1024x1024xf32>
    %reduce_min3A_686 = arith.constant dense<0x7F800000> : vector<1024xf32>
    %reduce_min3A_687 = vector.multi_reduction <minimumf>, %sub3A_685, %reduce_min3A_686 [1] : vector<1024x1024xf32> to vector<1024xf32>
    %broadcast_in_dim3A_688 = vector.shape_cast %reduce_min3A_687 : vector<1024xf32> to vector<1024x1xf32>
    %min3A_689 = arith.minimumf %min3A_652, %broadcast_in_dim3A_688 : vector<1024x1xf32>
    %reduce_min3A_690 = arith.constant dense<0x7F800000> : vector<1024xf32>
    %reduce_min3A_691 = vector.multi_reduction <minimumf>, %sub3A_685, %reduce_min3A_690 [0] : vector<1024x1024xf32> to vector<1024xf32>
    %broadcast_in_dim3A_692 = vector.shape_cast %reduce_min3A_691 : vector<1024xf32> to vector<1x1024xf32>
    %max3A_693 = arith.constant 0.000000e+00 : f32
    %max3A_694 = vector.broadcast %max3A_693 : f32 to vector<1x1024xf32>
    %max3A_695 = arith.maximumf %broadcast_in_dim3A_692, %max3A_694 : vector<1x1024xf32>
    %reduce_sum3A_696 = vector.shape_cast %max3A_695 : vector<1x1024xf32> to vector<1x1x1024xf32>
    %reduce_sum3A_697 = arith.constant dense<0.000000e+00> : vector<1xf32>
    %reduce_sum3A_698 = vector.multi_reduction <add>, %reduce_sum3A_696, %reduce_sum3A_697 [1, 2] : vector<1x1x1024xf32> to vector<1xf32>
    %reduce_sum3A_699 = vector.shape_cast %reduce_sum3A_698 : vector<1xf32> to vector<1x1x1xf32>
    %reduce_sum3A_700 = vector.extract %reduce_sum3A_699[0, 0, 0] : f32 from vector<1x1x1xf32>
    %add3A_701 = arith.addf %add3A_664, %reduce_sum3A_700 : f32
    %get3A_702 = arith.constant 3 : index
    %get3A_703 = arith.constant 3072 : index
    %get3A_704 = vector.load %arg3[%get3A_702, %get3A_703] : memref<4x4096xf32, #tpu.memory_space<vmem>>, vector<1x1024xf32>
    %get3A_705 = arith.constant 3 : index
    %get3A_706 = arith.constant 3072 : index
    %get3A_707 = vector.load %arg4[%get3A_705, %get3A_706] : memref<4x4096xf32, #tpu.memory_space<vmem>>, vector<1x1024xf32>
    %get3A_708 = arith.constant 3 : index
    %get3A_709 = arith.constant 3072 : index
    %get3A_710 = vector.load %arg5[%get3A_708, %get3A_709] : memref<4x4096xf32, #tpu.memory_space<vmem>>, vector<1x1024xf32>
    %mul3A_711 = arith.mulf %get3A_704, %get3A_704 : vector<1x1024xf32>
    %mul3A_712 = arith.mulf %get3A_707, %get3A_707 : vector<1x1024xf32>
    %add3A_713 = arith.addf %mul3A_711, %mul3A_712 : vector<1x1024xf32>
    %mul3A_714 = arith.mulf %get3A_710, %get3A_710 : vector<1x1024xf32>
    %add3A_715 = arith.addf %add3A_713, %mul3A_714 : vector<1x1024xf32>
    %slice3A_716 = vector.extract_strided_slice %get3A_590 {offsets = [0, 3072], sizes = [3, 1024], strides = [1, 1]} : vector<3x4096xbf16> to vector<3x1024xbf16>
    %dot_general3A_717 = arith.constant dense<0.000000e+00> : vector<1024x1024xf32>
    %dot_general3A_718 = tpu.matmul %get3A_585, %slice3A_716, %dot_general3A_717 {dimension_numbers = #tpu.dot_dimension_numbers<[1], [0], [0], [1], [0, 0, 1, 1], [], []>, transpose_lhs_hint = false} : vector<1024x3xbf16>, vector<3x1024xbf16>, vector<1024x1024xf32> -> vector<1024x1024xf32>
    %add3A_719 = vector.broadcast %add3A_580 : vector<1024x1xf32> to vector<1024x1024xf32>
    %add3A_720 = vector.broadcast %add3A_715 : vector<1x1024xf32> to vector<1024x1024xf32>
    %add3A_721 = arith.addf %add3A_719, %add3A_720 : vector<1024x1024xf32>
    %sub3A_722 = arith.subf %add3A_721, %dot_general3A_718 : vector<1024x1024xf32>
    %reduce_min3A_723 = arith.constant dense<0x7F800000> : vector<1024xf32>
    %reduce_min3A_724 = vector.multi_reduction <minimumf>, %sub3A_722, %reduce_min3A_723 [1] : vector<1024x1024xf32> to vector<1024xf32>
    %broadcast_in_dim3A_725 = vector.shape_cast %reduce_min3A_724 : vector<1024xf32> to vector<1024x1xf32>
    %min3A_726 = arith.minimumf %min3A_689, %broadcast_in_dim3A_725 : vector<1024x1xf32>
    %reduce_min3A_727 = arith.constant dense<0x7F800000> : vector<1024xf32>
    %reduce_min3A_728 = vector.multi_reduction <minimumf>, %sub3A_722, %reduce_min3A_727 [0] : vector<1024x1024xf32> to vector<1024xf32>
    %broadcast_in_dim3A_729 = vector.shape_cast %reduce_min3A_728 : vector<1024xf32> to vector<1x1024xf32>
    %max3A_730 = arith.constant 0.000000e+00 : f32
    %max3A_731 = vector.broadcast %max3A_730 : f32 to vector<1x1024xf32>
    %max3A_732 = arith.maximumf %broadcast_in_dim3A_729, %max3A_731 : vector<1x1024xf32>
    %reduce_sum3A_733 = vector.shape_cast %max3A_732 : vector<1x1024xf32> to vector<1x1x1024xf32>
    %reduce_sum3A_734 = arith.constant dense<0.000000e+00> : vector<1xf32>
    %reduce_sum3A_735 = vector.multi_reduction <add>, %reduce_sum3A_733, %reduce_sum3A_734 [1, 2] : vector<1x1x1024xf32> to vector<1xf32>
    %reduce_sum3A_736 = vector.shape_cast %reduce_sum3A_735 : vector<1xf32> to vector<1x1x1xf32>
    %reduce_sum3A_737 = vector.extract %reduce_sum3A_736[0, 0, 0] : f32 from vector<1x1x1xf32>
    %add3A_738 = arith.addf %add3A_701, %reduce_sum3A_737 : f32
    %max3A_739 = arith.constant 0.000000e+00 : f32
    %max3A_740 = vector.broadcast %max3A_739 : f32 to vector<1024x1xf32>
    %max3A_741 = arith.maximumf %min3A_726, %max3A_740 : vector<1024x1xf32>
    %reduce_sum3A_742 = vector.shape_cast %max3A_741 : vector<1024x1xf32> to vector<1x1024x1xf32>
    %reduce_sum3A_743 = arith.constant dense<0.000000e+00> : vector<1xf32>
    %reduce_sum3A_744 = vector.multi_reduction <add>, %reduce_sum3A_742, %reduce_sum3A_743 [1, 2] : vector<1x1024x1xf32> to vector<1xf32>
    %reduce_sum3A_745 = vector.shape_cast %reduce_sum3A_744 : vector<1xf32> to vector<1x1x1xf32>
    %reduce_sum3A_746 = vector.extract %reduce_sum3A_745[0, 0, 0] : f32 from vector<1x1x1xf32>
    %mul3A_747 = arith.constant 9.765625E-4 : f32
    %mul3A_748 = arith.mulf %reduce_sum3A_746, %mul3A_747 : f32
    %mul3A_749 = arith.constant 2.44140625E-4 : f32
    %mul3A_750 = arith.mulf %add3A_738, %mul3A_749 : f32
    %mul3A_751 = arith.constant 8.000000e-01 : f32
    %mul3A_752 = arith.mulf %mul3A_751, %mul3A_748 : f32
    %mul3A_753 = arith.constant 2.000000e-01 : f32
    %mul3A_754 = arith.mulf %mul3A_753, %mul3A_750 : f32
    %add3A_755 = arith.addf %mul3A_752, %mul3A_754 : f32
    %get3A_756 = arith.constant 0 : index
    %get3A_757 = arith.constant 3 : index
    %get3A_758 = memref.load %arg6[%get3A_756, %get3A_757] : memref<1x4xf32, #tpu.memory_space<smem>>
    %div3A_759 = arith.divf %add3A_755, %get3A_758 : f32
    %add3A_760 = arith.addf %add3A_567, %div3A_759 : f32
    %mul3A_761 = arith.constant 2.500000e+01 : f32
    %mul3A_762 = arith.mulf %add3A_760, %mul3A_761 : f32
    %broadcast_in_dim3A_763 = vector.broadcast %mul3A_762 : f32 to vector<8x128xf32>
    %swap3A = arith.constant 0 : index
    %swap3A_764 = arith.constant 0 : index
    %swap3A_765 = vector.load %arg7[%swap3A, %swap3A_764] : memref<8x128xf32, #tpu.memory_space<vmem>>, vector<8x128xf32>
    tpu.vector_store %arg7[%swap3A, %swap3A_764], %broadcast_in_dim3A_763 {strides = array<i32>} : memref<8x128xf32, #tpu.memory_space<vmem>>, vector<8x128xf32>,
    return
  }
}

</mosaic_0001>

<sc_bundles>
// kernel: kernel.5.cloned.1.call-start
scs
__scs_entry_jumppad:
0x0: {  	(pc) =	sbr.rel $0x88, $3  }
0x1: {  	(tag) =	ssettag $0x0;
	lr =	simm.s32 $0x1  }
0x2: {  	[smem:$0x3F9E] =	sst lr;
	_ =	strace $0xD0000000  }
0x3: {  	_ = 	snop  }
0x4: {  	_ = 	snop  }
0x5: {  	_ = 	snop  }
0x6: {  	_ = 	snop  }
0x7: {  	_ = 	snop  }
__scs_overlays_trampoline_lowered:
0x8: {  	[smem:$0x3FAD] =	sst s0  }
0x9: {  	[smem:$0x3FAE] =	sst s1  }
0xa: {  	[smem:$0x3FAF] =	sst s2  }
0xb: {  	[smem:$0x3FB0] =	sst s3  }
0xc: {  	[smem:$0x3FB1] =	sst s4  }
0xd: {  	[smem:$0x3FB2] =	sst s5  }
0xe: {  	[smem:$0x3FB3] =	sst s6  }
0xf: {  	[smem:$0x3FB4] =	sst s7  }
0x10: {  	[smem:$0x3FB5] =	sst s8  }
0x11: {  	[smem:$0x3FB6] =	sst s9;
	s0 =	simm.s32 @!p0 $0x0  }
0x12: {  	s1 =	sld [smem:$0x3F9C];
	s0 =	simm.s32 @p0 $0x1  }
0x13: {  	[smem:$0x3FB7] =	sst s0;
	s0 =	simm.s32 @!p1 $0x0  }
0x14: {  	s2 =	sld [smem:$0x3F9B];
	s0 =	simm.s32 @p1 $0x1  }
0x15: {  	[smem:$0x3FB8] =	sst s0;
	s0 =	simm.s32 @!p2 $0x0  }
0x16: {  	s3 =	sld [smem:$0x3FDB];
	s0 =	simm.s32 @p2 $0x1  }
0x17: {  	s4 =	simm.s32 $0x1BF5;
	[smem:$0x3FBA] =	sst s0  }
0x18: {  	s0 =	sld [smem:$0x3F9D];
	_ =	swait.ge [sflag:s4], $0x0  }
0x19: {  	s7 =	sld [smem:$0x3F9E]  }
0x1a: {  	s8 =	sadd.s32 $0xFFFFE003, lr  }
0x1b: {  	s9 =	sadd.s32 $0xFFFFFEF7, lr;
	s5 =	simm.s32 $0xFFFFFFFF;
	p2 =	slt.u32 s8, $0xFFFFF086  }
0x1c: {  	p1 =	slt.u32 s9, $0xF7A;
	s5 =	simm.s32 @!p2 $0x0  }
0x1d: {  	s5 =	simm.s32 @p1 $0x1;
	p0 =	seq.s32 s7, s2  }
0x1e: {  	s7 =	smul.u32 @!p0 $0xF7A, s2;
	p2 =	seq.s32 @!p0 s5, $0x0  }
0x1f: {  	s9 =	smul.u32 $0xF7A, s1;
	s8 =	simm.s32 @!p0 $0x1BF5;
	p2 =	por !p2, p0  }
0x20: {  	[sflag:s8] =	ssyncset.s32 @!p0 $0xFFFFF086;
	s6 =	sadd.s32 @!p0 s3, s7;
	s7 =	simm.s32 @!p0 $0x108  }
0x21: {  	s3 =	sadd.s32 s3, s9;
	s6 =	sadd.s32 @!p0 $0x88, s6;
	s7 =	simm.s32 @p2 $0x1082  }
0x22: {  	[simem:s7], [sflag:s8] =	dma.local @!p0 [hbm:s6], $0xF7A  }
0x23: {  	s9 =	sor.u32 $0xD0000000, s2;
	s6 =	simm.s32 $0x108;
	_ =	swait.ge @!p0 [sflag:s8], $0x0  }
0x24: {  	s3 =	sadd.s32 $0x88, s3;
	s6 =	simm.s32 @!p1 $0x1082;
	[sflag:s4] =	ssyncset.s32 $0xFFFFF086  }
0x25: {  	[simem:s6], [sflag:s4] =	dma.local [hbm:s3], $0xF7A  }
0x26: {  	[smem:$0x3F9E] =	sst s1;
	(tag) =	ssettag s2;
	_ =	strace s9  }
0x27: {  	s1 =	sld [smem:$0x3FAE]  }
0x28: {  	s2 =	sld [smem:$0x3FAF]  }
0x29: {  	s4 =	sld [smem:$0x3FB1]  }
0x2a: {  	p0 =	seq.s32 s5, $0x0;
	s5 =	sld [smem:$0x3FB2]  }
0x2b: {  	s6 =	sld [smem:$0x3FB3]  }
0x2c: {  	s7 =	sld [smem:$0x3FB4]  }
0x2d: {  	s3 =	simm.s32 $0x108;
	s8 =	sld [smem:$0x3FB5]  }
0x2e: {  	s3 =	simm.s32 @!p0 $0x1082;
	s9 =	sld [smem:$0x3FB6]  }
0x2f: {  	lr =	sadd.s32 s0, s3;
	s0 =	sld [smem:$0x3FAD]  }
0x30: {  	s3 =	sld [smem:$0x3FB0]  }
0x31: {  	[smem:$0x3FB9] =	sst s10  }
0x32: {  	s10 =	sld [smem:$0x3FB7];
	_ =	sdelay $0x3  }
0x33: {  	p0 =	seq.s32 s10, $0x1;
	s10 =	sld [smem:$0x3FB9];
	_ =	sdelay $0x3  }
0x34: {  	[smem:$0x3FB9] =	sst s10  }
0x35: {  	s10 =	sld [smem:$0x3FB8];
	_ =	sdelay $0x3  }
0x36: {  	p1 =	seq.s32 s10, $0x1;
	s10 =	sld [smem:$0x3FB9];
	_ =	sdelay $0x3  }
0x37: {  	[smem:$0x3FB9] =	sst s10  }
0x38: {  	s10 =	sld [smem:$0x3FBA]  }
0x39: {  	_ = 	snop;
	(pc) =	sbr.ind lr, $3  }
0x3a: {  	_ = 	snop  }
0x3b: {  	_ = 	snop  }
0x3c: {  	p2 =	seq.s32 s10, $0x1;
	s10 =	sld [smem:$0x3FB9]  }
0x3d: {  	_ =	shalt  }
0x3e: {  	_ =	shalt  }
0x3f: {  	_ =	shalt  }
0x40: {  	_ =	shalt  }
0x41: {  	_ =	shalt  }
0x42: {  	_ =	shalt  }
0x43: {  	_ =	shalt  }
0x44: {  	_ =	shalt  }
0x45: {  	_ =	shalt  }
0x46: {  	_ =	shalt  }
0x47: {  	_ =	shalt  }
0x48: {  	_ =	shalt  }
0x49: {  	_ =	shalt  }
0x4a: {  	_ =	shalt  }
0x4b: {  	_ =	shalt  }
0x4c: {  	_ =	shalt  }
0x4d: {  	_ =	shalt  }
0x4e: {  	_ =	shalt  }
0x4f: {  	_ =	shalt  }
0x50: {  	_ =	shalt  }
0x51: {  	_ =	shalt  }
0x52: {  	_ =	shalt  }
0x53: {  	_ =	shalt  }
0x54: {  	_ =	shalt  }
0x55: {  	_ =	shalt  }
0x56: {  	_ =	shalt  }
0x57: {  	_ =	shalt  }
0x58: {  	_ =	shalt  }
0x59: {  	_ =	shalt  }
0x5a: {  	_ =	shalt  }
0x5b: {  	_ =	shalt  }
0x5c: {  	_ =	shalt  }
0x5d: {  	_ =	shalt  }
0x5e: {  	_ =	shalt  }
0x5f: {  	_ =	shalt  }
0x60: {  	_ =	shalt  }
0x61: {  	_ =	shalt  }
0x62: {  	_ =	shalt  }
0x63: {  	_ =	shalt  }
0x64: {  	_ =	shalt  }
0x65: {  	_ =	shalt  }
0x66: {  	_ =	shalt  }
0x67: {  	_ =	shalt  }
0x68: {  	_ =	shalt  }
0x69: {  	_ =	shalt  }
0x6a: {  	_ =	shalt  }
0x6b: {  	_ =	shalt  }
0x6c: {  	_ =	shalt  }
0x6d: {  	_ =	shalt  }
0x6e: {  	_ =	shalt  }
0x6f: {  	_ =	shalt  }
0x70: {  	_ =	shalt  }
0x71: {  	_ =	shalt  }
0x72: {  	_ =	shalt  }
0x73: {  	_ =	shalt  }
0x74: {  	_ =	shalt  }
0x75: {  	_ =	shalt  }
0x76: {  	_ =	shalt  }
0x77: {  	_ =	shalt  }
0x78: {  	_ =	shalt  }
0x79: {  	_ =	shalt  }
0x7a: {  	_ =	shalt  }
0x7b: {  	_ =	shalt  }
0x7c: {  	_ =	shalt  }
0x7d: {  	_ =	shalt  }
0x7e: {  	_ =	shalt  }
0x7f: {  	_ =	shalt  }
0x80: {  	_ =	shalt  }
0x81: {  	_ =	shalt  }
0x82: {  	_ =	shalt  }
0x83: {  	_ =	shalt  }
0x84: {  	_ =	shalt  }
0x85: {  	_ =	shalt  }
0x86: {  	_ =	shalt  }
0x87: {  	_ =	shalt  }
.Lfunc_end0:
.L_simem_size_0:
called_computation_lowered:
.L_overlay_start_0:
0x88: {  	s2 =	sld [smem:$0x3FD9]  }
0x89: {  	s3 =	sld [smem:$0x3FFE];
	_ =	sdelay $0x1  }
0x8a: {  	s1 =	srdreg.scid  }
0x8b: {  	s0 =	sand.u32 $0x1, s1  }
0x8c: {  	s16 =	sshll.u32 s0, $0xA;
	s2 =	sadd.s32 s3, s2  }
0x8d: {  	s2 =	sadd.s32 s2, s16  }
0x8e: {  	[smem:$0x3FC5] =	sst s2  }
0x8f: {  	_ = 	snop  }
0x90: {  	(tm) =	ssettm $0x1  }
0x91: {  	s17 =	sld [smem:$0x3FFB];
	_ =	sdelay $0x3  }
0x92: {  	_ =	strace s17  }
0x93: {  	s2 =	sld [smem:$0x3FFC];
	_ =	sdelay $0x3  }
0x94: {  	_ =	strace s2  }
0x95: {  	s2 =	sld [smem:$0x3FFD];
	_ =	sdelay $0x3  }
0x96: {  	_ =	strace s2  }
0x97: {  	_ =	strace $0x8FFFFFFF  }
0x98: {  	s18 =	sld [smem:$0x3FDB];
	_ =	sdelay $0x1  }
0x99: {  	s19 =	simm.s32 $_scs_section_size  }
0x9a: {  	s4 =	simm.s32 $_size__tile_overlayer_lowered;
	s5 =	simm.s32 $_tile_overlayer_lowered  }
0x9b: {  	s22 =	simm.s32 $0x1BFF;
	s21 =	sshll.u32 s5, $0x1;
	s2 =	sadd.s32 s19, s18  }
0x9c: {  	s6 =	simm.s32 $0x0;
	s20 =	sshll.u32 s4, $0x1;
	s4 =	sadd.s32 s21, s2  }
0x9d: {  	[timem:s6], [sflag:s22] =	dma.local [hbm:s4], s20  }
0x9e: {  	_ =	swait.ge [sflag:s22], s20  }
0x9f: {  	s3 =	ssub.s32 $0x0, s20;
	[sflag:s22] =	ssyncset.done $0x0  }
0xa0: {  	[sflag:s22] =	ssyncadd.s32 s3;
	_ =	sdelay $0x1  }
0xa1: {  	s23 =	simm.s32 $0x1B8B  }
0xa2: {  	_ =	swait.ge [sflag:s23], $0x1  }
0xa3: {  	[sflag:s23] =	ssyncset.done $0x0  }
0xa4: {  	s25 =	simm.s32 $0x1B8E;
	s24 =	sld [smem:$0x3FFE];
	[sflag:s23] =	ssyncadd.s32 $0xFFFFFFFF  }
0xa5: {  	s26 =	simm.s32 $execute0_lowered;
	[smem:$0x3FD2] =	sst s25  }
0xa6: {  	s4 =	sshll.u32 s26, $0x1;
	_ =	strace $0x80000046;
	[dreg:$0x1] =	wrdreg $0xFFFFFFFF  }
0xa7: {  	s28 =	simm.s32 $_size_execute0_lowered;
	s2 =	sadd.s32 s2, s4;
	[dreg:$0x0] =	wrdreg $0x0  }
0xa8: {  	s4 =	sshll.u32 s28, $0x1;
	[dreg:$0x2] =	wrdreg s2  }
0xa9: {  	[dreg:$0x3] =	wrdreg s4  }
0xaa: {  	[dreg:$0x4] =	wrdreg $0xC0  }
0xab: {  	_ =	task [dreg:s6], $0x5FFFF  }
0xac: {  	[dreg:$0x1] =	wrdreg $0xFFFFFFFF  }
0xad: {  	[dreg:$0x0] =	wrdreg $0x60  }
0xae: {  	[dreg:$0x2] =	wrdreg s24  }
0xaf: {  	[dreg:$0x3] =	wrdreg $0xE800  }
0xb0: {  	[dreg:$0x4] =	wrdreg $0x15400  }
0xb1: {  	[dreg:$0x5] =	wrdreg $0x9  }
0xb2: {  	_ =	task.clear_ibuf [dreg:s6], $0x6FFFF;
	_ =	strace $0x90000046  }
0xb3: {  	s29 =	simm.s32 $0x9;
	_ =	strace $0x80000048  }
0xb4: {  	_ =	swait.ge [sflag:s29], $0x1  }
0xb5: {  	[sflag:s29] =	ssyncadd.s32 $0xFFFFFFFF  }
0xb6: {  	_ =	strace $0x90000048  }
0xb7: {  	_ =	sfence  }
0xb8: {  	s30 =	sld [smem:$0x0];
	_ =	sdelay $0x2  }
0xb9: {  	s31 =	sshll.u32 s1, $0xD;
	s1 =	sshrl.u32 s1, $0x2  }
0xba: {  	s3 =	sand.u32 $0x4000, s31;
	s1 =	sadd.s32 s1, s30  }
0xbb: {  	s0 =	sor.u32 s3, s0;
	s1 =	sshll.u32 s1, $0x11  }
0xbc: {  	s0 =	sor.u32 s1, s0  }
0xbd: {  	s0 =	sadd.s32 $0x8F2B, s0  }
0xbe: {  	[sflag:s0] =	ssyncadd.remote.s32 $0x1  }
0xbf: {  	_ =	sfence.sel $0xFFFF  }
0xc0: {  	[dreg:$0x0] =	wrdreg $0xFFFFFFFF;
	(pc) =	sbr.abs _section_cstart, $3  }
0xc1: {  	[dreg:$0x1] =	wrdreg $0xFFFFFFFF  }
0xc2: {  	_ =	task.clear_ibuf [dreg:s6], $0x2FFFF;
	_ =	strace $0x9FFFFFFF  }
0xc3: {  	(tm) =	ssettm $0x7FFFFFFF  }
tec
execute0_lowered:
.L_overlay_start_1:
0x0: {  	(tag) =	ssettag $0x1  }
0x1: {  	s1 =	rddreg [dreg:$0x0];
	s4 =	srdreg.scid  }
0x2: {  	s6 =	rddreg [dreg:$0x1];
	s4 =	sand.u32 $0x1, s4  }
0x3: {  	s3 =	rddreg [dreg:$0x2];
	s2 =	simm.s32 $0x0;
	p0 =	seq.s32 s4, $0x1  }
0x4: {  	[smem:$0x7FF] =	sst s2;
	v0 =	vimm.f32 @!p0 $1.000000000e+00  }
0x5: {  	s0 =	rddreg [dreg:$0x3];
	_ =	strace $0x80000047;
	v1 =	vimm.f32 @!p0 $-1.000000000e+00;
	[tilespmem:$0x500] =	vst @!p0 v0  }
0x6: {  	[tilespmem:$0x580] =	vst @!p0 v1  }
0x7: {  	[tilespmem:$0x510] =	vst @!p0 v0  }
0x8: {  	[tilespmem:$0x590] =	vst @!p0 v1  }
0x9: {  	[tilespmem:$0x520] =	vst @!p0 v0  }
0xa: {  	[tilespmem:$0x5A0] =	vst @!p0 v1  }
0xb: {  	[tilespmem:$0x530] =	vst @!p0 v0  }
0xc: {  	[tilespmem:$0x5B0] =	vst @!p0 v1  }
0xd: {  	[tilespmem:$0x540] =	vst @!p0 v0  }
0xe: {  	[tilespmem:$0x5C0] =	vst @!p0 v1  }
0xf: {  	[tilespmem:$0x550] =	vst @!p0 v0  }
0x10: {  	[tilespmem:$0x5D0] =	vst @!p0 v1  }
0x11: {  	[tilespmem:$0x560] =	vst @!p0 v0  }
0x12: {  	[tilespmem:$0x5E0] =	vst @!p0 v1  }
0x13: {  	[tilespmem:$0x570] =	vst @!p0 v0  }
0x14: {  	[tilespmem:$0x5F0] =	vst @!p0 v1;
	v0 =	vimm.f32 @!p0 $0.0e+00  }
0x15: {  	[tilespmem:$0x600] =	vst @!p0 v0  }
0x16: {  	[tilespmem:$0x610] =	vst @!p0 v0  }
0x17: {  	[tilespmem:$0x620] =	vst @!p0 v0  }
0x18: {  	[tilespmem:$0x630] =	vst @!p0 v0  }
0x19: {  	[tilespmem:$0x640] =	vst @!p0 v0  }
0x1a: {  	[tilespmem:$0x650] =	vst @!p0 v0  }
0x1b: {  	[tilespmem:$0x660] =	vst @!p0 v0  }
0x1c: {  	[tilespmem:$0x670] =	vst @!p0 v0  }
0x1d: {  	[tilespmem:$0x680] =	vst @!p0 v0  }
0x1e: {  	[tilespmem:$0x690] =	vst @!p0 v0  }
0x1f: {  	[tilespmem:$0x6A0] =	vst @!p0 v0  }
0x20: {  	[tilespmem:$0x6B0] =	vst @!p0 v0  }
0x21: {  	[tilespmem:$0x6C0] =	vst @!p0 v0  }
0x22: {  	[tilespmem:$0x6D0] =	vst @!p0 v0  }
0x23: {  	[tilespmem:$0x6E0] =	vst @!p0 v0  }
0x24: {  	[tilespmem:$0x6F0] =	vst @!p0 v0  }
0x25: {  	[tilespmem:$0x700] =	vst @!p0 v0  }
0x26: {  	[tilespmem:$0x710] =	vst @!p0 v0  }
0x27: {  	[tilespmem:$0x720] =	vst @!p0 v0  }
0x28: {  	[tilespmem:$0x730] =	vst @!p0 v0  }
0x29: {  	[tilespmem:$0x740] =	vst @!p0 v0  }
0x2a: {  	[tilespmem:$0x750] =	vst @!p0 v0  }
0x2b: {  	[tilespmem:$0x760] =	vst @!p0 v0  }
0x2c: {  	[tilespmem:$0x770] =	vst @!p0 v0  }
0x2d: {  	[tilespmem:$0x780] =	vst @!p0 v0  }
0x2e: {  	[tilespmem:$0x790] =	vst @!p0 v0  }
0x2f: {  	[tilespmem:$0x7A0] =	vst @!p0 v0  }
0x30: {  	[tilespmem:$0x7B0] =	vst @!p0 v0  }
0x31: {  	[tilespmem:$0x7C0] =	vst @!p0 v0  }
0x32: {  	[tilespmem:$0x7D0] =	vst @!p0 v0  }
0x33: {  	[tilespmem:$0x7E0] =	vst @!p0 v0  }
0x34: {  	[tilespmem:$0x7F0] =	vst @!p0 v0  }
0x35: {  	[tilespmem:$0x800] =	vst @!p0 v0  }
0x36: {  	[tilespmem:$0x810] =	vst @!p0 v0  }
0x37: {  	[tilespmem:$0x820] =	vst @!p0 v0  }
0x38: {  	[tilespmem:$0x830] =	vst @!p0 v0  }
0x39: {  	[tilespmem:$0x840] =	vst @!p0 v0  }
0x3a: {  	[tilespmem:$0x850] =	vst @!p0 v0  }
0x3b: {  	[tilespmem:$0x860] =	vst @!p0 v0  }
0x3c: {  	[tilespmem:$0x870] =	vst @!p0 v0  }
0x3d: {  	[tilespmem:$0x880] =	vst @!p0 v0  }
0x3e: {  	[tilespmem:$0x890] =	vst @!p0 v0  }
0x3f: {  	[tilespmem:$0x8A0] =	vst @!p0 v0  }
0x40: {  	[tilespmem:$0x8B0] =	vst @!p0 v0  }
0x41: {  	[tilespmem:$0x8C0] =	vst @!p0 v0  }
0x42: {  	[tilespmem:$0x8D0] =	vst @!p0 v0  }
0x43: {  	[tilespmem:$0x8E0] =	vst @!p0 v0  }
0x44: {  	[tilespmem:$0x8F0] =	vst @!p0 v0  }
0x45: {  	[tilespmem:$0x900] =	vst @!p0 v0  }
0x46: {  	[tilespmem:$0x910] =	vst @!p0 v0  }
0x47: {  	[tilespmem:$0x920] =	vst @!p0 v0  }
0x48: {  	[tilespmem:$0x930] =	vst @!p0 v0  }
0x49: {  	[tilespmem:$0x940] =	vst @!p0 v0  }
0x4a: {  	[tilespmem:$0x950] =	vst @!p0 v0  }
0x4b: {  	[tilespmem:$0x960] =	vst @!p0 v0  }
0x4c: {  	[tilespmem:$0x970] =	vst @!p0 v0  }
0x4d: {  	[tilespmem:$0x980] =	vst @!p0 v0  }
0x4e: {  	[tilespmem:$0x990] =	vst @!p0 v0  }
0x4f: {  	[tilespmem:$0x9A0] =	vst @!p0 v0  }
0x50: {  	[tilespmem:$0x9B0] =	vst @!p0 v0  }
0x51: {  	[tilespmem:$0x9C0] =	vst @!p0 v0  }
0x52: {  	[tilespmem:$0x9D0] =	vst @!p0 v0  }
0x53: {  	[tilespmem:$0x9E0] =	vst @!p0 v0  }
0x54: {  	[tilespmem:$0x9F0] =	vst @!p0 v0  }
0x55: {  	[tilespmem:$0xA00] =	vst @!p0 v0  }
0x56: {  	[tilespmem:$0xA10] =	vst @!p0 v0  }
0x57: {  	[tilespmem:$0xA20] =	vst @!p0 v0  }
0x58: {  	[tilespmem:$0xA30] =	vst @!p0 v0  }
0x59: {  	[tilespmem:$0xA40] =	vst @!p0 v0  }
0x5a: {  	[tilespmem:$0xA50] =	vst @!p0 v0  }
0x5b: {  	[tilespmem:$0xA60] =	vst @!p0 v0  }
0x5c: {  	[tilespmem:$0xA70] =	vst @!p0 v0  }
0x5d: {  	[tilespmem:$0xA80] =	vst @!p0 v0  }
0x5e: {  	[tilespmem:$0xA90] =	vst @!p0 v0  }
0x5f: {  	[tilespmem:$0xAA0] =	vst @!p0 v0  }
0x60: {  	[tilespmem:$0xAB0] =	vst @!p0 v0  }
0x61: {  	[tilespmem:$0xAC0] =	vst @!p0 v0  }
0x62: {  	[tilespmem:$0xAD0] =	vst @!p0 v0  }
0x63: {  	[tilespmem:$0xAE0] =	vst @!p0 v0  }
0x64: {  	[tilespmem:$0xAF0] =	vst @!p0 v0  }
0x65: {  	[tilespmem:$0xB00] =	vst @!p0 v0  }
0x66: {  	[tilespmem:$0xB10] =	vst @!p0 v0  }
0x67: {  	[tilespmem:$0xB20] =	vst @!p0 v0  }
0x68: {  	[tilespmem:$0xB30] =	vst @!p0 v0  }
0x69: {  	[tilespmem:$0xB40] =	vst @!p0 v0  }
0x6a: {  	[tilespmem:$0xB50] =	vst @!p0 v0  }
0x6b: {  	[tilespmem:$0xB60] =	vst @!p0 v0  }
0x6c: {  	[tilespmem:$0xB70] =	vst @!p0 v0  }
0x6d: {  	[tilespmem:$0xB80] =	vst @!p0 v0  }
0x6e: {  	[tilespmem:$0xB90] =	vst @!p0 v0  }
0x6f: {  	[tilespmem:$0xBA0] =	vst @!p0 v0  }
0x70: {  	[tilespmem:$0xBB0] =	vst @!p0 v0  }
0x71: {  	[tilespmem:$0xBC0] =	vst @!p0 v0  }
0x72: {  	[tilespmem:$0xBD0] =	vst @!p0 v0  }
0x73: {  	[tilespmem:$0xBE0] =	vst @!p0 v0  }
0x74: {  	[tilespmem:$0xBF0] =	vst @!p0 v0  }
0x75: {  	[tilespmem:$0xC00] =	vst @!p0 v0  }
0x76: {  	[tilespmem:$0xC10] =	vst @!p0 v0  }
0x77: {  	[tilespmem:$0xC20] =	vst @!p0 v0  }
0x78: {  	[tilespmem:$0xC30] =	vst @!p0 v0  }
0x79: {  	[tilespmem:$0xC40] =	vst @!p0 v0  }
0x7a: {  	[tilespmem:$0xC50] =	vst @!p0 v0  }
0x7b: {  	[tilespmem:$0xC60] =	vst @!p0 v0  }
0x7c: {  	s4 =	stileid.u32;
	[tilespmem:$0xC70] =	vst @!p0 v0  }
0x7d: {  	s5 =	smul.u32 @!p0 $0x1B00, s4;
	[tilespmem:$0xC80] =	vst @!p0 v0  }
0x7e: {  	[tilespmem:$0xC90] =	vst @!p0 v0  }
0x7f: {  	s5 =	sshrl.u32 @!p0 s5, $0x2;
	[tilespmem:$0xCA0] =	vst @!p0 v0  }
0x80: {  	s8 =	simm.s32 @!p0 $0x600;
	[tilespmem:$0xCB0] =	vst @!p0 v0;
	s7 =	sadd.s32 @!p0 s5, s6;
	s5 =	simm.s32 @!p0 $0x1  }
0x81: {  	[spmem:s7] =	stream.linear.scatter @!p0 [tilespmem:s8], [sflag:$0x1], $0x6C0, $0x38;
	[tilespmem:$0x1550] =	vst v63  }
0x82: {  	_ =	swait.ge @!p0 [sflag:s5], $0x6C0  }
0x83: {  	[sflag:s5] =	ssyncset.done @!p0 $0x0  }
0x84: {  	s9 =	sadd.s32 $0x1200, s1;
	s10 =	sshll.u32 @!p0 s4, $0x7;
	[sflag:s5] =	ssyncadd.s32 @!p0 $0xFFFFF940  }
0x85: {  	s9 =	sadd.s32 @!p0 s9, s10;
	s10 =	simm.s32 @!p0 $0x0;
	[bflag:$0x0] =	sbarrier.arrive @!p0 $0xFFFF  }
0x86: {  	[tilespmem:s10], [sflag:$0x1] =	stream.linear.gather @!p0 [hbm4b:s9+s10], $0x400, $0x38;
	[tilespmem:$0x1550] =	vst v63  }
0x87: {  	_ =	swait.ge @!p0 [sflag:s5], $0x400  }
0x88: {  	s11 =	sshll.u32 @!p0 s4, $0x5;
	s9 =	sadd.s32 $0x1A00, s1;
	[sflag:s5] =	ssyncset.done @!p0 $0x0  }
0x89: {  	s9 =	sadd.s32 @!p0 s9, s11;
	s11 =	simm.s32 @!p0 $0x400;
	[sflag:s5] =	ssyncadd.s32 @!p0 $0xFFFFFC00  }
0x8a: {  	[tilespmem:s11], [sflag:$0x1] =	stream.linear.gather @!p0 [hbm4b:s9+s10], $0x100, $0x38;
	[tilespmem:$0x1550] =	vst v63  }
0x8b: {  	_ =	swait.ge @!p0 [sflag:s5], $0x100  }
0x8c: {  	[sflag:s5] =	ssyncset.done @!p0 $0x0  }
0x8d: {  	s12 =	simm.s32 @!p0 $0x500;
	s9 =	simm.s32 @!p0 $0x80;
	[sflag:s5] =	ssyncadd.s32 @!p0 $0xFFFFFF00  }
0x8e: {  	[spmem:s6] =	stream.indirect.scatter.add.f32 @!p0 [tilespmem:s12], [sflag:$0x1], $0x1, s10, s9, $0xb8;
	[tilespmem:$0x1550] =	vst v63  }
0x8f: {  	_ =	swait.ge @!p0 [sflag:s5], $0x80  }
0x90: {  	[sflag:s5] =	ssyncset.done @!p0 $0x0  }
0x91: {  	[sflag:s5] =	ssyncadd.s32 @!p0 $0xFFFFFF80  }
0x92: {  	[spmem:s6] =	stream.indirect.scatter.add.f32 @!p0 [tilespmem:s12], [sflag:$0x1], $0x1, s9, s9, $0xb8;
	[tilespmem:$0x1550] =	vst v63  }
0x93: {  	_ =	swait.ge @!p0 [sflag:s5], $0x80  }
0x94: {  	[sflag:s5] =	ssyncset.done @!p0 $0x0  }
0x95: {  	s10 =	simm.s32 @!p0 $0x100;
	[sflag:s5] =	ssyncadd.s32 @!p0 $0xFFFFFF80  }
0x96: {  	[spmem:s6] =	stream.indirect.scatter.add.f32 @!p0 [tilespmem:s12], [sflag:$0x1], $0x1, s10, s9, $0xb8;
	[tilespmem:$0x1550] =	vst v63  }
0x97: {  	_ =	swait.ge @!p0 [sflag:s5], $0x80  }
0x98: {  	[sflag:s5] =	ssyncset.done @!p0 $0x0  }
0x99: {  	s10 =	simm.s32 @!p0 $0x180;
	[sflag:s5] =	ssyncadd.s32 @!p0 $0xFFFFFF80  }
0x9a: {  	[spmem:s6] =	stream.indirect.scatter.add.f32 @!p0 [tilespmem:s12], [sflag:$0x1], $0x1, s10, s9, $0xb8;
	[tilespmem:$0x1550] =	vst v63  }
0x9b: {  	_ =	swait.ge @!p0 [sflag:s5], $0x80  }
0x9c: {  	[sflag:s5] =	ssyncset.done @!p0 $0x0  }
0x9d: {  	s10 =	simm.s32 @!p0 $0x200;
	[sflag:s5] =	ssyncadd.s32 @!p0 $0xFFFFFF80  }
0x9e: {  	[spmem:s6] =	stream.indirect.scatter.add.f32 @!p0 [tilespmem:s12], [sflag:$0x1], $0x1, s10, s9, $0xb8;
	[tilespmem:$0x1550] =	vst v63  }
0x9f: {  	_ =	swait.ge @!p0 [sflag:s5], $0x80  }
0xa0: {  	[sflag:s5] =	ssyncset.done @!p0 $0x0  }
0xa1: {  	s10 =	simm.s32 @!p0 $0x280;
	[sflag:s5] =	ssyncadd.s32 @!p0 $0xFFFFFF80  }
0xa2: {  	[spmem:s6] =	stream.indirect.scatter.add.f32 @!p0 [tilespmem:s12], [sflag:$0x1], $0x1, s10, s9, $0xb8;
	[tilespmem:$0x1550] =	vst v63  }
0xa3: {  	_ =	swait.ge @!p0 [sflag:s5], $0x80  }
0xa4: {  	[sflag:s5] =	ssyncset.done @!p0 $0x0  }
0xa5: {  	s10 =	simm.s32 @!p0 $0x300;
	[sflag:s5] =	ssyncadd.s32 @!p0 $0xFFFFFF80  }
0xa6: {  	[spmem:s6] =	stream.indirect.scatter.add.f32 @!p0 [tilespmem:s12], [sflag:$0x1], $0x1, s10, s9, $0xb8;
	[tilespmem:$0x1550] =	vst v63  }
0xa7: {  	_ =	swait.ge @!p0 [sflag:s5], $0x80  }
0xa8: {  	[sflag:s5] =	ssyncset.done @!p0 $0x0  }
0xa9: {  	s10 =	simm.s32 @!p0 $0x380;
	[sflag:s5] =	ssyncadd.s32 @!p0 $0xFFFFFF80  }
0xaa: {  	[spmem:s6] =	stream.indirect.scatter.add.f32 @!p0 [tilespmem:s12], [sflag:$0x1], $0x1, s10, s9, $0xb8;
	[tilespmem:$0x1550] =	vst v63  }
0xab: {  	_ =	swait.ge @!p0 [sflag:s5], $0x80  }
0xac: {  	[sflag:s5] =	ssyncset.done @!p0 $0x0  }
0xad: {  	s10 =	simm.s32 @!p0 $0x580;
	[sflag:s5] =	ssyncadd.s32 @!p0 $0xFFFFFF80  }
0xae: {  	[spmem:s6] =	stream.indirect.scatter.add.f32 @!p0 [tilespmem:s10], [sflag:$0x1], $0x1, s11, s9, $0xb8;
	[tilespmem:$0x1550] =	vst v63  }
0xaf: {  	_ =	swait.ge @!p0 [sflag:s5], $0x80  }
0xb0: {  	[sflag:s5] =	ssyncset.done @!p0 $0x0  }
0xb1: {  	s11 =	simm.s32 @!p0 $0x480;
	[sflag:s5] =	ssyncadd.s32 @!p0 $0xFFFFFF80  }
0xb2: {  	[spmem:s6] =	stream.indirect.scatter.add.f32 @!p0 [tilespmem:s10], [sflag:$0x1], $0x1, s11, s9, $0xb8;
	[tilespmem:$0x1550] =	vst v63  }
0xb3: {  	_ =	swait.ge @!p0 [sflag:s5], $0x80  }
0xb4: {  	[sflag:s5] =	ssyncset.done @!p0 $0x0  }
0xb5: {  	[sflag:s5] =	ssyncadd.s32 @!p0 $0xFFFFFF80  }
0xb6: {  	[bflag:$0x0] =	sbarrier.arrive @!p0 $0xFFFF  }
0xb7: {  	[tilespmem:s8], [sflag:$0x1] =	stream.linear.gather @!p0 [spmem:s7], $0x6C0, $0x38;
	[tilespmem:$0x1550] =	vst v63  }
0xb8: {  	_ =	swait.ge @!p0 [sflag:s5], $0x6C0  }
0xb9: {  	[sflag:s5] =	ssyncset.done @!p0 $0x0  }
0xba: {  	[sflag:s5] =	ssyncadd.s32 @!p0 $0xFFFFF940  }
0xbb: {  	v0 =	vld @!p0 [tilespmem:$0x600]  }
0xbc: {  	v1 =	vld @!p0 [tilespmem:$0x610];
	_ =	sdelay $0x1  }
0xbd: {  	v2 =	vld @!p0 [tilespmem:$0x620];
	_ =	sdelay $0x1  }
0xbe: {  	v3 =	vld @!p0 [tilespmem:$0x630]  }
0xbf: {  	v0 =	vmul.f32 @!p0 v0, v0;
	v1 =	vmul.f32 @!p0 v1, v1  }
0xc0: {  	v4 =	vld @!p0 [tilespmem:$0x640]  }
0xc1: {  	v0 =	vadd.f32 @!p0 v1, v0;
	v1 =	vmul.f32 @!p0 v2, v2  }
0xc2: {  	v2 =	vld @!p0 [tilespmem:$0x650]  }
0xc3: {  	v0 =	vadd.f32 @!p0 v1, v0;
	v1 =	vmul.f32 @!p0 v3, v3  }
0xc4: {  	v3 =	vld @!p0 [tilespmem:$0x660]  }
0xc5: {  	v0 =	vadd.f32 @!p0 v1, v0;
	v1 =	vmul.f32 @!p0 v4, v4  }
0xc6: {  	v4 =	vld @!p0 [tilespmem:$0x670]  }
0xc7: {  	v0 =	vadd.f32 @!p0 v1, v0;
	v1 =	vmul.f32 @!p0 v2, v2  }
0xc8: {  	v2 =	vld @!p0 [tilespmem:$0x680]  }
0xc9: {  	v0 =	vadd.f32 @!p0 v1, v0;
	v1 =	vmul.f32 @!p0 v3, v3  }
0xca: {  	v3 =	vld @!p0 [tilespmem:$0x690]  }
0xcb: {  	v0 =	vadd.f32 @!p0 v1, v0;
	v1 =	vmul.f32 @!p0 v4, v4  }
0xcc: {  	v4 =	vld @!p0 [tilespmem:$0x6A0]  }
0xcd: {  	v0 =	vadd.f32 @!p0 v1, v0;
	v1 =	vmul.f32 @!p0 v2, v2  }
0xce: {  	v2 =	vld @!p0 [tilespmem:$0x6B0]  }
0xcf: {  	v0 =	vadd.f32 @!p0 v1, v0;
	v1 =	vmul.f32 @!p0 v3, v3  }
0xd0: {  	v3 =	vld @!p0 [tilespmem:$0x6C0]  }
0xd1: {  	v0 =	vadd.f32 @!p0 v1, v0;
	v1 =	vmul.f32 @!p0 v4, v4  }
0xd2: {  	v4 =	vld @!p0 [tilespmem:$0x6D0]  }
0xd3: {  	v0 =	vadd.f32 @!p0 v1, v0;
	v1 =	vmul.f32 @!p0 v2, v2  }
0xd4: {  	v2 =	vld @!p0 [tilespmem:$0x6E0]  }
0xd5: {  	v0 =	vadd.f32 @!p0 v1, v0;
	v1 =	vmul.f32 @!p0 v3, v3  }
0xd6: {  	v3 =	vld @!p0 [tilespmem:$0x6F0]  }
0xd7: {  	v0 =	vadd.f32 @!p0 v1, v0;
	v1 =	vmul.f32 @!p0 v4, v4  }
0xd8: {  	v4 =	vld @!p0 [tilespmem:$0x700]  }
0xd9: {  	v0 =	vadd.f32 @!p0 v1, v0;
	v1 =	vmul.f32 @!p0 v2, v2  }
0xda: {  	v2 =	vld @!p0 [tilespmem:$0x710]  }
0xdb: {  	v0 =	vadd.f32 @!p0 v1, v0;
	v1 =	vmul.f32 @!p0 v3, v3  }
0xdc: {  	v3 =	vld @!p0 [tilespmem:$0x720]  }
0xdd: {  	v0 =	vadd.f32 @!p0 v1, v0;
	v1 =	vmul.f32 @!p0 v4, v4  }
0xde: {  	v4 =	vld @!p0 [tilespmem:$0x730]  }
0xdf: {  	v0 =	vadd.f32 @!p0 v1, v0;
	v1 =	vmul.f32 @!p0 v2, v2  }
0xe0: {  	v2 =	vld @!p0 [tilespmem:$0x740]  }
0xe1: {  	v0 =	vadd.f32 @!p0 v1, v0;
	v1 =	vmul.f32 @!p0 v3, v3  }
0xe2: {  	v3 =	vld @!p0 [tilespmem:$0x750]  }
0xe3: {  	v0 =	vadd.f32 @!p0 v1, v0;
	v1 =	vmul.f32 @!p0 v4, v4  }
0xe4: {  	v4 =	vld @!p0 [tilespmem:$0x760]  }
0xe5: {  	v0 =	vadd.f32 @!p0 v1, v0;
	v1 =	vmul.f32 @!p0 v2, v2  }
0xe6: {  	v2 =	vld @!p0 [tilespmem:$0x770]  }
0xe7: {  	v0 =	vadd.f32 @!p0 v1, v0;
	v1 =	vmul.f32 @!p0 v3, v3  }
0xe8: {  	v3 =	vld @!p0 [tilespmem:$0x780]  }
0xe9: {  	v0 =	vadd.f32 @!p0 v1, v0;
	v1 =	vmul.f32 @!p0 v4, v4  }
0xea: {  	v4 =	vld @!p0 [tilespmem:$0x790]  }
0xeb: {  	v0 =	vadd.f32 @!p0 v1, v0;
	v1 =	vmul.f32 @!p0 v2, v2  }
0xec: {  	v2 =	vld @!p0 [tilespmem:$0x7A0]  }
0xed: {  	v0 =	vadd.f32 @!p0 v1, v0;
	v1 =	vmul.f32 @!p0 v3, v3  }
0xee: {  	v3 =	vld @!p0 [tilespmem:$0x7B0]  }
0xef: {  	v0 =	vadd.f32 @!p0 v1, v0;
	v1 =	vmul.f32 @!p0 v4, v4  }
0xf0: {  	v4 =	vld @!p0 [tilespmem:$0x7C0]  }
0xf1: {  	v0 =	vadd.f32 @!p0 v1, v0;
	v1 =	vmul.f32 @!p0 v2, v2  }
0xf2: {  	v2 =	vld @!p0 [tilespmem:$0x7D0]  }
0xf3: {  	v0 =	vadd.f32 @!p0 v1, v0;
	v1 =	vmul.f32 @!p0 v3, v3  }
0xf4: {  	v3 =	vld @!p0 [tilespmem:$0x7E0]  }
0xf5: {  	v0 =	vadd.f32 @!p0 v1, v0;
	v1 =	vmul.f32 @!p0 v4, v4  }
0xf6: {  	v4 =	vld @!p0 [tilespmem:$0x7F0]  }
0xf7: {  	v0 =	vadd.f32 @!p0 v1, v0;
	v1 =	vmul.f32 @!p0 v2, v2  }
0xf8: {  	v2 =	vld @!p0 [tilespmem:$0x800]  }
0xf9: {  	v0 =	vadd.f32 @!p0 v1, v0;
	v1 =	vmul.f32 @!p0 v3, v3  }
0xfa: {  	v3 =	vld @!p0 [tilespmem:$0x810]  }
0xfb: {  	v0 =	vadd.f32 @!p0 v1, v0;
	v1 =	vmul.f32 @!p0 v4, v4  }
0xfc: {  	v4 =	vld @!p0 [tilespmem:$0x820]  }
0xfd: {  	v0 =	vadd.f32 @!p0 v1, v0;
	v1 =	vmul.f32 @!p0 v2, v2  }
0xfe: {  	v2 =	vld @!p0 [tilespmem:$0x830]  }
0xff: {  	v0 =	vadd.f32 @!p0 v1, v0;
	v1 =	vmul.f32 @!p0 v3, v3  }
0x100: {  	v3 =	vld @!p0 [tilespmem:$0x840]  }
0x101: {  	v0 =	vadd.f32 @!p0 v1, v0;
	v1 =	vmul.f32 @!p0 v4, v4  }
0x102: {  	v4 =	vld @!p0 [tilespmem:$0x850]  }
0x103: {  	v0 =	vadd.f32 @!p0 v1, v0;
	v1 =	vmul.f32 @!p0 v2, v2  }
0x104: {  	v2 =	vld @!p0 [tilespmem:$0x860]  }
0x105: {  	v0 =	vadd.f32 @!p0 v1, v0;
	v1 =	vmul.f32 @!p0 v3, v3  }
0x106: {  	v3 =	vld @!p0 [tilespmem:$0x870]  }
0x107: {  	v0 =	vadd.f32 @!p0 v1, v0;
	v1 =	vmul.f32 @!p0 v4, v4  }
0x108: {  	v4 =	vld @!p0 [tilespmem:$0x880]  }
0x109: {  	v0 =	vadd.f32 @!p0 v1, v0;
	v1 =	vmul.f32 @!p0 v2, v2  }
0x10a: {  	v2 =	vld @!p0 [tilespmem:$0x890]  }
0x10b: {  	v0 =	vadd.f32 @!p0 v1, v0;
	v1 =	vmul.f32 @!p0 v3, v3  }
0x10c: {  	v3 =	vld @!p0 [tilespmem:$0x8A0]  }
0x10d: {  	v0 =	vadd.f32 @!p0 v1, v0;
	v1 =	vmul.f32 @!p0 v4, v4  }
0x10e: {  	v4 =	vld @!p0 [tilespmem:$0x8B0]  }
0x10f: {  	v0 =	vadd.f32 @!p0 v1, v0;
	v1 =	vmul.f32 @!p0 v2, v2  }
0x110: {  	v2 =	vld @!p0 [tilespmem:$0x8C0]  }
0x111: {  	v0 =	vadd.f32 @!p0 v1, v0;
	v1 =	vmul.f32 @!p0 v3, v3  }
0x112: {  	v3 =	vld @!p0 [tilespmem:$0x8D0]  }
0x113: {  	v0 =	vadd.f32 @!p0 v1, v0;
	v1 =	vmul.f32 @!p0 v4, v4  }
0x114: {  	v4 =	vld @!p0 [tilespmem:$0x8E0]  }
0x115: {  	v0 =	vadd.f32 @!p0 v1, v0;
	v1 =	vmul.f32 @!p0 v2, v2  }
0x116: {  	v2 =	vld @!p0 [tilespmem:$0x8F0]  }
0x117: {  	v0 =	vadd.f32 @!p0 v1, v0;
	v1 =	vmul.f32 @!p0 v3, v3  }
0x118: {  	v3 =	vld @!p0 [tilespmem:$0x900]  }
0x119: {  	v0 =	vadd.f32 @!p0 v1, v0;
	v1 =	vmul.f32 @!p0 v4, v4  }
0x11a: {  	v4 =	vld @!p0 [tilespmem:$0x910]  }
0x11b: {  	v0 =	vadd.f32 @!p0 v1, v0;
	v1 =	vmul.f32 @!p0 v2, v2  }
0x11c: {  	v2 =	vld @!p0 [tilespmem:$0x920]  }
0x11d: {  	v0 =	vadd.f32 @!p0 v1, v0;
	v1 =	vmul.f32 @!p0 v3, v3  }
0x11e: {  	v3 =	vld @!p0 [tilespmem:$0x930]  }
0x11f: {  	v0 =	vadd.f32 @!p0 v1, v0;
	v1 =	vmul.f32 @!p0 v4, v4  }
0x120: {  	v4 =	vld @!p0 [tilespmem:$0x940]  }
0x121: {  	v0 =	vadd.f32 @!p0 v1, v0;
	v1 =	vmul.f32 @!p0 v2, v2  }
0x122: {  	v2 =	vld @!p0 [tilespmem:$0x950]  }
0x123: {  	v0 =	vadd.f32 @!p0 v1, v0;
	v1 =	vmul.f32 @!p0 v3, v3  }
0x124: {  	v3 =	vld @!p0 [tilespmem:$0x960]  }
0x125: {  	v0 =	vadd.f32 @!p0 v1, v0;
	v1 =	vmul.f32 @!p0 v4, v4  }
0x126: {  	v4 =	vld @!p0 [tilespmem:$0x970]  }
0x127: {  	v0 =	vadd.f32 @!p0 v1, v0;
	v1 =	vmul.f32 @!p0 v2, v2  }
0x128: {  	v2 =	vld @!p0 [tilespmem:$0x980]  }
0x129: {  	v0 =	vadd.f32 @!p0 v1, v0;
	v1 =	vmul.f32 @!p0 v3, v3  }
0x12a: {  	v3 =	vld @!p0 [tilespmem:$0x990]  }
0x12b: {  	v0 =	vadd.f32 @!p0 v1, v0;
	v1 =	vmul.f32 @!p0 v4, v4  }
0x12c: {  	v4 =	vld @!p0 [tilespmem:$0x9A0]  }
0x12d: {  	v0 =	vadd.f32 @!p0 v1, v0;
	v1 =	vmul.f32 @!p0 v2, v2  }
0x12e: {  	v2 =	vld @!p0 [tilespmem:$0x9B0]  }
0x12f: {  	v0 =	vadd.f32 @!p0 v1, v0;
	v1 =	vmul.f32 @!p0 v3, v3  }
0x130: {  	v3 =	vld @!p0 [tilespmem:$0x9C0]  }
0x131: {  	v0 =	vadd.f32 @!p0 v1, v0;
	v1 =	vmul.f32 @!p0 v4, v4  }
0x132: {  	v4 =	vld @!p0 [tilespmem:$0x9D0]  }
0x133: {  	v0 =	vadd.f32 @!p0 v1, v0;
	v1 =	vmul.f32 @!p0 v2, v2  }
0x134: {  	v2 =	vld @!p0 [tilespmem:$0x9E0]  }
0x135: {  	v0 =	vadd.f32 @!p0 v1, v0;
	v1 =	vmul.f32 @!p0 v3, v3  }
0x136: {  	v3 =	vld @!p0 [tilespmem:$0x9F0]  }
0x137: {  	v0 =	vadd.f32 @!p0 v1, v0;
	v1 =	vmul.f32 @!p0 v4, v4  }
0x138: {  	v4 =	vld @!p0 [tilespmem:$0xA00]  }
0x139: {  	v0 =	vadd.f32 @!p0 v1, v0;
	v1 =	vmul.f32 @!p0 v2, v2  }
0x13a: {  	v2 =	vld @!p0 [tilespmem:$0xA10]  }
0x13b: {  	v0 =	vadd.f32 @!p0 v1, v0;
	v1 =	vmul.f32 @!p0 v3, v3  }
0x13c: {  	v3 =	vld @!p0 [tilespmem:$0xA20]  }
0x13d: {  	v0 =	vadd.f32 @!p0 v1, v0;
	v1 =	vmul.f32 @!p0 v4, v4  }
0x13e: {  	v4 =	vld @!p0 [tilespmem:$0xA30]  }
0x13f: {  	v0 =	vadd.f32 @!p0 v1, v0;
	v1 =	vmul.f32 @!p0 v2, v2  }
0x140: {  	v2 =	vld @!p0 [tilespmem:$0xA40]  }
0x141: {  	v0 =	vadd.f32 @!p0 v1, v0;
	v1 =	vmul.f32 @!p0 v3, v3  }
0x142: {  	v3 =	vld @!p0 [tilespmem:$0xA50]  }
0x143: {  	v0 =	vadd.f32 @!p0 v1, v0;
	v1 =	vmul.f32 @!p0 v4, v4  }
0x144: {  	v4 =	vld @!p0 [tilespmem:$0xA60]  }
0x145: {  	v0 =	vadd.f32 @!p0 v1, v0;
	v1 =	vmul.f32 @!p0 v2, v2  }
0x146: {  	v2 =	vld @!p0 [tilespmem:$0xA70]  }
0x147: {  	v0 =	vadd.f32 @!p0 v1, v0;
	v1 =	vmul.f32 @!p0 v3, v3  }
0x148: {  	v3 =	vld @!p0 [tilespmem:$0xA80]  }
0x149: {  	v0 =	vadd.f32 @!p0 v1, v0;
	v1 =	vmul.f32 @!p0 v4, v4  }
0x14a: {  	v4 =	vld @!p0 [tilespmem:$0xA90]  }
0x14b: {  	v0 =	vadd.f32 @!p0 v1, v0;
	v1 =	vmul.f32 @!p0 v2, v2  }
0x14c: {  	v2 =	vld @!p0 [tilespmem:$0xAA0]  }
0x14d: {  	v0 =	vadd.f32 @!p0 v1, v0;
	v1 =	vmul.f32 @!p0 v3, v3  }
0x14e: {  	v3 =	vld @!p0 [tilespmem:$0xAB0]  }
0x14f: {  	v0 =	vadd.f32 @!p0 v1, v0;
	v1 =	vmul.f32 @!p0 v4, v4  }
0x150: {  	v4 =	vld @!p0 [tilespmem:$0xAC0]  }
0x151: {  	v0 =	vadd.f32 @!p0 v1, v0;
	v1 =	vmul.f32 @!p0 v2, v2  }
0x152: {  	v2 =	vld @!p0 [tilespmem:$0xAD0]  }
0x153: {  	v0 =	vadd.f32 @!p0 v1, v0;
	v1 =	vmul.f32 @!p0 v3, v3  }
0x154: {  	v3 =	vld @!p0 [tilespmem:$0xAE0]  }
0x155: {  	v0 =	vadd.f32 @!p0 v1, v0;
	v1 =	vmul.f32 @!p0 v4, v4  }
0x156: {  	v4 =	vld @!p0 [tilespmem:$0xAF0]  }
0x157: {  	v0 =	vadd.f32 @!p0 v1, v0;
	v1 =	vmul.f32 @!p0 v2, v2  }
0x158: {  	v2 =	vld @!p0 [tilespmem:$0xB00]  }
0x159: {  	v0 =	vadd.f32 @!p0 v1, v0;
	v1 =	vmul.f32 @!p0 v3, v3  }
0x15a: {  	v3 =	vld @!p0 [tilespmem:$0xB10]  }
0x15b: {  	v0 =	vadd.f32 @!p0 v1, v0;
	v1 =	vmul.f32 @!p0 v4, v4  }
0x15c: {  	v4 =	vld @!p0 [tilespmem:$0xB20]  }
0x15d: {  	v0 =	vadd.f32 @!p0 v1, v0;
	v1 =	vmul.f32 @!p0 v2, v2  }
0x15e: {  	v2 =	vld @!p0 [tilespmem:$0xB30]  }
0x15f: {  	v0 =	vadd.f32 @!p0 v1, v0;
	v1 =	vmul.f32 @!p0 v3, v3  }
0x160: {  	v3 =	vld @!p0 [tilespmem:$0xB40]  }
0x161: {  	v0 =	vadd.f32 @!p0 v1, v0;
	v1 =	vmul.f32 @!p0 v4, v4  }
0x162: {  	v4 =	vld @!p0 [tilespmem:$0xB50]  }
0x163: {  	v0 =	vadd.f32 @!p0 v1, v0;
	v1 =	vmul.f32 @!p0 v2, v2  }
0x164: {  	v2 =	vld @!p0 [tilespmem:$0xB60]  }
0x165: {  	v0 =	vadd.f32 @!p0 v1, v0;
	v1 =	vmul.f32 @!p0 v3, v3  }
0x166: {  	v3 =	vld @!p0 [tilespmem:$0xB70]  }
0x167: {  	v0 =	vadd.f32 @!p0 v1, v0;
	v1 =	vmul.f32 @!p0 v4, v4  }
0x168: {  	v4 =	vld @!p0 [tilespmem:$0xB80]  }
0x169: {  	v0 =	vadd.f32 @!p0 v1, v0;
	v1 =	vmul.f32 @!p0 v2, v2  }
0x16a: {  	v2 =	vld @!p0 [tilespmem:$0xB90]  }
0x16b: {  	v0 =	vadd.f32 @!p0 v1, v0;
	v1 =	vmul.f32 @!p0 v3, v3  }
0x16c: {  	v3 =	vld @!p0 [tilespmem:$0xBA0]  }
0x16d: {  	v0 =	vadd.f32 @!p0 v1, v0;
	v1 =	vmul.f32 @!p0 v4, v4  }
0x16e: {  	v4 =	vld @!p0 [tilespmem:$0xBB0]  }
0x16f: {  	v0 =	vadd.f32 @!p0 v1, v0;
	v1 =	vmul.f32 @!p0 v2, v2  }
0x170: {  	v2 =	vld @!p0 [tilespmem:$0xBC0]  }
0x171: {  	v0 =	vadd.f32 @!p0 v1, v0;
	v1 =	vmul.f32 @!p0 v3, v3  }
0x172: {  	v3 =	vld @!p0 [tilespmem:$0xBD0]  }
0x173: {  	v0 =	vadd.f32 @!p0 v1, v0;
	v1 =	vmul.f32 @!p0 v4, v4  }
0x174: {  	v4 =	vld @!p0 [tilespmem:$0xBE0]  }
0x175: {  	v0 =	vadd.f32 @!p0 v1, v0;
	v1 =	vmul.f32 @!p0 v2, v2  }
0x176: {  	v2 =	vld @!p0 [tilespmem:$0xBF0]  }
0x177: {  	v0 =	vadd.f32 @!p0 v1, v0;
	v1 =	vmul.f32 @!p0 v3, v3  }
0x178: {  	v3 =	vld @!p0 [tilespmem:$0xC00]  }
0x179: {  	v0 =	vadd.f32 @!p0 v1, v0;
	v1 =	vmul.f32 @!p0 v4, v4  }
0x17a: {  	v4 =	vld @!p0 [tilespmem:$0xC10]  }
0x17b: {  	v0 =	vadd.f32 @!p0 v1, v0;
	v1 =	vmul.f32 @!p0 v2, v2  }
0x17c: {  	v2 =	vld @!p0 [tilespmem:$0xC20]  }
0x17d: {  	v0 =	vadd.f32 @!p0 v1, v0;
	v1 =	vmul.f32 @!p0 v3, v3  }
0x17e: {  	v3 =	vld @!p0 [tilespmem:$0xC30]  }
0x17f: {  	v0 =	vadd.f32 @!p0 v1, v0;
	v1 =	vmul.f32 @!p0 v4, v4  }
0x180: {  	v4 =	vld @!p0 [tilespmem:$0xC40]  }
0x181: {  	v0 =	vadd.f32 @!p0 v1, v0;
	v1 =	vmul.f32 @!p0 v2, v2  }
0x182: {  	v2 =	vld @!p0 [tilespmem:$0xC50]  }
0x183: {  	v0 =	vadd.f32 @!p0 v1, v0;
	v1 =	vmul.f32 @!p0 v3, v3  }
0x184: {  	v3 =	vld @!p0 [tilespmem:$0xC60]  }
0x185: {  	v0 =	vadd.f32 @!p0 v1, v0;
	v1 =	vmul.f32 @!p0 v4, v4  }
0x186: {  	v4 =	vld @!p0 [tilespmem:$0xC70]  }
0x187: {  	v0 =	vadd.f32 @!p0 v1, v0;
	v1 =	vmul.f32 @!p0 v2, v2  }
0x188: {  	v2 =	vld @!p0 [tilespmem:$0xC80]  }
0x189: {  	v0 =	vadd.f32 @!p0 v1, v0;
	v1 =	vmul.f32 @!p0 v3, v3  }
0x18a: {  	v3 =	vld @!p0 [tilespmem:$0xC90]  }
0x18b: {  	v0 =	vadd.f32 @!p0 v1, v0;
	v1 =	vmul.f32 @!p0 v4, v4  }
0x18c: {  	v4 =	vld @!p0 [tilespmem:$0xCA0]  }
0x18d: {  	v0 =	vadd.f32 @!p0 v1, v0;
	v1 =	vmul.f32 @!p0 v2, v2  }
0x18e: {  	v2 =	vld @!p0 [tilespmem:$0xCB0]  }
0x18f: {  	v0 =	vadd.f32 @!p0 v1, v0;
	v1 =	vmul.f32 @!p0 v3, v3;
	_ =	sdelay $0x1  }
0x190: {  	v0 =	vadd.f32 @!p0 v1, v0;
	v1 =	vmul.f32 @!p0 v4, v4;
	_ =	sdelay $0x1  }
0x191: {  	v0 =	vadd.f32 @!p0 v1, v0;
	v1 =	vmul.f32 @!p0 v2, v2;
	_ =	sdelay $0x1  }
0x192: {  	v0 =	vadd.f32 @!p0 v1, v0  }
0x193: {  	p1 =	sne.s32 @!p0 s4, $0x0;
	s6 =	sshll.u32 @!p0 s4, $0x4  }
0x194: {  	p1 =	por p0, p1;
	s6 =	sadd.s32 @!p0 s6, s3;
	s7 =	simm.s32 @!p0 $0xE00;
	[tilespmem:$0xE00] =	vst @!p0 v0  }
0x195: {  	[spmem:s6] =	stream.linear.scatter @!p0 [tilespmem:s7], [sflag:$0x1], $0x10, $0x38;
	[tilespmem:$0x1550] =	vst v63  }
.Ltmp0:
0x196: {  	_ =	swait.ge @!p0 [sflag:s5], $0x10;
	(pc) =	sbr.rel @p1 .LBB2_2-.Ltmp0, $3  }
0x197: {  	[sflag:s5] =	ssyncset.done @!p0 $0x0  }
0x198: {  	[sflag:s5] =	ssyncadd.s32 @!p0 $0xFFFFFFF0  }
0x199: {  	[bflag:$0x0] =	sbarrier.arrive @!p0 $0xFFFF;
	_ =	sdelay $0x1  }
0x19a: {  	s5 =	simm.s32 $0xD00;
	s14 =	simm.s32 $0x1  }
0x19b: {  	[tilespmem:s5], [sflag:$0x1] =	stream.linear.gather [spmem:s3], $0x100, $0x38;
	[tilespmem:$0x1550] =	vst v63  }
0x19c: {  	_ =	swait.ge [sflag:s14], $0x100  }
0x19d: {  	[sflag:s14] =	ssyncset.done $0x0  }
0x19e: {  	[sflag:s14] =	ssyncadd.s32 $0xFFFFFF00  }
0x19f: {  	v0 =	vld [tilespmem:$0xD00];
	_ =	sdelay $0x1  }
0x1a0: {  	v1 =	vld [tilespmem:$0xD10];
	_ =	sdelay $0x1  }
0x1a1: {  	v2 =	vld [tilespmem:$0xD20]  }
0x1a2: {  	v0 =	vadd.f32 $0.0e+00, v0  }
0x1a3: {  	v3 =	vld [tilespmem:$0xD30]  }
0x1a4: {  	v0 =	vadd.f32 v1, v0  }
0x1a5: {  	v51 =	vld [tilespmem:$0xD40]  }
0x1a6: {  	v0 =	vadd.f32 v2, v0  }
0x1a7: {  	v52 =	vld [tilespmem:$0xD50]  }
0x1a8: {  	v0 =	vadd.f32 v3, v0  }
0x1a9: {  	v53 =	vld [tilespmem:$0xD60]  }
0x1aa: {  	v0 =	vadd.f32 v51, v0  }
0x1ab: {  	v54 =	vld [tilespmem:$0xD70]  }
0x1ac: {  	v0 =	vadd.f32 v52, v0  }
0x1ad: {  	v55 =	vld [tilespmem:$0xD80]  }
0x1ae: {  	v0 =	vadd.f32 v53, v0  }
0x1af: {  	v56 =	vld [tilespmem:$0xD90]  }
0x1b0: {  	v0 =	vadd.f32 v54, v0  }
0x1b1: {  	v57 =	vld [tilespmem:$0xDA0]  }
0x1b2: {  	v0 =	vadd.f32 v55, v0  }
0x1b3: {  	v58 =	vld [tilespmem:$0xDB0]  }
0x1b4: {  	v0 =	vadd.f32 v56, v0  }
0x1b5: {  	v59 =	vld [tilespmem:$0xDC0]  }
0x1b6: {  	v0 =	vadd.f32 v57, v0  }
0x1b7: {  	v60 =	vld [tilespmem:$0xDD0]  }
0x1b8: {  	v0 =	vadd.f32 v58, v0  }
0x1b9: {  	v61 =	vld [tilespmem:$0xDE0]  }
0x1ba: {  	v0 =	vadd.f32 v59, v0  }
0x1bb: {  	v62 =	vld [tilespmem:$0xDF0]  }
0x1bc: {  	v0 =	vadd.f32 v60, v0;
	_ =	sdelay $0x1  }
0x1bd: {  	v0 =	vadd.f32 v61, v0;
	_ =	sdelay $0x1  }
0x1be: {  	v0 =	vadd.f32 v62, v0;
	_ =	sdelay $0x1  }
0x1bf: {  	(v2sf) =	vpush v0, $0x0;
	_ =	sdelay $0x1  }
0x1c0: {  	(v2sf) =	vpush v0, $0x1;
	_ =	sdelay $0x1  }
0x1c1: {  	(v2sf) =	vpush v0, $0x2;
	_ =	sdelay $0x1  }
0x1c2: {  	(v2sf) =	vpush v0, $0x3;
	_ =	sdelay $0x1  }
0x1c3: {  	(v2sf) =	vpush v0, $0x4;
	_ =	sdelay $0x1  }
0x1c4: {  	(v2sf) =	vpush v0, $0x5;
	_ =	sdelay $0x1  }
0x1c5: {  	(v2sf) =	vpush v0, $0x6;
	_ =	sdelay $0x1  }
0x1c6: {  	(v2sf) =	vpush v0, $0x7  }
0x1c7: {  	s15 =	spop (v2sf)  }
0x1c8: {  	(v2sf) =	vpush v0, $0x8;
	s5 =	sadd.f32 $0.0e+00, s15  }
0x1c9: {  	s6 =	spop (v2sf)  }
0x1ca: {  	(v2sf) =	vpush v0, $0x9;
	s5 =	sadd.f32 s5, s6  }
0x1cb: {  	s16 =	spop (v2sf)  }
0x1cc: {  	(v2sf) =	vpush v0, $0xA;
	s5 =	sadd.f32 s5, s16  }
0x1cd: {  	s17 =	spop (v2sf)  }
0x1ce: {  	(v2sf) =	vpush v0, $0xB;
	s5 =	sadd.f32 s5, s17  }
0x1cf: {  	s18 =	spop (v2sf)  }
0x1d0: {  	(v2sf) =	vpush v0, $0xC;
	s5 =	sadd.f32 s5, s18  }
0x1d1: {  	s19 =	spop (v2sf)  }
0x1d2: {  	(v2sf) =	vpush v0, $0xD;
	s5 =	sadd.f32 s5, s19  }
0x1d3: {  	s20 =	spop (v2sf)  }
0x1d4: {  	(v2sf) =	vpush v0, $0xE;
	s5 =	sadd.f32 s5, s20  }
0x1d5: {  	s21 =	spop (v2sf)  }
0x1d6: {  	(v2sf) =	vpush v0, $0xF;
	s5 =	sadd.f32 s5, s21  }
0x1d7: {  	s22 =	spop (v2sf)  }
0x1d8: {  	s5 =	sadd.f32 s5, s22  }
0x1d9: {  	s23 =	spop (v2sf)  }
0x1da: {  	s5 =	sadd.f32 s5, s23  }
0x1db: {  	s24 =	spop (v2sf)  }
0x1dc: {  	s5 =	sadd.f32 s5, s24  }
0x1dd: {  	s25 =	spop (v2sf)  }
0x1de: {  	s5 =	sadd.f32 s5, s25  }
0x1df: {  	s26 =	spop (v2sf)  }
0x1e0: {  	s5 =	sadd.f32 s5, s26  }
0x1e1: {  	s28 =	spop (v2sf)  }
0x1e2: {  	s5 =	sadd.f32 s5, s28  }
0x1e3: {  	s29 =	spop (v2sf)  }
0x1e4: {  	s5 =	sadd.f32 s5, s29  }
0x1e5: {  	s30 =	spop (v2sf)  }
0x1e6: {  	s5 =	sadd.f32 s5, s30;
	_ =	sdelay $0x1  }
0x1e7: {  	s5 =	smul.f32 $3.632664810e-05, s5;
	_ =	sdelay $0x1  }
0x1e8: {  	v63 =	vmov s5  }
0x1e9: {  	s1 =	sadd.s32 $0x1C00, s1;
	s31 =	simm.s32 $0xE00;
	[tilespmem:$0xE00] =	vst v63  }
0x1ea: {  	[hbm4b:s1+s2] =	stream.linear.scatter [tilespmem:s31], [sflag:$0x1], $0x80, $0x38;
	[tilespmem:$0x1550] =	vst v63  }
0x1eb: {  	_ =	swait.ge [sflag:s14], $0x80  }
0x1ec: {  	[sflag:s14] =	ssyncset.done $0x0  }
0x1ed: {  	[sflag:s14] =	ssyncadd.s32 $0xFFFFFF80  }
.LBB2_2:
0x1ee: {  	_ =	sfence.sel $0x180000  }
0x1ef: {  	[bflag:$0x0] =	sbarrier.arrive $0xFFFF  }
0x1f0: {  	p0 =	sne.s32 s4, $0x0;
	_ =	strace $0x90000047  }
0x1f1: {  	s0 =	sadd.s32 @!p0 $0x100000, s0;
	[bflag:$0x2] =	sbarrier.arrive $0xFFFF  }
0x1f2: {  	[sflag:s0] =	ssyncadd.tile.s32 @!p0 $0x1;
	_ =	shalt  }
.Lfunc_end2:
_tile_overlayer_lowered:
.L_overlay_start_2:
0x1f3: {  	(tag) =	ssettag $0x2  }
0x1f4: {  	s0 =	rddreg [dreg:$0x0];
	s2 =	stileid.u32  }
0x1f5: {  	s1 =	rddreg [dreg:$0x1];
	p0 =	sne.s32 s2, $0x0  }
0x1f6: {  	s3 =	rddreg [dreg:$0x2];
	[bflag:$0x3] =	sbarrier.arrive $0xFFFF;
	s2 =	simm.s32 @!p0 $0x1C01  }
0x1f7: {  	[timem:s3], [sflag:s2] =	dma.local @!p0 [hbm:s0], s1  }
0x1f8: {  	s0 =	simm.s32 @!p0 $0x1  }
0x1f9: {  	_ =	swait.ge @!p0 [sflag:s0], s1  }
0x1fa: {  	s1 =	ssub.s32 @!p0 $0x0, s1;
	[sflag:s0] =	ssyncset.done @!p0 $0x0  }
0x1fb: {  	[sflag:s0] =	ssyncadd.s32 @!p0 s1  }
0x1fc: {  	[bflag:$0x3] =	sbarrier.arrive $0xFFFF  }
0x1fd: {  	_ =	shalt  }

</sc_bundles>
